<compile_context>
chip_gen: v7x
topology: tpu7x:2x2x1
jax: 0.10.2.dev20260603
libtpu: 0.0.44.dev20260713+nightly
codegen_flags: <defaults>
</compile_context>

<pallas_src>
import functools

import jax
import jax.numpy as jnp
from jax import lax
from jax.experimental import pallas as pl
from jax.experimental.pallas import tpu as pltpu
from jax.experimental.pallas import tpu_sc as plsc

W_DIM = 64
BATCH = 4096
SEQ = 200
NUM_IDX = BATCH * SEQ
NC, NS = 2, 16
NW = NC * NS
LANE = 128
TP = 129
SG = 1
G = SEQ // SG


def _gather_body(idx_hbm, table_hbm, out_hbm, idx_v, rows0, rows1, tiles0,
                 tiles1, sem_g0, sem_g1, sem_o0, sem_o1):
    w = lax.axis_index("s") * NC + lax.axis_index("c")
    rows_bufs = (rows0, rows1)
    tile_bufs = (tiles0, tiles1)
    gather_sems = (sem_g0, sem_g1)
    out_sems = (sem_o0, sem_o1)

    pltpu.sync_copy(idx_hbm.at[w], idx_v)

    def fire_gathers(t, b):
        for j in range(SG):
            pltpu.async_copy(
                table_hbm.at[idx_v.at[t * SG + j]],
                rows_bufs[b].at[pl.ds(j * LANE, LANE)],
                gather_sems[b],
            )

    def wait_gathers(b):
        for j in range(SG):
            pltpu.make_async_copy(
                table_hbm.at[idx_v.at[0]],
                rows_bufs[b].at[pl.ds(j * LANE, LANE)],
                gather_sems[b],
            ).wait()

    def transpose(b):
        rows = rows_bufs[b]
        tiles = tile_bufs[b]
        iota16 = lax.iota(jnp.int32, 16)
        for sl in range(SG):
            segs = [iota16 + (sl * W_DIM + d0)
                    for d0 in range(0, W_DIM, 16)]

            def load2(tk, sl=sl):
                vals = []
                for u in range(2):
                    bc = tk * 2 + u
                    tok = sl * LANE + bc
                    col = jnp.full((16,), bc, jnp.int32)
                    for d0 in range(0, W_DIM, 16):
                        vals.append((col, rows[tok, pl.ds(d0, 16)]))
                return tuple(vals)

            def store2(vals, segs=segs):
                for i, (col, v) in enumerate(vals):
                    plsc.store_scatter(tiles, [segs[i % 4], col], v)

            def tb(tk, carry):
                nxt = load2(tk)
                store2(carry)
                return nxt

            store2(lax.fori_loop(1, LANE // 2, tb, load2(0)))

    def fire_out(t, b):
        for j in range(SG):
            for dt in range(8):
                r0 = (((t * SG + j) * 8 + dt) * NW + w) * 8
                pltpu.async_copy(
                    tile_bufs[b].at[pl.ds(j * W_DIM + dt * 8, 8),
                                    pl.ds(0, LANE)],
                    out_hbm.at[pl.ds(r0, 8)],
                    out_sems[b],
                )

    def wait_out(t, b):
        for j in range(SG):
            for dt in range(8):
                r0 = (((t * SG + j) * 8 + dt) * NW + w) * 8
                pltpu.make_async_copy(
                    tile_bufs[b].at[pl.ds(j * W_DIM + dt * 8, 8),
                                    pl.ds(0, LANE)],
                    out_hbm.at[pl.ds(r0, 8)],
                    out_sems[b],
                ).wait()

    def substep(t, b):
        @pl.when(t >= 2)
        def _():
            wait_out(t - 2, b)

        fire_gathers(t, b)

        @pl.when(t >= 1)
        def _():
            wait_gathers(1 - b)
            transpose(1 - b)
            fire_out(t - 1, 1 - b)

    def step(tp, carry):
        substep(2 * tp, 0)
        substep(2 * tp + 1, 1)
        return carry

    lax.fori_loop(0, G // 2, step, 0)

    wait_gathers(1)
    transpose(1)
    fire_out(G - 1, 1)
    wait_out(G - 2, 0)
    wait_out(G - 1, 1)


_sc_gather = functools.partial(
    pl.kernel,
    mesh=plsc.VectorSubcoreMesh(core_axis_name="c", subcore_axis_name="s"),
    out_type=jax.ShapeDtypeStruct((SEQ * 8 * NW * 8, LANE), jnp.float32),
    scratch_types=[
        pltpu.VMEM((SEQ, LANE), jnp.int32),
        pltpu.VMEM((SG * LANE, W_DIM), jnp.float32),
        pltpu.VMEM((SG * LANE, W_DIM), jnp.float32),
        pltpu.VMEM((SG * W_DIM, TP), jnp.float32),
        pltpu.VMEM((SG * W_DIM, TP), jnp.float32),
        pltpu.SemaphoreType.DMA,
        pltpu.SemaphoreType.DMA,
        pltpu.SemaphoreType.DMA,
        pltpu.SemaphoreType.DMA,
    ],
    compiler_params=pltpu.CompilerParams(
        use_tc_tiling_on_sc=False, needs_layout_passes=False
    ),
)(_gather_body)


def _mask_body(idx_ref, mask_ref):
    mask_ref[...] = idx_ref[...] != 0


def _make_mask(idx2d):
    return pl.pallas_call(
        _mask_body,
        out_shape=jax.ShapeDtypeStruct(idx2d.shape, jnp.bool_),
    )(idx2d)


def kernel(input_var, w_embedding):
    w_pad = jnp.pad(w_embedding, ((0, 0), (0, W_DIM))).reshape(-1, W_DIM)
    idx_t3 = (input_var * 2).T.reshape(SEQ, NW, LANE).transpose(1, 0, 2)
    out = _sc_gather(idx_t3, w_pad)
    mask = _make_mask(input_var.reshape(NUM_IDX // 128, 128))
    x5 = out.reshape(SEQ, 8, NW, 8, LANE)
    embedded = jnp.transpose(x5, (2, 4, 0, 1, 3)).reshape(BATCH, SEQ, W_DIM)
    src_mask = mask.reshape(BATCH, SEQ)[:, None, None, :]
    return (embedded, src_mask)

# --- scband reference (transcript-rebuilt; emitter-appended) ---
"""Pipeline reference for scband-src-embedding-layer-68006512165196 (READ-ONLY COPY).

The authoritative reference and input builder live on the scoring server;
editing this copy changes nothing except your own understanding.
"""

import jax, jax.numpy as jnp
import numpy as np

W_VOCAB = 1000000
W_DIM = 64
SRC_PAD_IDX = 0

def setup_inputs(seed: int = 0) -> dict:
    key = jax.random.key(seed)
    k1, k2 = jax.random.split(key)
    input_var = jax.random.randint(k1, (4096, 200), 0, W_VOCAB, dtype=jnp.int64 if jax.config.jax_enable_x64 else jnp.int32).astype(jnp.int32)
    w_embedding = jax.random.normal(k2, (W_VOCAB, W_DIM), dtype=jnp.float32) * 0.02
    return {"input_var": input_var, "w_embedding": w_embedding}

def reference(input_var, w_embedding):
    # make_src_mask: (src != pad_idx).unsqueeze(1).unsqueeze(2)
    src_mask = (input_var != SRC_PAD_IDX)[:, None, None, :]
    # word path (model_type='word'): embedding lookup -> view -> dropout(eval = identity)
    batch_size, max_word = input_var.shape
    embedded = jnp.take(w_embedding, input_var, axis=0)
    embedded = embedded.reshape(-1, max_word, W_DIM)
    # nn.Dropout in eval mode is identity
    return (embedded, src_mask)

if __name__ == "__main__":
    import jax
    _d = setup_inputs()
    print(jax.jit(kernel)(*tuple(_d.values())))

</pallas_src>

<mosaic_0001>
#map = affine_map<(d0, d1) -> (0, 0, 0)>
#map1 = affine_map<(d0, d1) -> (0, 0)>
module attributes {stable_mosaic.version = 14 : i64} {
  func.func @_gather_body(%arg0: i32, %arg1: i32, %arg2: memref<32x200x128xi32, #tpu.memory_space<hbm>>, %arg3: memref<2000000x64xf32, #tpu.memory_space<hbm>>, %arg4: memref<409600x128xf32, #tpu.memory_space<hbm>>, %arg5: memref<200x128xi32, #tpu.memory_space<vmem>>, %arg6: memref<128x64xf32, #tpu.memory_space<vmem>>, %arg7: memref<128x64xf32, #tpu.memory_space<vmem>>, %arg8: memref<64x129xf32, #tpu.memory_space<vmem>>, %arg9: memref<64x129xf32, #tpu.memory_space<vmem>>, %arg10: memref<!tpu.dma_semaphore, #tpu.memory_space<semaphore_mem>>, %arg11: memref<!tpu.dma_semaphore, #tpu.memory_space<semaphore_mem>>, %arg12: memref<!tpu.dma_semaphore, #tpu.memory_space<semaphore_mem>>, %arg13: memref<!tpu.dma_semaphore, #tpu.memory_space<semaphore_mem>>) attributes {dimension_semantics = [#tpu.dimension_semantics<core_parallel>, #tpu.dimension_semantics<subcore_parallel>], iteration_bounds = array<i64: 2, 16>, scalar_prefetch = 0 : i64, scratch_operands = 9 : i64, tpu.core_type = #tpu.core_type<sc_vector_subcore>, window_params = [{transform_indices = #map}, {transform_indices = #map1}, {transform_indices = #map1}]} {
    %mul3A = arith.constant 2 : i32
    %mul3A_0 = arith.muli %arg1, %mul3A : i32
    %add3A = arith.addi %mul3A_0, %arg0 : i32
    "tpu.region"() ({
      %run_scoped3A = tpu.sem_alloc : memref<!tpu.dma_semaphore, #tpu.memory_space<semaphore_mem>>
      %dma_start3A_402 = arith.constant 0 : i32
      %dma_start3A_403 = arith.constant 0 : i32
      %dma_start3A_404 = tpu.memref_slice %arg2[%add3A, %dma_start3A_402, %dma_start3A_403] : memref<32x200x128xi32, #tpu.memory_space<hbm>> -> memref<1x200x128xi32, #tpu.memory_space<hbm>>
      %dma_start3A_405 = tpu.memref_squeeze %dma_start3A_404 : memref<1x200x128xi32, #tpu.memory_space<hbm>> -> memref<200x128xi32, #tpu.memory_space<hbm>>
      %dma_start3A_406 = arith.constant 0 : i32
      %dma_start3A_407 = arith.constant 0 : i32
      %dma_start3A_408 = tpu.memref_slice %arg2[%add3A, %dma_start3A_406, %dma_start3A_407] : memref<32x200x128xi32, #tpu.memory_space<hbm>> -> memref<1x200x128xi32, #tpu.memory_space<hbm>>
      %dma_start3A_409 = tpu.memref_squeeze %dma_start3A_408 : memref<1x200x128xi32, #tpu.memory_space<hbm>> -> memref<200x128xi32, #tpu.memory_space<hbm>>
      tpu.enqueue_dma source(%dma_start3A_409 : memref<200x128xi32, #tpu.memory_space<hbm>>) target(%arg5 : memref<200x128xi32, #tpu.memory_space<vmem>>) target_semaphore(%run_scoped3A : memref<!tpu.dma_semaphore, #tpu.memory_space<semaphore_mem>>)
      %dma_wait3A_410 = arith.constant 0 : i32
      %dma_wait3A_411 = arith.constant 0 : i32
      %dma_wait3A_412 = tpu.memref_slice %arg2[%add3A, %dma_wait3A_410, %dma_wait3A_411] : memref<32x200x128xi32, #tpu.memory_space<hbm>> -> memref<1x200x128xi32, #tpu.memory_space<hbm>>
      %dma_wait3A_413 = tpu.memref_squeeze %dma_wait3A_412 : memref<1x200x128xi32, #tpu.memory_space<hbm>> -> memref<200x128xi32, #tpu.memory_space<hbm>>
      %dma_wait3A_414 = arith.constant 0 : i32
      %dma_wait3A_415 = arith.constant 0 : i32
      %dma_wait3A_416 = tpu.memref_slice %arg2[%add3A, %dma_wait3A_414, %dma_wait3A_415] : memref<32x200x128xi32, #tpu.memory_space<hbm>> -> memref<1x200x128xi32, #tpu.memory_space<hbm>>
      %dma_wait3A_417 = tpu.memref_squeeze %dma_wait3A_416 : memref<1x200x128xi32, #tpu.memory_space<hbm>> -> memref<200x128xi32, #tpu.memory_space<hbm>>
      tpu.wait_dma2 semaphore(%run_scoped3A : memref<!tpu.dma_semaphore, #tpu.memory_space<semaphore_mem>>) src(%dma_wait3A_417 : memref<200x128xi32, #tpu.memory_space<hbm>>) dst(%arg5 : memref<200x128xi32, #tpu.memory_space<vmem>>)
      tpu.yield
    }) : () -> ()
    %scan3A = arith.constant 0 : i32
    %scan3A_1 = arith.constant 0 : i32
    %scan3A_2 = arith.constant 100 : i32
    %scan3A_3 = arith.addi %scan3A_1, %scan3A_2 : i32
    %scan3A_4 = arith.constant 1 : i32
    scf.for %scan3A_402 = %scan3A_1 to %scan3A_3 step %scan3A_4  : i32 {
      %mul3A_403 = arith.constant 2 : i32
      %mul3A_404 = arith.muli %mul3A_403, %scan3A_402 : i32
      %ge3A = arith.constant 2 : i32
      %ge3A_405 = arith.cmpi sge, %mul3A_404, %ge3A : i32
      %convert_element_type3A = arith.extui %ge3A_405 : i1 to i32
      %cond3A = arith.constant 0 : i32
      %cond3A_406 = arith.cmpi ne, %convert_element_type3A, %cond3A : i32
      scf.if %cond3A_406 {
        %sub3A = arith.constant 2 : i32
        %sub3A_452 = arith.subi %mul3A_404, %sub3A : i32
        %mul3A_453 = arith.constant 1 : i32
        %mul3A_454 = arith.muli %sub3A_452, %mul3A_453 : i32
        %add3A_455 = arith.constant 0 : i32
        %add3A_456 = arith.addi %mul3A_454, %add3A_455 : i32
        %mul3A_457 = arith.constant 8 : i32
        %mul3A_458 = arith.muli %add3A_456, %mul3A_457 : i32
        %add3A_459 = arith.constant 0 : i32
        %add3A_460 = arith.addi %mul3A_458, %add3A_459 : i32
        %mul3A_461 = arith.constant 32 : i32
        %mul3A_462 = arith.muli %add3A_460, %mul3A_461 : i32
        %add3A_463 = arith.addi %mul3A_462, %add3A : i32
        %mul3A_464 = arith.constant 8 : i32
        %mul3A_465 = arith.muli %add3A_463, %mul3A_464 : i32
        %dma_wait3A_466 = arith.constant 0 : i32
        %dma_wait3A_467 = arith.constant 0 : i32
        %dma_wait3A_468 = tpu.memref_slice %arg8[%dma_wait3A_466, %dma_wait3A_467] : memref<64x129xf32, #tpu.memory_space<vmem>> -> memref<8x128xf32, #tpu.memory_space<vmem>>
        %dma_wait3A_469 = arith.constant 0 : i32
        %dma_wait3A_470 = tpu.memref_slice %arg4[%mul3A_465, %dma_wait3A_469] : memref<409600x128xf32, #tpu.memory_space<hbm>> -> memref<8x128xf32, #tpu.memory_space<hbm>>
        %dma_wait3A_471 = arith.constant 0 : i32
        %dma_wait3A_472 = tpu.memref_slice %arg4[%mul3A_465, %dma_wait3A_471] : memref<409600x128xf32, #tpu.memory_space<hbm>> -> memref<8x128xf32, #tpu.memory_space<hbm>>
        %dma_wait3A_473 = arith.constant 0 : i32
        %dma_wait3A_474 = arith.constant 0 : i32
        %dma_wait3A_475 = tpu.memref_slice %arg8[%dma_wait3A_473, %dma_wait3A_474] : memref<64x129xf32, #tpu.memory_space<vmem>> -> memref<8x128xf32, #tpu.memory_space<vmem>>
        tpu.wait_dma2 semaphore(%arg12 : memref<!tpu.dma_semaphore, #tpu.memory_space<semaphore_mem>>) src(%dma_wait3A_475 : memref<8x128xf32, #tpu.memory_space<vmem>>) dst(%dma_wait3A_472 : memref<8x128xf32, #tpu.memory_space<hbm>>)
        %mul3A_476 = arith.constant 1 : i32
        %mul3A_477 = arith.muli %sub3A_452, %mul3A_476 : i32
        %add3A_478 = arith.constant 0 : i32
        %add3A_479 = arith.addi %mul3A_477, %add3A_478 : i32
        %mul3A_480 = arith.constant 8 : i32
        %mul3A_481 = arith.muli %add3A_479, %mul3A_480 : i32
        %add3A_482 = arith.constant 1 : i32
        %add3A_483 = arith.addi %mul3A_481, %add3A_482 : i32
        %mul3A_484 = arith.constant 32 : i32
        %mul3A_485 = arith.muli %add3A_483, %mul3A_484 : i32
        %add3A_486 = arith.addi %mul3A_485, %add3A : i32
        %mul3A_487 = arith.constant 8 : i32
        %mul3A_488 = arith.muli %add3A_486, %mul3A_487 : i32
        %dma_wait3A_489 = arith.constant 8 : i32
        %dma_wait3A_490 = arith.constant 0 : i32
        %dma_wait3A_491 = tpu.memref_slice %arg8[%dma_wait3A_489, %dma_wait3A_490] : memref<64x129xf32, #tpu.memory_space<vmem>> -> memref<8x128xf32, #tpu.memory_space<vmem>>
        %dma_wait3A_492 = arith.constant 0 : i32
        %dma_wait3A_493 = tpu.memref_slice %arg4[%mul3A_488, %dma_wait3A_492] : memref<409600x128xf32, #tpu.memory_space<hbm>> -> memref<8x128xf32, #tpu.memory_space<hbm>>
        %dma_wait3A_494 = arith.constant 0 : i32
        %dma_wait3A_495 = tpu.memref_slice %arg4[%mul3A_488, %dma_wait3A_494] : memref<409600x128xf32, #tpu.memory_space<hbm>> -> memref<8x128xf32, #tpu.memory_space<hbm>>
        %dma_wait3A_496 = arith.constant 8 : i32
        %dma_wait3A_497 = arith.constant 0 : i32
        %dma_wait3A_498 = tpu.memref_slice %arg8[%dma_wait3A_496, %dma_wait3A_497] : memref<64x129xf32, #tpu.memory_space<vmem>> -> memref<8x128xf32, #tpu.memory_space<vmem>>
        tpu.wait_dma2 semaphore(%arg12 : memref<!tpu.dma_semaphore, #tpu.memory_space<semaphore_mem>>) src(%dma_wait3A_498 : memref<8x128xf32, #tpu.memory_space<vmem>>) dst(%dma_wait3A_495 : memref<8x128xf32, #tpu.memory_space<hbm>>)
        %mul3A_499 = arith.constant 1 : i32
        %mul3A_500 = arith.muli %sub3A_452, %mul3A_499 : i32
        %add3A_501 = arith.constant 0 : i32
        %add3A_502 = arith.addi %mul3A_500, %add3A_501 : i32
        %mul3A_503 = arith.constant 8 : i32
        %mul3A_504 = arith.muli %add3A_502, %mul3A_503 : i32
        %add3A_505 = arith.constant 2 : i32
        %add3A_506 = arith.addi %mul3A_504, %add3A_505 : i32
        %mul3A_507 = arith.constant 32 : i32
        %mul3A_508 = arith.muli %add3A_506, %mul3A_507 : i32
        %add3A_509 = arith.addi %mul3A_508, %add3A : i32
        %mul3A_510 = arith.constant 8 : i32
        %mul3A_511 = arith.muli %add3A_509, %mul3A_510 : i32
        %dma_wait3A_512 = arith.constant 16 : i32
        %dma_wait3A_513 = arith.constant 0 : i32
        %dma_wait3A_514 = tpu.memref_slice %arg8[%dma_wait3A_512, %dma_wait3A_513] : memref<64x129xf32, #tpu.memory_space<vmem>> -> memref<8x128xf32, #tpu.memory_space<vmem>>
        %dma_wait3A_515 = arith.constant 0 : i32
        %dma_wait3A_516 = tpu.memref_slice %arg4[%mul3A_511, %dma_wait3A_515] : memref<409600x128xf32, #tpu.memory_space<hbm>> -> memref<8x128xf32, #tpu.memory_space<hbm>>
        %dma_wait3A_517 = arith.constant 0 : i32
        %dma_wait3A_518 = tpu.memref_slice %arg4[%mul3A_511, %dma_wait3A_517] : memref<409600x128xf32, #tpu.memory_space<hbm>> -> memref<8x128xf32, #tpu.memory_space<hbm>>
        %dma_wait3A_519 = arith.constant 16 : i32
        %dma_wait3A_520 = arith.constant 0 : i32
        %dma_wait3A_521 = tpu.memref_slice %arg8[%dma_wait3A_519, %dma_wait3A_520] : memref<64x129xf32, #tpu.memory_space<vmem>> -> memref<8x128xf32, #tpu.memory_space<vmem>>
        tpu.wait_dma2 semaphore(%arg12 : memref<!tpu.dma_semaphore, #tpu.memory_space<semaphore_mem>>) src(%dma_wait3A_521 : memref<8x128xf32, #tpu.memory_space<vmem>>) dst(%dma_wait3A_518 : memref<8x128xf32, #tpu.memory_space<hbm>>)
        %mul3A_522 = arith.constant 1 : i32
        %mul3A_523 = arith.muli %sub3A_452, %mul3A_522 : i32
        %add3A_524 = arith.constant 0 : i32
        %add3A_525 = arith.addi %mul3A_523, %add3A_524 : i32
        %mul3A_526 = arith.constant 8 : i32
        %mul3A_527 = arith.muli %add3A_525, %mul3A_526 : i32
        %add3A_528 = arith.constant 3 : i32
        %add3A_529 = arith.addi %mul3A_527, %add3A_528 : i32
        %mul3A_530 = arith.constant 32 : i32
        %mul3A_531 = arith.muli %add3A_529, %mul3A_530 : i32
        %add3A_532 = arith.addi %mul3A_531, %add3A : i32
        %mul3A_533 = arith.constant 8 : i32
        %mul3A_534 = arith.muli %add3A_532, %mul3A_533 : i32
        %dma_wait3A_535 = arith.constant 24 : i32
        %dma_wait3A_536 = arith.constant 0 : i32
        %dma_wait3A_537 = tpu.memref_slice %arg8[%dma_wait3A_535, %dma_wait3A_536] : memref<64x129xf32, #tpu.memory_space<vmem>> -> memref<8x128xf32, #tpu.memory_space<vmem>>
        %dma_wait3A_538 = arith.constant 0 : i32
        %dma_wait3A_539 = tpu.memref_slice %arg4[%mul3A_534, %dma_wait3A_538] : memref<409600x128xf32, #tpu.memory_space<hbm>> -> memref<8x128xf32, #tpu.memory_space<hbm>>
        %dma_wait3A_540 = arith.constant 0 : i32
        %dma_wait3A_541 = tpu.memref_slice %arg4[%mul3A_534, %dma_wait3A_540] : memref<409600x128xf32, #tpu.memory_space<hbm>> -> memref<8x128xf32, #tpu.memory_space<hbm>>
        %dma_wait3A_542 = arith.constant 24 : i32
        %dma_wait3A_543 = arith.constant 0 : i32
        %dma_wait3A_544 = tpu.memref_slice %arg8[%dma_wait3A_542, %dma_wait3A_543] : memref<64x129xf32, #tpu.memory_space<vmem>> -> memref<8x128xf32, #tpu.memory_space<vmem>>
        tpu.wait_dma2 semaphore(%arg12 : memref<!tpu.dma_semaphore, #tpu.memory_space<semaphore_mem>>) src(%dma_wait3A_544 : memref<8x128xf32, #tpu.memory_space<vmem>>) dst(%dma_wait3A_541 : memref<8x128xf32, #tpu.memory_space<hbm>>)
        %mul3A_545 = arith.constant 1 : i32
        %mul3A_546 = arith.muli %sub3A_452, %mul3A_545 : i32
        %add3A_547 = arith.constant 0 : i32
        %add3A_548 = arith.addi %mul3A_546, %add3A_547 : i32
        %mul3A_549 = arith.constant 8 : i32
        %mul3A_550 = arith.muli %add3A_548, %mul3A_549 : i32
        %add3A_551 = arith.constant 4 : i32
        %add3A_552 = arith.addi %mul3A_550, %add3A_551 : i32
        %mul3A_553 = arith.constant 32 : i32
        %mul3A_554 = arith.muli %add3A_552, %mul3A_553 : i32
        %add3A_555 = arith.addi %mul3A_554, %add3A : i32
        %mul3A_556 = arith.constant 8 : i32
        %mul3A_557 = arith.muli %add3A_555, %mul3A_556 : i32
        %dma_wait3A_558 = arith.constant 32 : i32
        %dma_wait3A_559 = arith.constant 0 : i32
        %dma_wait3A_560 = tpu.memref_slice %arg8[%dma_wait3A_558, %dma_wait3A_559] : memref<64x129xf32, #tpu.memory_space<vmem>> -> memref<8x128xf32, #tpu.memory_space<vmem>>
        %dma_wait3A_561 = arith.constant 0 : i32
        %dma_wait3A_562 = tpu.memref_slice %arg4[%mul3A_557, %dma_wait3A_561] : memref<409600x128xf32, #tpu.memory_space<hbm>> -> memref<8x128xf32, #tpu.memory_space<hbm>>
        %dma_wait3A_563 = arith.constant 0 : i32
        %dma_wait3A_564 = tpu.memref_slice %arg4[%mul3A_557, %dma_wait3A_563] : memref<409600x128xf32, #tpu.memory_space<hbm>> -> memref<8x128xf32, #tpu.memory_space<hbm>>
        %dma_wait3A_565 = arith.constant 32 : i32
        %dma_wait3A_566 = arith.constant 0 : i32
        %dma_wait3A_567 = tpu.memref_slice %arg8[%dma_wait3A_565, %dma_wait3A_566] : memref<64x129xf32, #tpu.memory_space<vmem>> -> memref<8x128xf32, #tpu.memory_space<vmem>>
        tpu.wait_dma2 semaphore(%arg12 : memref<!tpu.dma_semaphore, #tpu.memory_space<semaphore_mem>>) src(%dma_wait3A_567 : memref<8x128xf32, #tpu.memory_space<vmem>>) dst(%dma_wait3A_564 : memref<8x128xf32, #tpu.memory_space<hbm>>)
        %mul3A_568 = arith.constant 1 : i32
        %mul3A_569 = arith.muli %sub3A_452, %mul3A_568 : i32
        %add3A_570 = arith.constant 0 : i32
        %add3A_571 = arith.addi %mul3A_569, %add3A_570 : i32
        %mul3A_572 = arith.constant 8 : i32
        %mul3A_573 = arith.muli %add3A_571, %mul3A_572 : i32
        %add3A_574 = arith.constant 5 : i32
        %add3A_575 = arith.addi %mul3A_573, %add3A_574 : i32
        %mul3A_576 = arith.constant 32 : i32
        %mul3A_577 = arith.muli %add3A_575, %mul3A_576 : i32
        %add3A_578 = arith.addi %mul3A_577, %add3A : i32
        %mul3A_579 = arith.constant 8 : i32
        %mul3A_580 = arith.muli %add3A_578, %mul3A_579 : i32
        %dma_wait3A_581 = arith.constant 40 : i32
        %dma_wait3A_582 = arith.constant 0 : i32
        %dma_wait3A_583 = tpu.memref_slice %arg8[%dma_wait3A_581, %dma_wait3A_582] : memref<64x129xf32, #tpu.memory_space<vmem>> -> memref<8x128xf32, #tpu.memory_space<vmem>>
        %dma_wait3A_584 = arith.constant 0 : i32
        %dma_wait3A_585 = tpu.memref_slice %arg4[%mul3A_580, %dma_wait3A_584] : memref<409600x128xf32, #tpu.memory_space<hbm>> -> memref<8x128xf32, #tpu.memory_space<hbm>>
        %dma_wait3A_586 = arith.constant 0 : i32
        %dma_wait3A_587 = tpu.memref_slice %arg4[%mul3A_580, %dma_wait3A_586] : memref<409600x128xf32, #tpu.memory_space<hbm>> -> memref<8x128xf32, #tpu.memory_space<hbm>>
        %dma_wait3A_588 = arith.constant 40 : i32
        %dma_wait3A_589 = arith.constant 0 : i32
        %dma_wait3A_590 = tpu.memref_slice %arg8[%dma_wait3A_588, %dma_wait3A_589] : memref<64x129xf32, #tpu.memory_space<vmem>> -> memref<8x128xf32, #tpu.memory_space<vmem>>
        tpu.wait_dma2 semaphore(%arg12 : memref<!tpu.dma_semaphore, #tpu.memory_space<semaphore_mem>>) src(%dma_wait3A_590 : memref<8x128xf32, #tpu.memory_space<vmem>>) dst(%dma_wait3A_587 : memref<8x128xf32, #tpu.memory_space<hbm>>)
        %mul3A_591 = arith.constant 1 : i32
        %mul3A_592 = arith.muli %sub3A_452, %mul3A_591 : i32
        %add3A_593 = arith.constant 0 : i32
        %add3A_594 = arith.addi %mul3A_592, %add3A_593 : i32
        %mul3A_595 = arith.constant 8 : i32
        %mul3A_596 = arith.muli %add3A_594, %mul3A_595 : i32
        %add3A_597 = arith.constant 6 : i32
        %add3A_598 = arith.addi %mul3A_596, %add3A_597 : i32
        %mul3A_599 = arith.constant 32 : i32
        %mul3A_600 = arith.muli %add3A_598, %mul3A_599 : i32
        %add3A_601 = arith.addi %mul3A_600, %add3A : i32
        %mul3A_602 = arith.constant 8 : i32
        %mul3A_603 = arith.muli %add3A_601, %mul3A_602 : i32
        %dma_wait3A_604 = arith.constant 48 : i32
        %dma_wait3A_605 = arith.constant 0 : i32
        %dma_wait3A_606 = tpu.memref_slice %arg8[%dma_wait3A_604, %dma_wait3A_605] : memref<64x129xf32, #tpu.memory_space<vmem>> -> memref<8x128xf32, #tpu.memory_space<vmem>>
        %dma_wait3A_607 = arith.constant 0 : i32
        %dma_wait3A_608 = tpu.memref_slice %arg4[%mul3A_603, %dma_wait3A_607] : memref<409600x128xf32, #tpu.memory_space<hbm>> -> memref<8x128xf32, #tpu.memory_space<hbm>>
        %dma_wait3A_609 = arith.constant 0 : i32
        %dma_wait3A_610 = tpu.memref_slice %arg4[%mul3A_603, %dma_wait3A_609] : memref<409600x128xf32, #tpu.memory_space<hbm>> -> memref<8x128xf32, #tpu.memory_space<hbm>>
        %dma_wait3A_611 = arith.constant 48 : i32
        %dma_wait3A_612 = arith.constant 0 : i32
        %dma_wait3A_613 = tpu.memref_slice %arg8[%dma_wait3A_611, %dma_wait3A_612] : memref<64x129xf32, #tpu.memory_space<vmem>> -> memref<8x128xf32, #tpu.memory_space<vmem>>
        tpu.wait_dma2 semaphore(%arg12 : memref<!tpu.dma_semaphore, #tpu.memory_space<semaphore_mem>>) src(%dma_wait3A_613 : memref<8x128xf32, #tpu.memory_space<vmem>>) dst(%dma_wait3A_610 : memref<8x128xf32, #tpu.memory_space<hbm>>)
        %mul3A_614 = arith.constant 1 : i32
        %mul3A_615 = arith.muli %sub3A_452, %mul3A_614 : i32
        %add3A_616 = arith.constant 0 : i32
        %add3A_617 = arith.addi %mul3A_615, %add3A_616 : i32
        %mul3A_618 = arith.constant 8 : i32
        %mul3A_619 = arith.muli %add3A_617, %mul3A_618 : i32
        %add3A_620 = arith.constant 7 : i32
        %add3A_621 = arith.addi %mul3A_619, %add3A_620 : i32
        %mul3A_622 = arith.constant 32 : i32
        %mul3A_623 = arith.muli %add3A_621, %mul3A_622 : i32
        %add3A_624 = arith.addi %mul3A_623, %add3A : i32
        %mul3A_625 = arith.constant 8 : i32
        %mul3A_626 = arith.muli %add3A_624, %mul3A_625 : i32
        %dma_wait3A_627 = arith.constant 56 : i32
        %dma_wait3A_628 = arith.constant 0 : i32
        %dma_wait3A_629 = tpu.memref_slice %arg8[%dma_wait3A_627, %dma_wait3A_628] : memref<64x129xf32, #tpu.memory_space<vmem>> -> memref<8x128xf32, #tpu.memory_space<vmem>>
        %dma_wait3A_630 = arith.constant 0 : i32
        %dma_wait3A_631 = tpu.memref_slice %arg4[%mul3A_626, %dma_wait3A_630] : memref<409600x128xf32, #tpu.memory_space<hbm>> -> memref<8x128xf32, #tpu.memory_space<hbm>>
        %dma_wait3A_632 = arith.constant 0 : i32
        %dma_wait3A_633 = tpu.memref_slice %arg4[%mul3A_626, %dma_wait3A_632] : memref<409600x128xf32, #tpu.memory_space<hbm>> -> memref<8x128xf32, #tpu.memory_space<hbm>>
        %dma_wait3A_634 = arith.constant 56 : i32
        %dma_wait3A_635 = arith.constant 0 : i32
        %dma_wait3A_636 = tpu.memref_slice %arg8[%dma_wait3A_634, %dma_wait3A_635] : memref<64x129xf32, #tpu.memory_space<vmem>> -> memref<8x128xf32, #tpu.memory_space<vmem>>
        tpu.wait_dma2 semaphore(%arg12 : memref<!tpu.dma_semaphore, #tpu.memory_space<semaphore_mem>>) src(%dma_wait3A_636 : memref<8x128xf32, #tpu.memory_space<vmem>>) dst(%dma_wait3A_633 : memref<8x128xf32, #tpu.memory_space<hbm>>)
      } else {
      }
      %mul3A_407 = arith.constant 1 : i32
      %mul3A_408 = arith.muli %mul3A_404, %mul3A_407 : i32
      %add3A_409 = arith.constant 0 : i32
      %add3A_410 = arith.addi %mul3A_408, %add3A_409 : i32
      %dma_start3A_411 = arith.constant 0 : i32
      %dma_start3A_412 = arith.constant 0 : i32
      %dma_start3A_413 = tpu.memref_slice %arg6[%dma_start3A_411, %dma_start3A_412] : memref<128x64xf32, #tpu.memory_space<vmem>> -> memref<128x64xf32, #tpu.memory_space<vmem>>
      %dma_start3A_414 = arith.constant 0 : i32
      %dma_start3A_415 = tpu.memref_slice %arg5[%add3A_410, %dma_start3A_414] : memref<200x128xi32, #tpu.memory_space<vmem>> -> memref<1x128xi32, #tpu.memory_space<vmem>>
      %dma_start3A_416 = tpu.memref_squeeze %dma_start3A_415 : memref<1x128xi32, #tpu.memory_space<vmem>> -> memref<128xi32, #tpu.memory_space<vmem>>
      %dma_start3A_417 = arith.constant 0 : i32
      %dma_start3A_418 = arith.constant 0 : i32
      %dma_start3A_419 = tpu.memref_slice %arg3[%dma_start3A_417, %dma_start3A_418] : memref<2000000x64xf32, #tpu.memory_space<hbm>> -> memref<2000000x64xf32, #tpu.memory_space<hbm>>
      tpu.enqueue_indirect_dma source(%dma_start3A_419 : memref<2000000x64xf32, #tpu.memory_space<hbm>>) target(%dma_start3A_413 : memref<128x64xf32, #tpu.memory_space<vmem>>) offsets(%dma_start3A_416 : memref<128xi32, #tpu.memory_space<vmem>>) semaphore(%arg10 : memref<!tpu.dma_semaphore, #tpu.memory_space<semaphore_mem>>)
      %ge3A_420 = arith.constant 1 : i32
      %ge3A_421 = arith.cmpi sge, %mul3A_404, %ge3A_420 : i32
      %convert_element_type3A_422 = arith.extui %ge3A_421 : i1 to i32
      %cond3A_423 = arith.constant 0 : i32
      %cond3A_424 = arith.cmpi ne, %convert_element_type3A_422, %cond3A_423 : i32
      scf.if %cond3A_424 {
        %dma_wait3A_452 = arith.constant 0 : i32
        %dma_wait3A_453 = arith.constant 0 : i32
        %dma_wait3A_454 = arith.constant 0 : i32
        %dma_wait3A_455 = tpu.memref_slice %arg7[%dma_wait3A_453, %dma_wait3A_454] : memref<128x64xf32, #tpu.memory_space<vmem>> -> memref<128x64xf32, #tpu.memory_space<vmem>>
        %dma_wait3A_456 = arith.constant 0 : i32
        %dma_wait3A_457 = tpu.memref_slice %arg5[%dma_wait3A_452, %dma_wait3A_456] : memref<200x128xi32, #tpu.memory_space<vmem>> -> memref<1x128xi32, #tpu.memory_space<vmem>>
        %dma_wait3A_458 = tpu.memref_squeeze %dma_wait3A_457 : memref<1x128xi32, #tpu.memory_space<vmem>> -> memref<128xi32, #tpu.memory_space<vmem>>
        %dma_wait3A_459 = arith.constant 0 : i32
        %dma_wait3A_460 = arith.constant 0 : i32
        %dma_wait3A_461 = tpu.memref_slice %arg3[%dma_wait3A_459, %dma_wait3A_460] : memref<2000000x64xf32, #tpu.memory_space<hbm>> -> memref<2000000x64xf32, #tpu.memory_space<hbm>>
        tpu.wait_indirect_dma semaphore(%arg11 : memref<!tpu.dma_semaphore, #tpu.memory_space<semaphore_mem>>) src(%dma_wait3A_461 : memref<2000000x64xf32, #tpu.memory_space<hbm>>) dst(%dma_wait3A_455 : memref<128x64xf32, #tpu.memory_space<vmem>>)
        %iota3A_462 = tpu.iota {dimensions = array<i32: 0>} : vector<16xi32>
        %add3A_463 = arith.constant 0 : i32
        %add3A_464 = vector.broadcast %add3A_463 : i32 to vector<16xi32>
        %add3A_465 = arith.addi %iota3A_462, %add3A_464 : vector<16xi32>
        %add3A_466 = arith.constant 16 : i32
        %add3A_467 = vector.broadcast %add3A_466 : i32 to vector<16xi32>
        %add3A_468 = arith.addi %iota3A_462, %add3A_467 : vector<16xi32>
        %add3A_469 = arith.constant 32 : i32
        %add3A_470 = vector.broadcast %add3A_469 : i32 to vector<16xi32>
        %add3A_471 = arith.addi %iota3A_462, %add3A_470 : vector<16xi32>
        %add3A_472 = arith.constant 48 : i32
        %add3A_473 = vector.broadcast %add3A_472 : i32 to vector<16xi32>
        %add3A_474 = arith.addi %iota3A_462, %add3A_473 : vector<16xi32>
        %broadcast_in_dim3A_475 = arith.constant 0 : i32
        %broadcast_in_dim3A_476 = vector.broadcast %broadcast_in_dim3A_475 : i32 to vector<16xi32>
        %get3A_477 = arith.constant 0 : i32
        %get3A_478 = arith.index_cast %get3A_477 : i32 to index
        %get3A_479 = arith.constant 0 : index
        %get3A_480 = tpu.vector_load %arg7[%get3A_478, %get3A_479] {strides = array<i32>} : memref<128x64xf32, #tpu.memory_space<vmem>>, vector<16xf32>,
        %get3A_481 = arith.constant 0 : i32
        %get3A_482 = arith.index_cast %get3A_481 : i32 to index
        %get3A_483 = arith.constant 16 : index
        %get3A_484 = tpu.vector_load %arg7[%get3A_482, %get3A_483] {strides = array<i32>} : memref<128x64xf32, #tpu.memory_space<vmem>>, vector<16xf32>,
        %get3A_485 = arith.constant 0 : i32
        %get3A_486 = arith.index_cast %get3A_485 : i32 to index
        %get3A_487 = arith.constant 32 : index
        %get3A_488 = tpu.vector_load %arg7[%get3A_486, %get3A_487] {strides = array<i32>} : memref<128x64xf32, #tpu.memory_space<vmem>>, vector<16xf32>,
        %get3A_489 = arith.constant 0 : i32
        %get3A_490 = arith.index_cast %get3A_489 : i32 to index
        %get3A_491 = arith.constant 48 : index
        %get3A_492 = tpu.vector_load %arg7[%get3A_490, %get3A_491] {strides = array<i32>} : memref<128x64xf32, #tpu.memory_space<vmem>>, vector<16xf32>,
        %broadcast_in_dim3A_493 = arith.constant 1 : i32
        %broadcast_in_dim3A_494 = vector.broadcast %broadcast_in_dim3A_493 : i32 to vector<16xi32>
        %get3A_495 = arith.constant 1 : i32
        %get3A_496 = arith.index_cast %get3A_495 : i32 to index
        %get3A_497 = arith.constant 0 : index
        %get3A_498 = tpu.vector_load %arg7[%get3A_496, %get3A_497] {strides = array<i32>} : memref<128x64xf32, #tpu.memory_space<vmem>>, vector<16xf32>,
        %get3A_499 = arith.constant 1 : i32
        %get3A_500 = arith.index_cast %get3A_499 : i32 to index
        %get3A_501 = arith.constant 16 : index
        %get3A_502 = tpu.vector_load %arg7[%get3A_500, %get3A_501] {strides = array<i32>} : memref<128x64xf32, #tpu.memory_space<vmem>>, vector<16xf32>,
        %get3A_503 = arith.constant 1 : i32
        %get3A_504 = arith.index_cast %get3A_503 : i32 to index
        %get3A_505 = arith.constant 32 : index
        %get3A_506 = tpu.vector_load %arg7[%get3A_504, %get3A_505] {strides = array<i32>} : memref<128x64xf32, #tpu.memory_space<vmem>>, vector<16xf32>,
        %get3A_507 = arith.constant 1 : i32
        %get3A_508 = arith.index_cast %get3A_507 : i32 to index
        %get3A_509 = arith.constant 48 : index
        %get3A_510 = tpu.vector_load %arg7[%get3A_508, %get3A_509] {strides = array<i32>} : memref<128x64xf32, #tpu.memory_space<vmem>>, vector<16xf32>,
        %scan3A_511 = arith.constant 1 : i32
        %scan3A_512 = arith.constant 63 : i32
        %scan3A_513 = arith.addi %scan3A_511, %scan3A_512 : i32
        %scan3A_514 = arith.constant 1 : i32
        %scan3A_515:16 = scf.for %scan3A_702 = %scan3A_511 to %scan3A_513 step %scan3A_514 iter_args(%scan3A_703 = %broadcast_in_dim3A_476, %scan3A_704 = %get3A_480, %scan3A_705 = %broadcast_in_dim3A_476, %scan3A_706 = %get3A_484, %scan3A_707 = %broadcast_in_dim3A_476, %scan3A_708 = %get3A_488, %scan3A_709 = %broadcast_in_dim3A_476, %scan3A_710 = %get3A_492, %scan3A_711 = %broadcast_in_dim3A_494, %scan3A_712 = %get3A_498, %scan3A_713 = %broadcast_in_dim3A_494, %scan3A_714 = %get3A_502, %scan3A_715 = %broadcast_in_dim3A_494, %scan3A_716 = %get3A_506, %scan3A_717 = %broadcast_in_dim3A_494, %scan3A_718 = %get3A_510) -> (vector<16xi32>, vector<16xf32>, vector<16xi32>, vector<16xf32>, vector<16xi32>, vector<16xf32>, vector<16xi32>, vector<16xf32>, vector<16xi32>, vector<16xf32>, vector<16xi32>, vector<16xf32>, vector<16xi32>, vector<16xf32>, vector<16xi32>, vector<16xf32>)  : i32 {
          %mul3A_719 = arith.constant 2 : i32
          %mul3A_720 = arith.muli %scan3A_702, %mul3A_719 : i32
          %add3A_721 = arith.constant 0 : i32
          %add3A_722 = arith.addi %mul3A_720, %add3A_721 : i32
          %add3A_723 = arith.constant 0 : i32
          %add3A_724 = arith.addi %add3A_723, %add3A_722 : i32
          %broadcast_in_dim3A_725 = vector.broadcast %add3A_722 : i32 to vector<16xi32>
          %get3A_726 = arith.index_cast %add3A_724 : i32 to index
          %get3A_727 = arith.constant 0 : index
          %get3A_728 = tpu.vector_load %arg7[%get3A_726, %get3A_727] {strides = array<i32>} : memref<128x64xf32, #tpu.memory_space<vmem>>, vector<16xf32>,
          %get3A_729 = arith.index_cast %add3A_724 : i32 to index
          %get3A_730 = arith.constant 16 : index
          %get3A_731 = tpu.vector_load %arg7[%get3A_729, %get3A_730] {strides = array<i32>} : memref<128x64xf32, #tpu.memory_space<vmem>>, vector<16xf32>,
          %get3A_732 = arith.index_cast %add3A_724 : i32 to index
          %get3A_733 = arith.constant 32 : index
          %get3A_734 = tpu.vector_load %arg7[%get3A_732, %get3A_733] {strides = array<i32>} : memref<128x64xf32, #tpu.memory_space<vmem>>, vector<16xf32>,
          %get3A_735 = arith.index_cast %add3A_724 : i32 to index
          %get3A_736 = arith.constant 48 : index
          %get3A_737 = tpu.vector_load %arg7[%get3A_735, %get3A_736] {strides = array<i32>} : memref<128x64xf32, #tpu.memory_space<vmem>>, vector<16xf32>,
          %mul3A_738 = arith.constant 2 : i32
          %mul3A_739 = arith.muli %scan3A_702, %mul3A_738 : i32
          %add3A_740 = arith.constant 1 : i32
          %add3A_741 = arith.addi %mul3A_739, %add3A_740 : i32
          %add3A_742 = arith.constant 0 : i32
          %add3A_743 = arith.addi %add3A_742, %add3A_741 : i32
          %broadcast_in_dim3A_744 = vector.broadcast %add3A_741 : i32 to vector<16xi32>
          %get3A_745 = arith.index_cast %add3A_743 : i32 to index
          %get3A_746 = arith.constant 0 : index
          %get3A_747 = tpu.vector_load %arg7[%get3A_745, %get3A_746] {strides = array<i32>} : memref<128x64xf32, #tpu.memory_space<vmem>>, vector<16xf32>,
          %get3A_748 = arith.index_cast %add3A_743 : i32 to index
          %get3A_749 = arith.constant 16 : index
          %get3A_750 = tpu.vector_load %arg7[%get3A_748, %get3A_749] {strides = array<i32>} : memref<128x64xf32, #tpu.memory_space<vmem>>, vector<16xf32>,
          %get3A_751 = arith.index_cast %add3A_743 : i32 to index
          %get3A_752 = arith.constant 32 : index
          %get3A_753 = tpu.vector_load %arg7[%get3A_751, %get3A_752] {strides = array<i32>} : memref<128x64xf32, #tpu.memory_space<vmem>>, vector<16xf32>,
          %get3A_754 = arith.index_cast %add3A_743 : i32 to index
          %get3A_755 = arith.constant 48 : index
          %get3A_756 = tpu.vector_load %arg7[%get3A_754, %get3A_755] {strides = array<i32>} : memref<128x64xf32, #tpu.memory_space<vmem>>, vector<16xf32>,
          tpu.vector_store_idx %arg9[%add3A_465, %scan3A_703], %scan3A_704 : memref<64x129xf32, #tpu.memory_space<vmem>>[vector<16xi32>, vector<16xi32>], vector<16xf32>,
          tpu.vector_store_idx %arg9[%add3A_468, %scan3A_705], %scan3A_706 : memref<64x129xf32, #tpu.memory_space<vmem>>[vector<16xi32>, vector<16xi32>], vector<16xf32>,
          tpu.vector_store_idx %arg9[%add3A_471, %scan3A_707], %scan3A_708 : memref<64x129xf32, #tpu.memory_space<vmem>>[vector<16xi32>, vector<16xi32>], vector<16xf32>,
          tpu.vector_store_idx %arg9[%add3A_474, %scan3A_709], %scan3A_710 : memref<64x129xf32, #tpu.memory_space<vmem>>[vector<16xi32>, vector<16xi32>], vector<16xf32>,
          tpu.vector_store_idx %arg9[%add3A_465, %scan3A_711], %scan3A_712 : memref<64x129xf32, #tpu.memory_space<vmem>>[vector<16xi32>, vector<16xi32>], vector<16xf32>,
          tpu.vector_store_idx %arg9[%add3A_468, %scan3A_713], %scan3A_714 : memref<64x129xf32, #tpu.memory_space<vmem>>[vector<16xi32>, vector<16xi32>], vector<16xf32>,
          tpu.vector_store_idx %arg9[%add3A_471, %scan3A_715], %scan3A_716 : memref<64x129xf32, #tpu.memory_space<vmem>>[vector<16xi32>, vector<16xi32>], vector<16xf32>,
          tpu.vector_store_idx %arg9[%add3A_474, %scan3A_717], %scan3A_718 : memref<64x129xf32, #tpu.memory_space<vmem>>[vector<16xi32>, vector<16xi32>], vector<16xf32>,
          scf.yield %broadcast_in_dim3A_725, %get3A_728, %broadcast_in_dim3A_725, %get3A_731, %broadcast_in_dim3A_725, %get3A_734, %broadcast_in_dim3A_725, %get3A_737, %broadcast_in_dim3A_744, %get3A_747, %broadcast_in_dim3A_744, %get3A_750, %broadcast_in_dim3A_744, %get3A_753, %broadcast_in_dim3A_744, %get3A_756 : vector<16xi32>, vector<16xf32>, vector<16xi32>, vector<16xf32>, vector<16xi32>, vector<16xf32>, vector<16xi32>, vector<16xf32>, vector<16xi32>, vector<16xf32>, vector<16xi32>, vector<16xf32>, vector<16xi32>, vector<16xf32>, vector<16xi32>, vector<16xf32>
        }
        %scan3A_516 = arith.constant 63 : i32
        tpu.vector_store_idx %arg9[%add3A_465, %scan3A_515#0], %scan3A_515#1 : memref<64x129xf32, #tpu.memory_space<vmem>>[vector<16xi32>, vector<16xi32>], vector<16xf32>,
        tpu.vector_store_idx %arg9[%add3A_468, %scan3A_515#2], %scan3A_515#3 : memref<64x129xf32, #tpu.memory_space<vmem>>[vector<16xi32>, vector<16xi32>], vector<16xf32>,
        tpu.vector_store_idx %arg9[%add3A_471, %scan3A_515#4], %scan3A_515#5 : memref<64x129xf32, #tpu.memory_space<vmem>>[vector<16xi32>, vector<16xi32>], vector<16xf32>,
        tpu.vector_store_idx %arg9[%add3A_474, %scan3A_515#6], %scan3A_515#7 : memref<64x129xf32, #tpu.memory_space<vmem>>[vector<16xi32>, vector<16xi32>], vector<16xf32>,
        tpu.vector_store_idx %arg9[%add3A_465, %scan3A_515#8], %scan3A_515#9 : memref<64x129xf32, #tpu.memory_space<vmem>>[vector<16xi32>, vector<16xi32>], vector<16xf32>,
        tpu.vector_store_idx %arg9[%add3A_468, %scan3A_515#10], %scan3A_515#11 : memref<64x129xf32, #tpu.memory_space<vmem>>[vector<16xi32>, vector<16xi32>], vector<16xf32>,
        tpu.vector_store_idx %arg9[%add3A_471, %scan3A_515#12], %scan3A_515#13 : memref<64x129xf32, #tpu.memory_space<vmem>>[vector<16xi32>, vector<16xi32>], vector<16xf32>,
        tpu.vector_store_idx %arg9[%add3A_474, %scan3A_515#14], %scan3A_515#15 : memref<64x129xf32, #tpu.memory_space<vmem>>[vector<16xi32>, vector<16xi32>], vector<16xf32>,
        %sub3A = arith.constant 1 : i32
        %sub3A_517 = arith.subi %mul3A_404, %sub3A : i32
        %mul3A_518 = arith.constant 1 : i32
        %mul3A_519 = arith.muli %sub3A_517, %mul3A_518 : i32
        %add3A_520 = arith.constant 0 : i32
        %add3A_521 = arith.addi %mul3A_519, %add3A_520 : i32
        %mul3A_522 = arith.constant 8 : i32
        %mul3A_523 = arith.muli %add3A_521, %mul3A_522 : i32
        %add3A_524 = arith.constant 0 : i32
        %add3A_525 = arith.addi %mul3A_523, %add3A_524 : i32
        %mul3A_526 = arith.constant 32 : i32
        %mul3A_527 = arith.muli %add3A_525, %mul3A_526 : i32
        %add3A_528 = arith.addi %mul3A_527, %add3A : i32
        %mul3A_529 = arith.constant 8 : i32
        %mul3A_530 = arith.muli %add3A_528, %mul3A_529 : i32
        %dma_start3A_531 = arith.constant 0 : i32
        %dma_start3A_532 = arith.constant 0 : i32
        %dma_start3A_533 = tpu.memref_slice %arg9[%dma_start3A_531, %dma_start3A_532] : memref<64x129xf32, #tpu.memory_space<vmem>> -> memref<8x128xf32, #tpu.memory_space<vmem>>
        %dma_start3A_534 = arith.constant 0 : i32
        %dma_start3A_535 = tpu.memref_slice %arg4[%mul3A_530, %dma_start3A_534] : memref<409600x128xf32, #tpu.memory_space<hbm>> -> memref<8x128xf32, #tpu.memory_space<hbm>>
        %dma_start3A_536 = arith.constant 0 : i32
        %dma_start3A_537 = tpu.memref_slice %arg4[%mul3A_530, %dma_start3A_536] : memref<409600x128xf32, #tpu.memory_space<hbm>> -> memref<8x128xf32, #tpu.memory_space<hbm>>
        %dma_start3A_538 = arith.constant 0 : i32
        %dma_start3A_539 = arith.constant 0 : i32
        %dma_start3A_540 = tpu.memref_slice %arg9[%dma_start3A_538, %dma_start3A_539] : memref<64x129xf32, #tpu.memory_space<vmem>> -> memref<8x128xf32, #tpu.memory_space<vmem>>
        tpu.enqueue_dma source(%dma_start3A_540 : memref<8x128xf32, #tpu.memory_space<vmem>>) target(%dma_start3A_537 : memref<8x128xf32, #tpu.memory_space<hbm>>) target_semaphore(%arg13 : memref<!tpu.dma_semaphore, #tpu.memory_space<semaphore_mem>>)
        %mul3A_541 = arith.constant 1 : i32
        %mul3A_542 = arith.muli %sub3A_517, %mul3A_541 : i32
        %add3A_543 = arith.constant 0 : i32
        %add3A_544 = arith.addi %mul3A_542, %add3A_543 : i32
        %mul3A_545 = arith.constant 8 : i32
        %mul3A_546 = arith.muli %add3A_544, %mul3A_545 : i32
        %add3A_547 = arith.constant 1 : i32
        %add3A_548 = arith.addi %mul3A_546, %add3A_547 : i32
        %mul3A_549 = arith.constant 32 : i32
        %mul3A_550 = arith.muli %add3A_548, %mul3A_549 : i32
        %add3A_551 = arith.addi %mul3A_550, %add3A : i32
        %mul3A_552 = arith.constant 8 : i32
        %mul3A_553 = arith.muli %add3A_551, %mul3A_552 : i32
        %dma_start3A_554 = arith.constant 8 : i32
        %dma_start3A_555 = arith.constant 0 : i32
        %dma_start3A_556 = tpu.memref_slice %arg9[%dma_start3A_554, %dma_start3A_555] : memref<64x129xf32, #tpu.memory_space<vmem>> -> memref<8x128xf32, #tpu.memory_space<vmem>>
        %dma_start3A_557 = arith.constant 0 : i32
        %dma_start3A_558 = tpu.memref_slice %arg4[%mul3A_553, %dma_start3A_557] : memref<409600x128xf32, #tpu.memory_space<hbm>> -> memref<8x128xf32, #tpu.memory_space<hbm>>
        %dma_start3A_559 = arith.constant 0 : i32
        %dma_start3A_560 = tpu.memref_slice %arg4[%mul3A_553, %dma_start3A_559] : memref<409600x128xf32, #tpu.memory_space<hbm>> -> memref<8x128xf32, #tpu.memory_space<hbm>>
        %dma_start3A_561 = arith.constant 8 : i32
        %dma_start3A_562 = arith.constant 0 : i32
        %dma_start3A_563 = tpu.memref_slice %arg9[%dma_start3A_561, %dma_start3A_562] : memref<64x129xf32, #tpu.memory_space<vmem>> -> memref<8x128xf32, #tpu.memory_space<vmem>>
        tpu.enqueue_dma source(%dma_start3A_563 : memref<8x128xf32, #tpu.memory_space<vmem>>) target(%dma_start3A_560 : memref<8x128xf32, #tpu.memory_space<hbm>>) target_semaphore(%arg13 : memref<!tpu.dma_semaphore, #tpu.memory_space<semaphore_mem>>)
        %mul3A_564 = arith.constant 1 : i32
        %mul3A_565 = arith.muli %sub3A_517, %mul3A_564 : i32
        %add3A_566 = arith.constant 0 : i32
        %add3A_567 = arith.addi %mul3A_565, %add3A_566 : i32
        %mul3A_568 = arith.constant 8 : i32
        %mul3A_569 = arith.muli %add3A_567, %mul3A_568 : i32
        %add3A_570 = arith.constant 2 : i32
        %add3A_571 = arith.addi %mul3A_569, %add3A_570 : i32
        %mul3A_572 = arith.constant 32 : i32
        %mul3A_573 = arith.muli %add3A_571, %mul3A_572 : i32
        %add3A_574 = arith.addi %mul3A_573, %add3A : i32
        %mul3A_575 = arith.constant 8 : i32
        %mul3A_576 = arith.muli %add3A_574, %mul3A_575 : i32
        %dma_start3A_577 = arith.constant 16 : i32
        %dma_start3A_578 = arith.constant 0 : i32
        %dma_start3A_579 = tpu.memref_slice %arg9[%dma_start3A_577, %dma_start3A_578] : memref<64x129xf32, #tpu.memory_space<vmem>> -> memref<8x128xf32, #tpu.memory_space<vmem>>
        %dma_start3A_580 = arith.constant 0 : i32
        %dma_start3A_581 = tpu.memref_slice %arg4[%mul3A_576, %dma_start3A_580] : memref<409600x128xf32, #tpu.memory_space<hbm>> -> memref<8x128xf32, #tpu.memory_space<hbm>>
        %dma_start3A_582 = arith.constant 0 : i32
        %dma_start3A_583 = tpu.memref_slice %arg4[%mul3A_576, %dma_start3A_582] : memref<409600x128xf32, #tpu.memory_space<hbm>> -> memref<8x128xf32, #tpu.memory_space<hbm>>
        %dma_start3A_584 = arith.constant 16 : i32
        %dma_start3A_585 = arith.constant 0 : i32
        %dma_start3A_586 = tpu.memref_slice %arg9[%dma_start3A_584, %dma_start3A_585] : memref<64x129xf32, #tpu.memory_space<vmem>> -> memref<8x128xf32, #tpu.memory_space<vmem>>
        tpu.enqueue_dma source(%dma_start3A_586 : memref<8x128xf32, #tpu.memory_space<vmem>>) target(%dma_start3A_583 : memref<8x128xf32, #tpu.memory_space<hbm>>) target_semaphore(%arg13 : memref<!tpu.dma_semaphore, #tpu.memory_space<semaphore_mem>>)
        %mul3A_587 = arith.constant 1 : i32
        %mul3A_588 = arith.muli %sub3A_517, %mul3A_587 : i32
        %add3A_589 = arith.constant 0 : i32
        %add3A_590 = arith.addi %mul3A_588, %add3A_589 : i32
        %mul3A_591 = arith.constant 8 : i32
        %mul3A_592 = arith.muli %add3A_590, %mul3A_591 : i32
        %add3A_593 = arith.constant 3 : i32
        %add3A_594 = arith.addi %mul3A_592, %add3A_593 : i32
        %mul3A_595 = arith.constant 32 : i32
        %mul3A_596 = arith.muli %add3A_594, %mul3A_595 : i32
        %add3A_597 = arith.addi %mul3A_596, %add3A : i32
        %mul3A_598 = arith.constant 8 : i32
        %mul3A_599 = arith.muli %add3A_597, %mul3A_598 : i32
        %dma_start3A_600 = arith.constant 24 : i32
        %dma_start3A_601 = arith.constant 0 : i32
        %dma_start3A_602 = tpu.memref_slice %arg9[%dma_start3A_600, %dma_start3A_601] : memref<64x129xf32, #tpu.memory_space<vmem>> -> memref<8x128xf32, #tpu.memory_space<vmem>>
        %dma_start3A_603 = arith.constant 0 : i32
        %dma_start3A_604 = tpu.memref_slice %arg4[%mul3A_599, %dma_start3A_603] : memref<409600x128xf32, #tpu.memory_space<hbm>> -> memref<8x128xf32, #tpu.memory_space<hbm>>
        %dma_start3A_605 = arith.constant 0 : i32
        %dma_start3A_606 = tpu.memref_slice %arg4[%mul3A_599, %dma_start3A_605] : memref<409600x128xf32, #tpu.memory_space<hbm>> -> memref<8x128xf32, #tpu.memory_space<hbm>>
        %dma_start3A_607 = arith.constant 24 : i32
        %dma_start3A_608 = arith.constant 0 : i32
        %dma_start3A_609 = tpu.memref_slice %arg9[%dma_start3A_607, %dma_start3A_608] : memref<64x129xf32, #tpu.memory_space<vmem>> -> memref<8x128xf32, #tpu.memory_space<vmem>>
        tpu.enqueue_dma source(%dma_start3A_609 : memref<8x128xf32, #tpu.memory_space<vmem>>) target(%dma_start3A_606 : memref<8x128xf32, #tpu.memory_space<hbm>>) target_semaphore(%arg13 : memref<!tpu.dma_semaphore, #tpu.memory_space<semaphore_mem>>)
        %mul3A_610 = arith.constant 1 : i32
        %mul3A_611 = arith.muli %sub3A_517, %mul3A_610 : i32
        %add3A_612 = arith.constant 0 : i32
        %add3A_613 = arith.addi %mul3A_611, %add3A_612 : i32
        %mul3A_614 = arith.constant 8 : i32
        %mul3A_615 = arith.muli %add3A_613, %mul3A_614 : i32
        %add3A_616 = arith.constant 4 : i32
        %add3A_617 = arith.addi %mul3A_615, %add3A_616 : i32
        %mul3A_618 = arith.constant 32 : i32
        %mul3A_619 = arith.muli %add3A_617, %mul3A_618 : i32
        %add3A_620 = arith.addi %mul3A_619, %add3A : i32
        %mul3A_621 = arith.constant 8 : i32
        %mul3A_622 = arith.muli %add3A_620, %mul3A_621 : i32
        %dma_start3A_623 = arith.constant 32 : i32
        %dma_start3A_624 = arith.constant 0 : i32
        %dma_start3A_625 = tpu.memref_slice %arg9[%dma_start3A_623, %dma_start3A_624] : memref<64x129xf32, #tpu.memory_space<vmem>> -> memref<8x128xf32, #tpu.memory_space<vmem>>
        %dma_start3A_626 = arith.constant 0 : i32
        %dma_start3A_627 = tpu.memref_slice %arg4[%mul3A_622, %dma_start3A_626] : memref<409600x128xf32, #tpu.memory_space<hbm>> -> memref<8x128xf32, #tpu.memory_space<hbm>>
        %dma_start3A_628 = arith.constant 0 : i32
        %dma_start3A_629 = tpu.memref_slice %arg4[%mul3A_622, %dma_start3A_628] : memref<409600x128xf32, #tpu.memory_space<hbm>> -> memref<8x128xf32, #tpu.memory_space<hbm>>
        %dma_start3A_630 = arith.constant 32 : i32
        %dma_start3A_631 = arith.constant 0 : i32
        %dma_start3A_632 = tpu.memref_slice %arg9[%dma_start3A_630, %dma_start3A_631] : memref<64x129xf32, #tpu.memory_space<vmem>> -> memref<8x128xf32, #tpu.memory_space<vmem>>
        tpu.enqueue_dma source(%dma_start3A_632 : memref<8x128xf32, #tpu.memory_space<vmem>>) target(%dma_start3A_629 : memref<8x128xf32, #tpu.memory_space<hbm>>) target_semaphore(%arg13 : memref<!tpu.dma_semaphore, #tpu.memory_space<semaphore_mem>>)
        %mul3A_633 = arith.constant 1 : i32
        %mul3A_634 = arith.muli %sub3A_517, %mul3A_633 : i32
        %add3A_635 = arith.constant 0 : i32
        %add3A_636 = arith.addi %mul3A_634, %add3A_635 : i32
        %mul3A_637 = arith.constant 8 : i32
        %mul3A_638 = arith.muli %add3A_636, %mul3A_637 : i32
        %add3A_639 = arith.constant 5 : i32
        %add3A_640 = arith.addi %mul3A_638, %add3A_639 : i32
        %mul3A_641 = arith.constant 32 : i32
        %mul3A_642 = arith.muli %add3A_640, %mul3A_641 : i32
        %add3A_643 = arith.addi %mul3A_642, %add3A : i32
        %mul3A_644 = arith.constant 8 : i32
        %mul3A_645 = arith.muli %add3A_643, %mul3A_644 : i32
        %dma_start3A_646 = arith.constant 40 : i32
        %dma_start3A_647 = arith.constant 0 : i32
        %dma_start3A_648 = tpu.memref_slice %arg9[%dma_start3A_646, %dma_start3A_647] : memref<64x129xf32, #tpu.memory_space<vmem>> -> memref<8x128xf32, #tpu.memory_space<vmem>>
        %dma_start3A_649 = arith.constant 0 : i32
        %dma_start3A_650 = tpu.memref_slice %arg4[%mul3A_645, %dma_start3A_649] : memref<409600x128xf32, #tpu.memory_space<hbm>> -> memref<8x128xf32, #tpu.memory_space<hbm>>
        %dma_start3A_651 = arith.constant 0 : i32
        %dma_start3A_652 = tpu.memref_slice %arg4[%mul3A_645, %dma_start3A_651] : memref<409600x128xf32, #tpu.memory_space<hbm>> -> memref<8x128xf32, #tpu.memory_space<hbm>>
        %dma_start3A_653 = arith.constant 40 : i32
        %dma_start3A_654 = arith.constant 0 : i32
        %dma_start3A_655 = tpu.memref_slice %arg9[%dma_start3A_653, %dma_start3A_654] : memref<64x129xf32, #tpu.memory_space<vmem>> -> memref<8x128xf32, #tpu.memory_space<vmem>>
        tpu.enqueue_dma source(%dma_start3A_655 : memref<8x128xf32, #tpu.memory_space<vmem>>) target(%dma_start3A_652 : memref<8x128xf32, #tpu.memory_space<hbm>>) target_semaphore(%arg13 : memref<!tpu.dma_semaphore, #tpu.memory_space<semaphore_mem>>)
        %mul3A_656 = arith.constant 1 : i32
        %mul3A_657 = arith.muli %sub3A_517, %mul3A_656 : i32
        %add3A_658 = arith.constant 0 : i32
        %add3A_659 = arith.addi %mul3A_657, %add3A_658 : i32
        %mul3A_660 = arith.constant 8 : i32
        %mul3A_661 = arith.muli %add3A_659, %mul3A_660 : i32
        %add3A_662 = arith.constant 6 : i32
        %add3A_663 = arith.addi %mul3A_661, %add3A_662 : i32
        %mul3A_664 = arith.constant 32 : i32
        %mul3A_665 = arith.muli %add3A_663, %mul3A_664 : i32
        %add3A_666 = arith.addi %mul3A_665, %add3A : i32
        %mul3A_667 = arith.constant 8 : i32
        %mul3A_668 = arith.muli %add3A_666, %mul3A_667 : i32
        %dma_start3A_669 = arith.constant 48 : i32
        %dma_start3A_670 = arith.constant 0 : i32
        %dma_start3A_671 = tpu.memref_slice %arg9[%dma_start3A_669, %dma_start3A_670] : memref<64x129xf32, #tpu.memory_space<vmem>> -> memref<8x128xf32, #tpu.memory_space<vmem>>
        %dma_start3A_672 = arith.constant 0 : i32
        %dma_start3A_673 = tpu.memref_slice %arg4[%mul3A_668, %dma_start3A_672] : memref<409600x128xf32, #tpu.memory_space<hbm>> -> memref<8x128xf32, #tpu.memory_space<hbm>>
        %dma_start3A_674 = arith.constant 0 : i32
        %dma_start3A_675 = tpu.memref_slice %arg4[%mul3A_668, %dma_start3A_674] : memref<409600x128xf32, #tpu.memory_space<hbm>> -> memref<8x128xf32, #tpu.memory_space<hbm>>
        %dma_start3A_676 = arith.constant 48 : i32
        %dma_start3A_677 = arith.constant 0 : i32
        %dma_start3A_678 = tpu.memref_slice %arg9[%dma_start3A_676, %dma_start3A_677] : memref<64x129xf32, #tpu.memory_space<vmem>> -> memref<8x128xf32, #tpu.memory_space<vmem>>
        tpu.enqueue_dma source(%dma_start3A_678 : memref<8x128xf32, #tpu.memory_space<vmem>>) target(%dma_start3A_675 : memref<8x128xf32, #tpu.memory_space<hbm>>) target_semaphore(%arg13 : memref<!tpu.dma_semaphore, #tpu.memory_space<semaphore_mem>>)
        %mul3A_679 = arith.constant 1 : i32
        %mul3A_680 = arith.muli %sub3A_517, %mul3A_679 : i32
        %add3A_681 = arith.constant 0 : i32
        %add3A_682 = arith.addi %mul3A_680, %add3A_681 : i32
        %mul3A_683 = arith.constant 8 : i32
        %mul3A_684 = arith.muli %add3A_682, %mul3A_683 : i32
        %add3A_685 = arith.constant 7 : i32
        %add3A_686 = arith.addi %mul3A_684, %add3A_685 : i32
        %mul3A_687 = arith.constant 32 : i32
        %mul3A_688 = arith.muli %add3A_686, %mul3A_687 : i32
        %add3A_689 = arith.addi %mul3A_688, %add3A : i32
        %mul3A_690 = arith.constant 8 : i32
        %mul3A_691 = arith.muli %add3A_689, %mul3A_690 : i32
        %dma_start3A_692 = arith.constant 56 : i32
        %dma_start3A_693 = arith.constant 0 : i32
        %dma_start3A_694 = tpu.memref_slice %arg9[%dma_start3A_692, %dma_start3A_693] : memref<64x129xf32, #tpu.memory_space<vmem>> -> memref<8x128xf32, #tpu.memory_space<vmem>>
        %dma_start3A_695 = arith.constant 0 : i32
        %dma_start3A_696 = tpu.memref_slice %arg4[%mul3A_691, %dma_start3A_695] : memref<409600x128xf32, #tpu.memory_space<hbm>> -> memref<8x128xf32, #tpu.memory_space<hbm>>
        %dma_start3A_697 = arith.constant 0 : i32
        %dma_start3A_698 = tpu.memref_slice %arg4[%mul3A_691, %dma_start3A_697] : memref<409600x128xf32, #tpu.memory_space<hbm>> -> memref<8x128xf32, #tpu.memory_space<hbm>>
        %dma_start3A_699 = arith.constant 56 : i32
        %dma_start3A_700 = arith.constant 0 : i32
        %dma_start3A_701 = tpu.memref_slice %arg9[%dma_start3A_699, %dma_start3A_700] : memref<64x129xf32, #tpu.memory_space<vmem>> -> memref<8x128xf32, #tpu.memory_space<vmem>>
        tpu.enqueue_dma source(%dma_start3A_701 : memref<8x128xf32, #tpu.memory_space<vmem>>) target(%dma_start3A_698 : memref<8x128xf32, #tpu.memory_space<hbm>>) target_semaphore(%arg13 : memref<!tpu.dma_semaphore, #tpu.memory_space<semaphore_mem>>)
      } else {
      }
      %mul3A_425 = arith.constant 2 : i32
      %mul3A_426 = arith.muli %mul3A_425, %scan3A_402 : i32
      %add3A_427 = arith.constant 1 : i32
      %add3A_428 = arith.addi %mul3A_426, %add3A_427 : i32
      %ge3A_429 = arith.constant 2 : i32
      %ge3A_430 = arith.cmpi sge, %add3A_428, %ge3A_429 : i32
      %convert_element_type3A_431 = arith.extui %ge3A_430 : i1 to i32
      %cond3A_432 = arith.constant 0 : i32
      %cond3A_433 = arith.cmpi ne, %convert_element_type3A_431, %cond3A_432 : i32
      scf.if %cond3A_433 {
        %sub3A = arith.constant 2 : i32
        %sub3A_452 = arith.subi %add3A_428, %sub3A : i32
        %mul3A_453 = arith.constant 1 : i32
        %mul3A_454 = arith.muli %sub3A_452, %mul3A_453 : i32
        %add3A_455 = arith.constant 0 : i32
        %add3A_456 = arith.addi %mul3A_454, %add3A_455 : i32
        %mul3A_457 = arith.constant 8 : i32
        %mul3A_458 = arith.muli %add3A_456, %mul3A_457 : i32
        %add3A_459 = arith.constant 0 : i32
        %add3A_460 = arith.addi %mul3A_458, %add3A_459 : i32
        %mul3A_461 = arith.constant 32 : i32
        %mul3A_462 = arith.muli %add3A_460, %mul3A_461 : i32
        %add3A_463 = arith.addi %mul3A_462, %add3A : i32
        %mul3A_464 = arith.constant 8 : i32
        %mul3A_465 = arith.muli %add3A_463, %mul3A_464 : i32
        %dma_wait3A_466 = arith.constant 0 : i32
        %dma_wait3A_467 = arith.constant 0 : i32
        %dma_wait3A_468 = tpu.memref_slice %arg9[%dma_wait3A_466, %dma_wait3A_467] : memref<64x129xf32, #tpu.memory_space<vmem>> -> memref<8x128xf32, #tpu.memory_space<vmem>>
        %dma_wait3A_469 = arith.constant 0 : i32
        %dma_wait3A_470 = tpu.memref_slice %arg4[%mul3A_465, %dma_wait3A_469] : memref<409600x128xf32, #tpu.memory_space<hbm>> -> memref<8x128xf32, #tpu.memory_space<hbm>>
        %dma_wait3A_471 = arith.constant 0 : i32
        %dma_wait3A_472 = tpu.memref_slice %arg4[%mul3A_465, %dma_wait3A_471] : memref<409600x128xf32, #tpu.memory_space<hbm>> -> memref<8x128xf32, #tpu.memory_space<hbm>>
        %dma_wait3A_473 = arith.constant 0 : i32
        %dma_wait3A_474 = arith.constant 0 : i32
        %dma_wait3A_475 = tpu.memref_slice %arg9[%dma_wait3A_473, %dma_wait3A_474] : memref<64x129xf32, #tpu.memory_space<vmem>> -> memref<8x128xf32, #tpu.memory_space<vmem>>
        tpu.wait_dma2 semaphore(%arg13 : memref<!tpu.dma_semaphore, #tpu.memory_space<semaphore_mem>>) src(%dma_wait3A_475 : memref<8x128xf32, #tpu.memory_space<vmem>>) dst(%dma_wait3A_472 : memref<8x128xf32, #tpu.memory_space<hbm>>)
        %mul3A_476 = arith.constant 1 : i32
        %mul3A_477 = arith.muli %sub3A_452, %mul3A_476 : i32
        %add3A_478 = arith.constant 0 : i32
        %add3A_479 = arith.addi %mul3A_477, %add3A_478 : i32
        %mul3A_480 = arith.constant 8 : i32
        %mul3A_481 = arith.muli %add3A_479, %mul3A_480 : i32
        %add3A_482 = arith.constant 1 : i32
        %add3A_483 = arith.addi %mul3A_481, %add3A_482 : i32
        %mul3A_484 = arith.constant 32 : i32
        %mul3A_485 = arith.muli %add3A_483, %mul3A_484 : i32
        %add3A_486 = arith.addi %mul3A_485, %add3A : i32
        %mul3A_487 = arith.constant 8 : i32
        %mul3A_488 = arith.muli %add3A_486, %mul3A_487 : i32
        %dma_wait3A_489 = arith.constant 8 : i32
        %dma_wait3A_490 = arith.constant 0 : i32
        %dma_wait3A_491 = tpu.memref_slice %arg9[%dma_wait3A_489, %dma_wait3A_490] : memref<64x129xf32, #tpu.memory_space<vmem>> -> memref<8x128xf32, #tpu.memory_space<vmem>>
        %dma_wait3A_492 = arith.constant 0 : i32
        %dma_wait3A_493 = tpu.memref_slice %arg4[%mul3A_488, %dma_wait3A_492] : memref<409600x128xf32, #tpu.memory_space<hbm>> -> memref<8x128xf32, #tpu.memory_space<hbm>>
        %dma_wait3A_494 = arith.constant 0 : i32
        %dma_wait3A_495 = tpu.memref_slice %arg4[%mul3A_488, %dma_wait3A_494] : memref<409600x128xf32, #tpu.memory_space<hbm>> -> memref<8x128xf32, #tpu.memory_space<hbm>>
        %dma_wait3A_496 = arith.constant 8 : i32
        %dma_wait3A_497 = arith.constant 0 : i32
        %dma_wait3A_498 = tpu.memref_slice %arg9[%dma_wait3A_496, %dma_wait3A_497] : memref<64x129xf32, #tpu.memory_space<vmem>> -> memref<8x128xf32, #tpu.memory_space<vmem>>
        tpu.wait_dma2 semaphore(%arg13 : memref<!tpu.dma_semaphore, #tpu.memory_space<semaphore_mem>>) src(%dma_wait3A_498 : memref<8x128xf32, #tpu.memory_space<vmem>>) dst(%dma_wait3A_495 : memref<8x128xf32, #tpu.memory_space<hbm>>)
        %mul3A_499 = arith.constant 1 : i32
        %mul3A_500 = arith.muli %sub3A_452, %mul3A_499 : i32
        %add3A_501 = arith.constant 0 : i32
        %add3A_502 = arith.addi %mul3A_500, %add3A_501 : i32
        %mul3A_503 = arith.constant 8 : i32
        %mul3A_504 = arith.muli %add3A_502, %mul3A_503 : i32
        %add3A_505 = arith.constant 2 : i32
        %add3A_506 = arith.addi %mul3A_504, %add3A_505 : i32
        %mul3A_507 = arith.constant 32 : i32
        %mul3A_508 = arith.muli %add3A_506, %mul3A_507 : i32
        %add3A_509 = arith.addi %mul3A_508, %add3A : i32
        %mul3A_510 = arith.constant 8 : i32
        %mul3A_511 = arith.muli %add3A_509, %mul3A_510 : i32
        %dma_wait3A_512 = arith.constant 16 : i32
        %dma_wait3A_513 = arith.constant 0 : i32
        %dma_wait3A_514 = tpu.memref_slice %arg9[%dma_wait3A_512, %dma_wait3A_513] : memref<64x129xf32, #tpu.memory_space<vmem>> -> memref<8x128xf32, #tpu.memory_space<vmem>>
        %dma_wait3A_515 = arith.constant 0 : i32
        %dma_wait3A_516 = tpu.memref_slice %arg4[%mul3A_511, %dma_wait3A_515] : memref<409600x128xf32, #tpu.memory_space<hbm>> -> memref<8x128xf32, #tpu.memory_space<hbm>>
        %dma_wait3A_517 = arith.constant 0 : i32
        %dma_wait3A_518 = tpu.memref_slice %arg4[%mul3A_511, %dma_wait3A_517] : memref<409600x128xf32, #tpu.memory_space<hbm>> -> memref<8x128xf32, #tpu.memory_space<hbm>>
        %dma_wait3A_519 = arith.constant 16 : i32
        %dma_wait3A_520 = arith.constant 0 : i32
        %dma_wait3A_521 = tpu.memref_slice %arg9[%dma_wait3A_519, %dma_wait3A_520] : memref<64x129xf32, #tpu.memory_space<vmem>> -> memref<8x128xf32, #tpu.memory_space<vmem>>
        tpu.wait_dma2 semaphore(%arg13 : memref<!tpu.dma_semaphore, #tpu.memory_space<semaphore_mem>>) src(%dma_wait3A_521 : memref<8x128xf32, #tpu.memory_space<vmem>>) dst(%dma_wait3A_518 : memref<8x128xf32, #tpu.memory_space<hbm>>)
        %mul3A_522 = arith.constant 1 : i32
        %mul3A_523 = arith.muli %sub3A_452, %mul3A_522 : i32
        %add3A_524 = arith.constant 0 : i32
        %add3A_525 = arith.addi %mul3A_523, %add3A_524 : i32
        %mul3A_526 = arith.constant 8 : i32
        %mul3A_527 = arith.muli %add3A_525, %mul3A_526 : i32
        %add3A_528 = arith.constant 3 : i32
        %add3A_529 = arith.addi %mul3A_527, %add3A_528 : i32
        %mul3A_530 = arith.constant 32 : i32
        %mul3A_531 = arith.muli %add3A_529, %mul3A_530 : i32
        %add3A_532 = arith.addi %mul3A_531, %add3A : i32
        %mul3A_533 = arith.constant 8 : i32
        %mul3A_534 = arith.muli %add3A_532, %mul3A_533 : i32
        %dma_wait3A_535 = arith.constant 24 : i32
        %dma_wait3A_536 = arith.constant 0 : i32
        %dma_wait3A_537 = tpu.memref_slice %arg9[%dma_wait3A_535, %dma_wait3A_536] : memref<64x129xf32, #tpu.memory_space<vmem>> -> memref<8x128xf32, #tpu.memory_space<vmem>>
        %dma_wait3A_538 = arith.constant 0 : i32
        %dma_wait3A_539 = tpu.memref_slice %arg4[%mul3A_534, %dma_wait3A_538] : memref<409600x128xf32, #tpu.memory_space<hbm>> -> memref<8x128xf32, #tpu.memory_space<hbm>>
        %dma_wait3A_540 = arith.constant 0 : i32
        %dma_wait3A_541 = tpu.memref_slice %arg4[%mul3A_534, %dma_wait3A_540] : memref<409600x128xf32, #tpu.memory_space<hbm>> -> memref<8x128xf32, #tpu.memory_space<hbm>>
        %dma_wait3A_542 = arith.constant 24 : i32
        %dma_wait3A_543 = arith.constant 0 : i32
        %dma_wait3A_544 = tpu.memref_slice %arg9[%dma_wait3A_542, %dma_wait3A_543] : memref<64x129xf32, #tpu.memory_space<vmem>> -> memref<8x128xf32, #tpu.memory_space<vmem>>
        tpu.wait_dma2 semaphore(%arg13 : memref<!tpu.dma_semaphore, #tpu.memory_space<semaphore_mem>>) src(%dma_wait3A_544 : memref<8x128xf32, #tpu.memory_space<vmem>>) dst(%dma_wait3A_541 : memref<8x128xf32, #tpu.memory_space<hbm>>)
        %mul3A_545 = arith.constant 1 : i32
        %mul3A_546 = arith.muli %sub3A_452, %mul3A_545 : i32
        %add3A_547 = arith.constant 0 : i32
        %add3A_548 = arith.addi %mul3A_546, %add3A_547 : i32
        %mul3A_549 = arith.constant 8 : i32
        %mul3A_550 = arith.muli %add3A_548, %mul3A_549 : i32
        %add3A_551 = arith.constant 4 : i32
        %add3A_552 = arith.addi %mul3A_550, %add3A_551 : i32
        %mul3A_553 = arith.constant 32 : i32
        %mul3A_554 = arith.muli %add3A_552, %mul3A_553 : i32
        %add3A_555 = arith.addi %mul3A_554, %add3A : i32
        %mul3A_556 = arith.constant 8 : i32
        %mul3A_557 = arith.muli %add3A_555, %mul3A_556 : i32
        %dma_wait3A_558 = arith.constant 32 : i32
        %dma_wait3A_559 = arith.constant 0 : i32
        %dma_wait3A_560 = tpu.memref_slice %arg9[%dma_wait3A_558, %dma_wait3A_559] : memref<64x129xf32, #tpu.memory_space<vmem>> -> memref<8x128xf32, #tpu.memory_space<vmem>>
        %dma_wait3A_561 = arith.constant 0 : i32
        %dma_wait3A_562 = tpu.memref_slice %arg4[%mul3A_557, %dma_wait3A_561] : memref<409600x128xf32, #tpu.memory_space<hbm>> -> memref<8x128xf32, #tpu.memory_space<hbm>>
        %dma_wait3A_563 = arith.constant 0 : i32
        %dma_wait3A_564 = tpu.memref_slice %arg4[%mul3A_557, %dma_wait3A_563] : memref<409600x128xf32, #tpu.memory_space<hbm>> -> memref<8x128xf32, #tpu.memory_space<hbm>>
        %dma_wait3A_565 = arith.constant 32 : i32
        %dma_wait3A_566 = arith.constant 0 : i32
        %dma_wait3A_567 = tpu.memref_slice %arg9[%dma_wait3A_565, %dma_wait3A_566] : memref<64x129xf32, #tpu.memory_space<vmem>> -> memref<8x128xf32, #tpu.memory_space<vmem>>
        tpu.wait_dma2 semaphore(%arg13 : memref<!tpu.dma_semaphore, #tpu.memory_space<semaphore_mem>>) src(%dma_wait3A_567 : memref<8x128xf32, #tpu.memory_space<vmem>>) dst(%dma_wait3A_564 : memref<8x128xf32, #tpu.memory_space<hbm>>)
        %mul3A_568 = arith.constant 1 : i32
        %mul3A_569 = arith.muli %sub3A_452, %mul3A_568 : i32
        %add3A_570 = arith.constant 0 : i32
        %add3A_571 = arith.addi %mul3A_569, %add3A_570 : i32
        %mul3A_572 = arith.constant 8 : i32
        %mul3A_573 = arith.muli %add3A_571, %mul3A_572 : i32
        %add3A_574 = arith.constant 5 : i32
        %add3A_575 = arith.addi %mul3A_573, %add3A_574 : i32
        %mul3A_576 = arith.constant 32 : i32
        %mul3A_577 = arith.muli %add3A_575, %mul3A_576 : i32
        %add3A_578 = arith.addi %mul3A_577, %add3A : i32
        %mul3A_579 = arith.constant 8 : i32
        %mul3A_580 = arith.muli %add3A_578, %mul3A_579 : i32
        %dma_wait3A_581 = arith.constant 40 : i32
        %dma_wait3A_582 = arith.constant 0 : i32
        %dma_wait3A_583 = tpu.memref_slice %arg9[%dma_wait3A_581, %dma_wait3A_582] : memref<64x129xf32, #tpu.memory_space<vmem>> -> memref<8x128xf32, #tpu.memory_space<vmem>>
        %dma_wait3A_584 = arith.constant 0 : i32
        %dma_wait3A_585 = tpu.memref_slice %arg4[%mul3A_580, %dma_wait3A_584] : memref<409600x128xf32, #tpu.memory_space<hbm>> -> memref<8x128xf32, #tpu.memory_space<hbm>>
        %dma_wait3A_586 = arith.constant 0 : i32
        %dma_wait3A_587 = tpu.memref_slice %arg4[%mul3A_580, %dma_wait3A_586] : memref<409600x128xf32, #tpu.memory_space<hbm>> -> memref<8x128xf32, #tpu.memory_space<hbm>>
        %dma_wait3A_588 = arith.constant 40 : i32
        %dma_wait3A_589 = arith.constant 0 : i32
        %dma_wait3A_590 = tpu.memref_slice %arg9[%dma_wait3A_588, %dma_wait3A_589] : memref<64x129xf32, #tpu.memory_space<vmem>> -> memref<8x128xf32, #tpu.memory_space<vmem>>
        tpu.wait_dma2 semaphore(%arg13 : memref<!tpu.dma_semaphore, #tpu.memory_space<semaphore_mem>>) src(%dma_wait3A_590 : memref<8x128xf32, #tpu.memory_space<vmem>>) dst(%dma_wait3A_587 : memref<8x128xf32, #tpu.memory_space<hbm>>)
        %mul3A_591 = arith.constant 1 : i32
        %mul3A_592 = arith.muli %sub3A_452, %mul3A_591 : i32
        %add3A_593 = arith.constant 0 : i32
        %add3A_594 = arith.addi %mul3A_592, %add3A_593 : i32
        %mul3A_595 = arith.constant 8 : i32
        %mul3A_596 = arith.muli %add3A_594, %mul3A_595 : i32
        %add3A_597 = arith.constant 6 : i32
        %add3A_598 = arith.addi %mul3A_596, %add3A_597 : i32
        %mul3A_599 = arith.constant 32 : i32
        %mul3A_600 = arith.muli %add3A_598, %mul3A_599 : i32
        %add3A_601 = arith.addi %mul3A_600, %add3A : i32
        %mul3A_602 = arith.constant 8 : i32
        %mul3A_603 = arith.muli %add3A_601, %mul3A_602 : i32
        %dma_wait3A_604 = arith.constant 48 : i32
        %dma_wait3A_605 = arith.constant 0 : i32
        %dma_wait3A_606 = tpu.memref_slice %arg9[%dma_wait3A_604, %dma_wait3A_605] : memref<64x129xf32, #tpu.memory_space<vmem>> -> memref<8x128xf32, #tpu.memory_space<vmem>>
        %dma_wait3A_607 = arith.constant 0 : i32
        %dma_wait3A_608 = tpu.memref_slice %arg4[%mul3A_603, %dma_wait3A_607] : memref<409600x128xf32, #tpu.memory_space<hbm>> -> memref<8x128xf32, #tpu.memory_space<hbm>>
        %dma_wait3A_609 = arith.constant 0 : i32
        %dma_wait3A_610 = tpu.memref_slice %arg4[%mul3A_603, %dma_wait3A_609] : memref<409600x128xf32, #tpu.memory_space<hbm>> -> memref<8x128xf32, #tpu.memory_space<hbm>>
        %dma_wait3A_611 = arith.constant 48 : i32
        %dma_wait3A_612 = arith.constant 0 : i32
        %dma_wait3A_613 = tpu.memref_slice %arg9[%dma_wait3A_611, %dma_wait3A_612] : memref<64x129xf32, #tpu.memory_space<vmem>> -> memref<8x128xf32, #tpu.memory_space<vmem>>
        tpu.wait_dma2 semaphore(%arg13 : memref<!tpu.dma_semaphore, #tpu.memory_space<semaphore_mem>>) src(%dma_wait3A_613 : memref<8x128xf32, #tpu.memory_space<vmem>>) dst(%dma_wait3A_610 : memref<8x128xf32, #tpu.memory_space<hbm>>)
        %mul3A_614 = arith.constant 1 : i32
        %mul3A_615 = arith.muli %sub3A_452, %mul3A_614 : i32
        %add3A_616 = arith.constant 0 : i32
        %add3A_617 = arith.addi %mul3A_615, %add3A_616 : i32
        %mul3A_618 = arith.constant 8 : i32
        %mul3A_619 = arith.muli %add3A_617, %mul3A_618 : i32
        %add3A_620 = arith.constant 7 : i32
        %add3A_621 = arith.addi %mul3A_619, %add3A_620 : i32
        %mul3A_622 = arith.constant 32 : i32
        %mul3A_623 = arith.muli %add3A_621, %mul3A_622 : i32
        %add3A_624 = arith.addi %mul3A_623, %add3A : i32
        %mul3A_625 = arith.constant 8 : i32
        %mul3A_626 = arith.muli %add3A_624, %mul3A_625 : i32
        %dma_wait3A_627 = arith.constant 56 : i32
        %dma_wait3A_628 = arith.constant 0 : i32
        %dma_wait3A_629 = tpu.memref_slice %arg9[%dma_wait3A_627, %dma_wait3A_628] : memref<64x129xf32, #tpu.memory_space<vmem>> -> memref<8x128xf32, #tpu.memory_space<vmem>>
        %dma_wait3A_630 = arith.constant 0 : i32
        %dma_wait3A_631 = tpu.memref_slice %arg4[%mul3A_626, %dma_wait3A_630] : memref<409600x128xf32, #tpu.memory_space<hbm>> -> memref<8x128xf32, #tpu.memory_space<hbm>>
        %dma_wait3A_632 = arith.constant 0 : i32
        %dma_wait3A_633 = tpu.memref_slice %arg4[%mul3A_626, %dma_wait3A_632] : memref<409600x128xf32, #tpu.memory_space<hbm>> -> memref<8x128xf32, #tpu.memory_space<hbm>>
        %dma_wait3A_634 = arith.constant 56 : i32
        %dma_wait3A_635 = arith.constant 0 : i32
        %dma_wait3A_636 = tpu.memref_slice %arg9[%dma_wait3A_634, %dma_wait3A_635] : memref<64x129xf32, #tpu.memory_space<vmem>> -> memref<8x128xf32, #tpu.memory_space<vmem>>
        tpu.wait_dma2 semaphore(%arg13 : memref<!tpu.dma_semaphore, #tpu.memory_space<semaphore_mem>>) src(%dma_wait3A_636 : memref<8x128xf32, #tpu.memory_space<vmem>>) dst(%dma_wait3A_633 : memref<8x128xf32, #tpu.memory_space<hbm>>)
      } else {
      }
      %mul3A_434 = arith.constant 1 : i32
      %mul3A_435 = arith.muli %add3A_428, %mul3A_434 : i32
      %add3A_436 = arith.constant 0 : i32
      %add3A_437 = arith.addi %mul3A_435, %add3A_436 : i32
      %dma_start3A_438 = arith.constant 0 : i32
      %dma_start3A_439 = arith.constant 0 : i32
      %dma_start3A_440 = tpu.memref_slice %arg7[%dma_start3A_438, %dma_start3A_439] : memref<128x64xf32, #tpu.memory_space<vmem>> -> memref<128x64xf32, #tpu.memory_space<vmem>>
      %dma_start3A_441 = arith.constant 0 : i32
      %dma_start3A_442 = tpu.memref_slice %arg5[%add3A_437, %dma_start3A_441] : memref<200x128xi32, #tpu.memory_space<vmem>> -> memref<1x128xi32, #tpu.memory_space<vmem>>
      %dma_start3A_443 = tpu.memref_squeeze %dma_start3A_442 : memref<1x128xi32, #tpu.memory_space<vmem>> -> memref<128xi32, #tpu.memory_space<vmem>>
      %dma_start3A_444 = arith.constant 0 : i32
      %dma_start3A_445 = arith.constant 0 : i32
      %dma_start3A_446 = tpu.memref_slice %arg3[%dma_start3A_444, %dma_start3A_445] : memref<2000000x64xf32, #tpu.memory_space<hbm>> -> memref<2000000x64xf32, #tpu.memory_space<hbm>>
      tpu.enqueue_indirect_dma source(%dma_start3A_446 : memref<2000000x64xf32, #tpu.memory_space<hbm>>) target(%dma_start3A_440 : memref<128x64xf32, #tpu.memory_space<vmem>>) offsets(%dma_start3A_443 : memref<128xi32, #tpu.memory_space<vmem>>) semaphore(%arg11 : memref<!tpu.dma_semaphore, #tpu.memory_space<semaphore_mem>>)
      %ge3A_447 = arith.constant 1 : i32
      %ge3A_448 = arith.cmpi sge, %add3A_428, %ge3A_447 : i32
      %convert_element_type3A_449 = arith.extui %ge3A_448 : i1 to i32
      %cond3A_450 = arith.constant 0 : i32
      %cond3A_451 = arith.cmpi ne, %convert_element_type3A_449, %cond3A_450 : i32
      scf.if %cond3A_451 {
        %dma_wait3A_452 = arith.constant 0 : i32
        %dma_wait3A_453 = arith.constant 0 : i32
        %dma_wait3A_454 = arith.constant 0 : i32
        %dma_wait3A_455 = tpu.memref_slice %arg6[%dma_wait3A_453, %dma_wait3A_454] : memref<128x64xf32, #tpu.memory_space<vmem>> -> memref<128x64xf32, #tpu.memory_space<vmem>>
        %dma_wait3A_456 = arith.constant 0 : i32
        %dma_wait3A_457 = tpu.memref_slice %arg5[%dma_wait3A_452, %dma_wait3A_456] : memref<200x128xi32, #tpu.memory_space<vmem>> -> memref<1x128xi32, #tpu.memory_space<vmem>>
        %dma_wait3A_458 = tpu.memref_squeeze %dma_wait3A_457 : memref<1x128xi32, #tpu.memory_space<vmem>> -> memref<128xi32, #tpu.memory_space<vmem>>
        %dma_wait3A_459 = arith.constant 0 : i32
        %dma_wait3A_460 = arith.constant 0 : i32
        %dma_wait3A_461 = tpu.memref_slice %arg3[%dma_wait3A_459, %dma_wait3A_460] : memref<2000000x64xf32, #tpu.memory_space<hbm>> -> memref<2000000x64xf32, #tpu.memory_space<hbm>>
        tpu.wait_indirect_dma semaphore(%arg10 : memref<!tpu.dma_semaphore, #tpu.memory_space<semaphore_mem>>) src(%dma_wait3A_461 : memref<2000000x64xf32, #tpu.memory_space<hbm>>) dst(%dma_wait3A_455 : memref<128x64xf32, #tpu.memory_space<vmem>>)
        %iota3A_462 = tpu.iota {dimensions = array<i32: 0>} : vector<16xi32>
        %add3A_463 = arith.constant 0 : i32
        %add3A_464 = vector.broadcast %add3A_463 : i32 to vector<16xi32>
        %add3A_465 = arith.addi %iota3A_462, %add3A_464 : vector<16xi32>
        %add3A_466 = arith.constant 16 : i32
        %add3A_467 = vector.broadcast %add3A_466 : i32 to vector<16xi32>
        %add3A_468 = arith.addi %iota3A_462, %add3A_467 : vector<16xi32>
        %add3A_469 = arith.constant 32 : i32
        %add3A_470 = vector.broadcast %add3A_469 : i32 to vector<16xi32>
        %add3A_471 = arith.addi %iota3A_462, %add3A_470 : vector<16xi32>
        %add3A_472 = arith.constant 48 : i32
        %add3A_473 = vector.broadcast %add3A_472 : i32 to vector<16xi32>
        %add3A_474 = arith.addi %iota3A_462, %add3A_473 : vector<16xi32>
        %broadcast_in_dim3A_475 = arith.constant 0 : i32
        %broadcast_in_dim3A_476 = vector.broadcast %broadcast_in_dim3A_475 : i32 to vector<16xi32>
        %get3A_477 = arith.constant 0 : i32
        %get3A_478 = arith.index_cast %get3A_477 : i32 to index
        %get3A_479 = arith.constant 0 : index
        %get3A_480 = tpu.vector_load %arg6[%get3A_478, %get3A_479] {strides = array<i32>} : memref<128x64xf32, #tpu.memory_space<vmem>>, vector<16xf32>,
        %get3A_481 = arith.constant 0 : i32
        %get3A_482 = arith.index_cast %get3A_481 : i32 to index
        %get3A_483 = arith.constant 16 : index
        %get3A_484 = tpu.vector_load %arg6[%get3A_482, %get3A_483] {strides = array<i32>} : memref<128x64xf32, #tpu.memory_space<vmem>>, vector<16xf32>,
        %get3A_485 = arith.constant 0 : i32
        %get3A_486 = arith.index_cast %get3A_485 : i32 to index
        %get3A_487 = arith.constant 32 : index
        %get3A_488 = tpu.vector_load %arg6[%get3A_486, %get3A_487] {strides = array<i32>} : memref<128x64xf32, #tpu.memory_space<vmem>>, vector<16xf32>,
        %get3A_489 = arith.constant 0 : i32
        %get3A_490 = arith.index_cast %get3A_489 : i32 to index
        %get3A_491 = arith.constant 48 : index
        %get3A_492 = tpu.vector_load %arg6[%get3A_490, %get3A_491] {strides = array<i32>} : memref<128x64xf32, #tpu.memory_space<vmem>>, vector<16xf32>,
        %broadcast_in_dim3A_493 = arith.constant 1 : i32
        %broadcast_in_dim3A_494 = vector.broadcast %broadcast_in_dim3A_493 : i32 to vector<16xi32>
        %get3A_495 = arith.constant 1 : i32
        %get3A_496 = arith.index_cast %get3A_495 : i32 to index
        %get3A_497 = arith.constant 0 : index
        %get3A_498 = tpu.vector_load %arg6[%get3A_496, %get3A_497] {strides = array<i32>} : memref<128x64xf32, #tpu.memory_space<vmem>>, vector<16xf32>,
        %get3A_499 = arith.constant 1 : i32
        %get3A_500 = arith.index_cast %get3A_499 : i32 to index
        %get3A_501 = arith.constant 16 : index
        %get3A_502 = tpu.vector_load %arg6[%get3A_500, %get3A_501] {strides = array<i32>} : memref<128x64xf32, #tpu.memory_space<vmem>>, vector<16xf32>,
        %get3A_503 = arith.constant 1 : i32
        %get3A_504 = arith.index_cast %get3A_503 : i32 to index
        %get3A_505 = arith.constant 32 : index
        %get3A_506 = tpu.vector_load %arg6[%get3A_504, %get3A_505] {strides = array<i32>} : memref<128x64xf32, #tpu.memory_space<vmem>>, vector<16xf32>,
        %get3A_507 = arith.constant 1 : i32
        %get3A_508 = arith.index_cast %get3A_507 : i32 to index
        %get3A_509 = arith.constant 48 : index
        %get3A_510 = tpu.vector_load %arg6[%get3A_508, %get3A_509] {strides = array<i32>} : memref<128x64xf32, #tpu.memory_space<vmem>>, vector<16xf32>,
        %scan3A_511 = arith.constant 1 : i32
        %scan3A_512 = arith.constant 63 : i32
        %scan3A_513 = arith.addi %scan3A_511, %scan3A_512 : i32
        %scan3A_514 = arith.constant 1 : i32
        %scan3A_515:16 = scf.for %scan3A_702 = %scan3A_511 to %scan3A_513 step %scan3A_514 iter_args(%scan3A_703 = %broadcast_in_dim3A_476, %scan3A_704 = %get3A_480, %scan3A_705 = %broadcast_in_dim3A_476, %scan3A_706 = %get3A_484, %scan3A_707 = %broadcast_in_dim3A_476, %scan3A_708 = %get3A_488, %scan3A_709 = %broadcast_in_dim3A_476, %scan3A_710 = %get3A_492, %scan3A_711 = %broadcast_in_dim3A_494, %scan3A_712 = %get3A_498, %scan3A_713 = %broadcast_in_dim3A_494, %scan3A_714 = %get3A_502, %scan3A_715 = %broadcast_in_dim3A_494, %scan3A_716 = %get3A_506, %scan3A_717 = %broadcast_in_dim3A_494, %scan3A_718 = %get3A_510) -> (vector<16xi32>, vector<16xf32>, vector<16xi32>, vector<16xf32>, vector<16xi32>, vector<16xf32>, vector<16xi32>, vector<16xf32>, vector<16xi32>, vector<16xf32>, vector<16xi32>, vector<16xf32>, vector<16xi32>, vector<16xf32>, vector<16xi32>, vector<16xf32>)  : i32 {
          %mul3A_719 = arith.constant 2 : i32
          %mul3A_720 = arith.muli %scan3A_702, %mul3A_719 : i32
          %add3A_721 = arith.constant 0 : i32
          %add3A_722 = arith.addi %mul3A_720, %add3A_721 : i32
          %add3A_723 = arith.constant 0 : i32
          %add3A_724 = arith.addi %add3A_723, %add3A_722 : i32
          %broadcast_in_dim3A_725 = vector.broadcast %add3A_722 : i32 to vector<16xi32>
          %get3A_726 = arith.index_cast %add3A_724 : i32 to index
          %get3A_727 = arith.constant 0 : index
          %get3A_728 = tpu.vector_load %arg6[%get3A_726, %get3A_727] {strides = array<i32>} : memref<128x64xf32, #tpu.memory_space<vmem>>, vector<16xf32>,
          %get3A_729 = arith.index_cast %add3A_724 : i32 to index
          %get3A_730 = arith.constant 16 : index
          %get3A_731 = tpu.vector_load %arg6[%get3A_729, %get3A_730] {strides = array<i32>} : memref<128x64xf32, #tpu.memory_space<vmem>>, vector<16xf32>,
          %get3A_732 = arith.index_cast %add3A_724 : i32 to index
          %get3A_733 = arith.constant 32 : index
          %get3A_734 = tpu.vector_load %arg6[%get3A_732, %get3A_733] {strides = array<i32>} : memref<128x64xf32, #tpu.memory_space<vmem>>, vector<16xf32>,
          %get3A_735 = arith.index_cast %add3A_724 : i32 to index
          %get3A_736 = arith.constant 48 : index
          %get3A_737 = tpu.vector_load %arg6[%get3A_735, %get3A_736] {strides = array<i32>} : memref<128x64xf32, #tpu.memory_space<vmem>>, vector<16xf32>,
          %mul3A_738 = arith.constant 2 : i32
          %mul3A_739 = arith.muli %scan3A_702, %mul3A_738 : i32
          %add3A_740 = arith.constant 1 : i32
          %add3A_741 = arith.addi %mul3A_739, %add3A_740 : i32
          %add3A_742 = arith.constant 0 : i32
          %add3A_743 = arith.addi %add3A_742, %add3A_741 : i32
          %broadcast_in_dim3A_744 = vector.broadcast %add3A_741 : i32 to vector<16xi32>
          %get3A_745 = arith.index_cast %add3A_743 : i32 to index
          %get3A_746 = arith.constant 0 : index
          %get3A_747 = tpu.vector_load %arg6[%get3A_745, %get3A_746] {strides = array<i32>} : memref<128x64xf32, #tpu.memory_space<vmem>>, vector<16xf32>,
          %get3A_748 = arith.index_cast %add3A_743 : i32 to index
          %get3A_749 = arith.constant 16 : index
          %get3A_750 = tpu.vector_load %arg6[%get3A_748, %get3A_749] {strides = array<i32>} : memref<128x64xf32, #tpu.memory_space<vmem>>, vector<16xf32>,
          %get3A_751 = arith.index_cast %add3A_743 : i32 to index
          %get3A_752 = arith.constant 32 : index
          %get3A_753 = tpu.vector_load %arg6[%get3A_751, %get3A_752] {strides = array<i32>} : memref<128x64xf32, #tpu.memory_space<vmem>>, vector<16xf32>,
          %get3A_754 = arith.index_cast %add3A_743 : i32 to index
          %get3A_755 = arith.constant 48 : index
          %get3A_756 = tpu.vector_load %arg6[%get3A_754, %get3A_755] {strides = array<i32>} : memref<128x64xf32, #tpu.memory_space<vmem>>, vector<16xf32>,
          tpu.vector_store_idx %arg8[%add3A_465, %scan3A_703], %scan3A_704 : memref<64x129xf32, #tpu.memory_space<vmem>>[vector<16xi32>, vector<16xi32>], vector<16xf32>,
          tpu.vector_store_idx %arg8[%add3A_468, %scan3A_705], %scan3A_706 : memref<64x129xf32, #tpu.memory_space<vmem>>[vector<16xi32>, vector<16xi32>], vector<16xf32>,
          tpu.vector_store_idx %arg8[%add3A_471, %scan3A_707], %scan3A_708 : memref<64x129xf32, #tpu.memory_space<vmem>>[vector<16xi32>, vector<16xi32>], vector<16xf32>,
          tpu.vector_store_idx %arg8[%add3A_474, %scan3A_709], %scan3A_710 : memref<64x129xf32, #tpu.memory_space<vmem>>[vector<16xi32>, vector<16xi32>], vector<16xf32>,
          tpu.vector_store_idx %arg8[%add3A_465, %scan3A_711], %scan3A_712 : memref<64x129xf32, #tpu.memory_space<vmem>>[vector<16xi32>, vector<16xi32>], vector<16xf32>,
          tpu.vector_store_idx %arg8[%add3A_468, %scan3A_713], %scan3A_714 : memref<64x129xf32, #tpu.memory_space<vmem>>[vector<16xi32>, vector<16xi32>], vector<16xf32>,
          tpu.vector_store_idx %arg8[%add3A_471, %scan3A_715], %scan3A_716 : memref<64x129xf32, #tpu.memory_space<vmem>>[vector<16xi32>, vector<16xi32>], vector<16xf32>,
          tpu.vector_store_idx %arg8[%add3A_474, %scan3A_717], %scan3A_718 : memref<64x129xf32, #tpu.memory_space<vmem>>[vector<16xi32>, vector<16xi32>], vector<16xf32>,
          scf.yield %broadcast_in_dim3A_725, %get3A_728, %broadcast_in_dim3A_725, %get3A_731, %broadcast_in_dim3A_725, %get3A_734, %broadcast_in_dim3A_725, %get3A_737, %broadcast_in_dim3A_744, %get3A_747, %broadcast_in_dim3A_744, %get3A_750, %broadcast_in_dim3A_744, %get3A_753, %broadcast_in_dim3A_744, %get3A_756 : vector<16xi32>, vector<16xf32>, vector<16xi32>, vector<16xf32>, vector<16xi32>, vector<16xf32>, vector<16xi32>, vector<16xf32>, vector<16xi32>, vector<16xf32>, vector<16xi32>, vector<16xf32>, vector<16xi32>, vector<16xf32>, vector<16xi32>, vector<16xf32>
        }
        %scan3A_516 = arith.constant 63 : i32
        tpu.vector_store_idx %arg8[%add3A_465, %scan3A_515#0], %scan3A_515#1 : memref<64x129xf32, #tpu.memory_space<vmem>>[vector<16xi32>, vector<16xi32>], vector<16xf32>,
        tpu.vector_store_idx %arg8[%add3A_468, %scan3A_515#2], %scan3A_515#3 : memref<64x129xf32, #tpu.memory_space<vmem>>[vector<16xi32>, vector<16xi32>], vector<16xf32>,
        tpu.vector_store_idx %arg8[%add3A_471, %scan3A_515#4], %scan3A_515#5 : memref<64x129xf32, #tpu.memory_space<vmem>>[vector<16xi32>, vector<16xi32>], vector<16xf32>,
        tpu.vector_store_idx %arg8[%add3A_474, %scan3A_515#6], %scan3A_515#7 : memref<64x129xf32, #tpu.memory_space<vmem>>[vector<16xi32>, vector<16xi32>], vector<16xf32>,
        tpu.vector_store_idx %arg8[%add3A_465, %scan3A_515#8], %scan3A_515#9 : memref<64x129xf32, #tpu.memory_space<vmem>>[vector<16xi32>, vector<16xi32>], vector<16xf32>,
        tpu.vector_store_idx %arg8[%add3A_468, %scan3A_515#10], %scan3A_515#11 : memref<64x129xf32, #tpu.memory_space<vmem>>[vector<16xi32>, vector<16xi32>], vector<16xf32>,
        tpu.vector_store_idx %arg8[%add3A_471, %scan3A_515#12], %scan3A_515#13 : memref<64x129xf32, #tpu.memory_space<vmem>>[vector<16xi32>, vector<16xi32>], vector<16xf32>,
        tpu.vector_store_idx %arg8[%add3A_474, %scan3A_515#14], %scan3A_515#15 : memref<64x129xf32, #tpu.memory_space<vmem>>[vector<16xi32>, vector<16xi32>], vector<16xf32>,
        %sub3A = arith.constant 1 : i32
        %sub3A_517 = arith.subi %add3A_428, %sub3A : i32
        %mul3A_518 = arith.constant 1 : i32
        %mul3A_519 = arith.muli %sub3A_517, %mul3A_518 : i32
        %add3A_520 = arith.constant 0 : i32
        %add3A_521 = arith.addi %mul3A_519, %add3A_520 : i32
        %mul3A_522 = arith.constant 8 : i32
        %mul3A_523 = arith.muli %add3A_521, %mul3A_522 : i32
        %add3A_524 = arith.constant 0 : i32
        %add3A_525 = arith.addi %mul3A_523, %add3A_524 : i32
        %mul3A_526 = arith.constant 32 : i32
        %mul3A_527 = arith.muli %add3A_525, %mul3A_526 : i32
        %add3A_528 = arith.addi %mul3A_527, %add3A : i32
        %mul3A_529 = arith.constant 8 : i32
        %mul3A_530 = arith.muli %add3A_528, %mul3A_529 : i32
        %dma_start3A_531 = arith.constant 0 : i32
        %dma_start3A_532 = arith.constant 0 : i32
        %dma_start3A_533 = tpu.memref_slice %arg8[%dma_start3A_531, %dma_start3A_532] : memref<64x129xf32, #tpu.memory_space<vmem>> -> memref<8x128xf32, #tpu.memory_space<vmem>>
        %dma_start3A_534 = arith.constant 0 : i32
        %dma_start3A_535 = tpu.memref_slice %arg4[%mul3A_530, %dma_start3A_534] : memref<409600x128xf32, #tpu.memory_space<hbm>> -> memref<8x128xf32, #tpu.memory_space<hbm>>
        %dma_start3A_536 = arith.constant 0 : i32
        %dma_start3A_537 = tpu.memref_slice %arg4[%mul3A_530, %dma_start3A_536] : memref<409600x128xf32, #tpu.memory_space<hbm>> -> memref<8x128xf32, #tpu.memory_space<hbm>>
        %dma_start3A_538 = arith.constant 0 : i32
        %dma_start3A_539 = arith.constant 0 : i32
        %dma_start3A_540 = tpu.memref_slice %arg8[%dma_start3A_538, %dma_start3A_539] : memref<64x129xf32, #tpu.memory_space<vmem>> -> memref<8x128xf32, #tpu.memory_space<vmem>>
        tpu.enqueue_dma source(%dma_start3A_540 : memref<8x128xf32, #tpu.memory_space<vmem>>) target(%dma_start3A_537 : memref<8x128xf32, #tpu.memory_space<hbm>>) target_semaphore(%arg12 : memref<!tpu.dma_semaphore, #tpu.memory_space<semaphore_mem>>)
        %mul3A_541 = arith.constant 1 : i32
        %mul3A_542 = arith.muli %sub3A_517, %mul3A_541 : i32
        %add3A_543 = arith.constant 0 : i32
        %add3A_544 = arith.addi %mul3A_542, %add3A_543 : i32
        %mul3A_545 = arith.constant 8 : i32
        %mul3A_546 = arith.muli %add3A_544, %mul3A_545 : i32
        %add3A_547 = arith.constant 1 : i32
        %add3A_548 = arith.addi %mul3A_546, %add3A_547 : i32
        %mul3A_549 = arith.constant 32 : i32
        %mul3A_550 = arith.muli %add3A_548, %mul3A_549 : i32
        %add3A_551 = arith.addi %mul3A_550, %add3A : i32
        %mul3A_552 = arith.constant 8 : i32
        %mul3A_553 = arith.muli %add3A_551, %mul3A_552 : i32
        %dma_start3A_554 = arith.constant 8 : i32
        %dma_start3A_555 = arith.constant 0 : i32
        %dma_start3A_556 = tpu.memref_slice %arg8[%dma_start3A_554, %dma_start3A_555] : memref<64x129xf32, #tpu.memory_space<vmem>> -> memref<8x128xf32, #tpu.memory_space<vmem>>
        %dma_start3A_557 = arith.constant 0 : i32
        %dma_start3A_558 = tpu.memref_slice %arg4[%mul3A_553, %dma_start3A_557] : memref<409600x128xf32, #tpu.memory_space<hbm>> -> memref<8x128xf32, #tpu.memory_space<hbm>>
        %dma_start3A_559 = arith.constant 0 : i32
        %dma_start3A_560 = tpu.memref_slice %arg4[%mul3A_553, %dma_start3A_559] : memref<409600x128xf32, #tpu.memory_space<hbm>> -> memref<8x128xf32, #tpu.memory_space<hbm>>
        %dma_start3A_561 = arith.constant 8 : i32
        %dma_start3A_562 = arith.constant 0 : i32
        %dma_start3A_563 = tpu.memref_slice %arg8[%dma_start3A_561, %dma_start3A_562] : memref<64x129xf32, #tpu.memory_space<vmem>> -> memref<8x128xf32, #tpu.memory_space<vmem>>
        tpu.enqueue_dma source(%dma_start3A_563 : memref<8x128xf32, #tpu.memory_space<vmem>>) target(%dma_start3A_560 : memref<8x128xf32, #tpu.memory_space<hbm>>) target_semaphore(%arg12 : memref<!tpu.dma_semaphore, #tpu.memory_space<semaphore_mem>>)
        %mul3A_564 = arith.constant 1 : i32
        %mul3A_565 = arith.muli %sub3A_517, %mul3A_564 : i32
        %add3A_566 = arith.constant 0 : i32
        %add3A_567 = arith.addi %mul3A_565, %add3A_566 : i32
        %mul3A_568 = arith.constant 8 : i32
        %mul3A_569 = arith.muli %add3A_567, %mul3A_568 : i32
        %add3A_570 = arith.constant 2 : i32
        %add3A_571 = arith.addi %mul3A_569, %add3A_570 : i32
        %mul3A_572 = arith.constant 32 : i32
        %mul3A_573 = arith.muli %add3A_571, %mul3A_572 : i32
        %add3A_574 = arith.addi %mul3A_573, %add3A : i32
        %mul3A_575 = arith.constant 8 : i32
        %mul3A_576 = arith.muli %add3A_574, %mul3A_575 : i32
        %dma_start3A_577 = arith.constant 16 : i32
        %dma_start3A_578 = arith.constant 0 : i32
        %dma_start3A_579 = tpu.memref_slice %arg8[%dma_start3A_577, %dma_start3A_578] : memref<64x129xf32, #tpu.memory_space<vmem>> -> memref<8x128xf32, #tpu.memory_space<vmem>>
        %dma_start3A_580 = arith.constant 0 : i32
        %dma_start3A_581 = tpu.memref_slice %arg4[%mul3A_576, %dma_start3A_580] : memref<409600x128xf32, #tpu.memory_space<hbm>> -> memref<8x128xf32, #tpu.memory_space<hbm>>
        %dma_start3A_582 = arith.constant 0 : i32
        %dma_start3A_583 = tpu.memref_slice %arg4[%mul3A_576, %dma_start3A_582] : memref<409600x128xf32, #tpu.memory_space<hbm>> -> memref<8x128xf32, #tpu.memory_space<hbm>>
        %dma_start3A_584 = arith.constant 16 : i32
        %dma_start3A_585 = arith.constant 0 : i32
        %dma_start3A_586 = tpu.memref_slice %arg8[%dma_start3A_584, %dma_start3A_585] : memref<64x129xf32, #tpu.memory_space<vmem>> -> memref<8x128xf32, #tpu.memory_space<vmem>>
        tpu.enqueue_dma source(%dma_start3A_586 : memref<8x128xf32, #tpu.memory_space<vmem>>) target(%dma_start3A_583 : memref<8x128xf32, #tpu.memory_space<hbm>>) target_semaphore(%arg12 : memref<!tpu.dma_semaphore, #tpu.memory_space<semaphore_mem>>)
        %mul3A_587 = arith.constant 1 : i32
        %mul3A_588 = arith.muli %sub3A_517, %mul3A_587 : i32
        %add3A_589 = arith.constant 0 : i32
        %add3A_590 = arith.addi %mul3A_588, %add3A_589 : i32
        %mul3A_591 = arith.constant 8 : i32
        %mul3A_592 = arith.muli %add3A_590, %mul3A_591 : i32
        %add3A_593 = arith.constant 3 : i32
        %add3A_594 = arith.addi %mul3A_592, %add3A_593 : i32
        %mul3A_595 = arith.constant 32 : i32
        %mul3A_596 = arith.muli %add3A_594, %mul3A_595 : i32
        %add3A_597 = arith.addi %mul3A_596, %add3A : i32
        %mul3A_598 = arith.constant 8 : i32
        %mul3A_599 = arith.muli %add3A_597, %mul3A_598 : i32
        %dma_start3A_600 = arith.constant 24 : i32
        %dma_start3A_601 = arith.constant 0 : i32
        %dma_start3A_602 = tpu.memref_slice %arg8[%dma_start3A_600, %dma_start3A_601] : memref<64x129xf32, #tpu.memory_space<vmem>> -> memref<8x128xf32, #tpu.memory_space<vmem>>
        %dma_start3A_603 = arith.constant 0 : i32
        %dma_start3A_604 = tpu.memref_slice %arg4[%mul3A_599, %dma_start3A_603] : memref<409600x128xf32, #tpu.memory_space<hbm>> -> memref<8x128xf32, #tpu.memory_space<hbm>>
        %dma_start3A_605 = arith.constant 0 : i32
        %dma_start3A_606 = tpu.memref_slice %arg4[%mul3A_599, %dma_start3A_605] : memref<409600x128xf32, #tpu.memory_space<hbm>> -> memref<8x128xf32, #tpu.memory_space<hbm>>
        %dma_start3A_607 = arith.constant 24 : i32
        %dma_start3A_608 = arith.constant 0 : i32
        %dma_start3A_609 = tpu.memref_slice %arg8[%dma_start3A_607, %dma_start3A_608] : memref<64x129xf32, #tpu.memory_space<vmem>> -> memref<8x128xf32, #tpu.memory_space<vmem>>
        tpu.enqueue_dma source(%dma_start3A_609 : memref<8x128xf32, #tpu.memory_space<vmem>>) target(%dma_start3A_606 : memref<8x128xf32, #tpu.memory_space<hbm>>) target_semaphore(%arg12 : memref<!tpu.dma_semaphore, #tpu.memory_space<semaphore_mem>>)
        %mul3A_610 = arith.constant 1 : i32
        %mul3A_611 = arith.muli %sub3A_517, %mul3A_610 : i32
        %add3A_612 = arith.constant 0 : i32
        %add3A_613 = arith.addi %mul3A_611, %add3A_612 : i32
        %mul3A_614 = arith.constant 8 : i32
        %mul3A_615 = arith.muli %add3A_613, %mul3A_614 : i32
        %add3A_616 = arith.constant 4 : i32
        %add3A_617 = arith.addi %mul3A_615, %add3A_616 : i32
        %mul3A_618 = arith.constant 32 : i32
        %mul3A_619 = arith.muli %add3A_617, %mul3A_618 : i32
        %add3A_620 = arith.addi %mul3A_619, %add3A : i32
        %mul3A_621 = arith.constant 8 : i32
        %mul3A_622 = arith.muli %add3A_620, %mul3A_621 : i32
        %dma_start3A_623 = arith.constant 32 : i32
        %dma_start3A_624 = arith.constant 0 : i32
        %dma_start3A_625 = tpu.memref_slice %arg8[%dma_start3A_623, %dma_start3A_624] : memref<64x129xf32, #tpu.memory_space<vmem>> -> memref<8x128xf32, #tpu.memory_space<vmem>>
        %dma_start3A_626 = arith.constant 0 : i32
        %dma_start3A_627 = tpu.memref_slice %arg4[%mul3A_622, %dma_start3A_626] : memref<409600x128xf32, #tpu.memory_space<hbm>> -> memref<8x128xf32, #tpu.memory_space<hbm>>
        %dma_start3A_628 = arith.constant 0 : i32
        %dma_start3A_629 = tpu.memref_slice %arg4[%mul3A_622, %dma_start3A_628] : memref<409600x128xf32, #tpu.memory_space<hbm>> -> memref<8x128xf32, #tpu.memory_space<hbm>>
        %dma_start3A_630 = arith.constant 32 : i32
        %dma_start3A_631 = arith.constant 0 : i32
        %dma_start3A_632 = tpu.memref_slice %arg8[%dma_start3A_630, %dma_start3A_631] : memref<64x129xf32, #tpu.memory_space<vmem>> -> memref<8x128xf32, #tpu.memory_space<vmem>>
        tpu.enqueue_dma source(%dma_start3A_632 : memref<8x128xf32, #tpu.memory_space<vmem>>) target(%dma_start3A_629 : memref<8x128xf32, #tpu.memory_space<hbm>>) target_semaphore(%arg12 : memref<!tpu.dma_semaphore, #tpu.memory_space<semaphore_mem>>)
        %mul3A_633 = arith.constant 1 : i32
        %mul3A_634 = arith.muli %sub3A_517, %mul3A_633 : i32
        %add3A_635 = arith.constant 0 : i32
        %add3A_636 = arith.addi %mul3A_634, %add3A_635 : i32
        %mul3A_637 = arith.constant 8 : i32
        %mul3A_638 = arith.muli %add3A_636, %mul3A_637 : i32
        %add3A_639 = arith.constant 5 : i32
        %add3A_640 = arith.addi %mul3A_638, %add3A_639 : i32
        %mul3A_641 = arith.constant 32 : i32
        %mul3A_642 = arith.muli %add3A_640, %mul3A_641 : i32
        %add3A_643 = arith.addi %mul3A_642, %add3A : i32
        %mul3A_644 = arith.constant 8 : i32
        %mul3A_645 = arith.muli %add3A_643, %mul3A_644 : i32
        %dma_start3A_646 = arith.constant 40 : i32
        %dma_start3A_647 = arith.constant 0 : i32
        %dma_start3A_648 = tpu.memref_slice %arg8[%dma_start3A_646, %dma_start3A_647] : memref<64x129xf32, #tpu.memory_space<vmem>> -> memref<8x128xf32, #tpu.memory_space<vmem>>
        %dma_start3A_649 = arith.constant 0 : i32
        %dma_start3A_650 = tpu.memref_slice %arg4[%mul3A_645, %dma_start3A_649] : memref<409600x128xf32, #tpu.memory_space<hbm>> -> memref<8x128xf32, #tpu.memory_space<hbm>>
        %dma_start3A_651 = arith.constant 0 : i32
        %dma_start3A_652 = tpu.memref_slice %arg4[%mul3A_645, %dma_start3A_651] : memref<409600x128xf32, #tpu.memory_space<hbm>> -> memref<8x128xf32, #tpu.memory_space<hbm>>
        %dma_start3A_653 = arith.constant 40 : i32
        %dma_start3A_654 = arith.constant 0 : i32
        %dma_start3A_655 = tpu.memref_slice %arg8[%dma_start3A_653, %dma_start3A_654] : memref<64x129xf32, #tpu.memory_space<vmem>> -> memref<8x128xf32, #tpu.memory_space<vmem>>
        tpu.enqueue_dma source(%dma_start3A_655 : memref<8x128xf32, #tpu.memory_space<vmem>>) target(%dma_start3A_652 : memref<8x128xf32, #tpu.memory_space<hbm>>) target_semaphore(%arg12 : memref<!tpu.dma_semaphore, #tpu.memory_space<semaphore_mem>>)
        %mul3A_656 = arith.constant 1 : i32
        %mul3A_657 = arith.muli %sub3A_517, %mul3A_656 : i32
        %add3A_658 = arith.constant 0 : i32
        %add3A_659 = arith.addi %mul3A_657, %add3A_658 : i32
        %mul3A_660 = arith.constant 8 : i32
        %mul3A_661 = arith.muli %add3A_659, %mul3A_660 : i32
        %add3A_662 = arith.constant 6 : i32
        %add3A_663 = arith.addi %mul3A_661, %add3A_662 : i32
        %mul3A_664 = arith.constant 32 : i32
        %mul3A_665 = arith.muli %add3A_663, %mul3A_664 : i32
        %add3A_666 = arith.addi %mul3A_665, %add3A : i32
        %mul3A_667 = arith.constant 8 : i32
        %mul3A_668 = arith.muli %add3A_666, %mul3A_667 : i32
        %dma_start3A_669 = arith.constant 48 : i32
        %dma_start3A_670 = arith.constant 0 : i32
        %dma_start3A_671 = tpu.memref_slice %arg8[%dma_start3A_669, %dma_start3A_670] : memref<64x129xf32, #tpu.memory_space<vmem>> -> memref<8x128xf32, #tpu.memory_space<vmem>>
        %dma_start3A_672 = arith.constant 0 : i32
        %dma_start3A_673 = tpu.memref_slice %arg4[%mul3A_668, %dma_start3A_672] : memref<409600x128xf32, #tpu.memory_space<hbm>> -> memref<8x128xf32, #tpu.memory_space<hbm>>
        %dma_start3A_674 = arith.constant 0 : i32
        %dma_start3A_675 = tpu.memref_slice %arg4[%mul3A_668, %dma_start3A_674] : memref<409600x128xf32, #tpu.memory_space<hbm>> -> memref<8x128xf32, #tpu.memory_space<hbm>>
        %dma_start3A_676 = arith.constant 48 : i32
        %dma_start3A_677 = arith.constant 0 : i32
        %dma_start3A_678 = tpu.memref_slice %arg8[%dma_start3A_676, %dma_start3A_677] : memref<64x129xf32, #tpu.memory_space<vmem>> -> memref<8x128xf32, #tpu.memory_space<vmem>>
        tpu.enqueue_dma source(%dma_start3A_678 : memref<8x128xf32, #tpu.memory_space<vmem>>) target(%dma_start3A_675 : memref<8x128xf32, #tpu.memory_space<hbm>>) target_semaphore(%arg12 : memref<!tpu.dma_semaphore, #tpu.memory_space<semaphore_mem>>)
        %mul3A_679 = arith.constant 1 : i32
        %mul3A_680 = arith.muli %sub3A_517, %mul3A_679 : i32
        %add3A_681 = arith.constant 0 : i32
        %add3A_682 = arith.addi %mul3A_680, %add3A_681 : i32
        %mul3A_683 = arith.constant 8 : i32
        %mul3A_684 = arith.muli %add3A_682, %mul3A_683 : i32
        %add3A_685 = arith.constant 7 : i32
        %add3A_686 = arith.addi %mul3A_684, %add3A_685 : i32
        %mul3A_687 = arith.constant 32 : i32
        %mul3A_688 = arith.muli %add3A_686, %mul3A_687 : i32
        %add3A_689 = arith.addi %mul3A_688, %add3A : i32
        %mul3A_690 = arith.constant 8 : i32
        %mul3A_691 = arith.muli %add3A_689, %mul3A_690 : i32
        %dma_start3A_692 = arith.constant 56 : i32
        %dma_start3A_693 = arith.constant 0 : i32
        %dma_start3A_694 = tpu.memref_slice %arg8[%dma_start3A_692, %dma_start3A_693] : memref<64x129xf32, #tpu.memory_space<vmem>> -> memref<8x128xf32, #tpu.memory_space<vmem>>
        %dma_start3A_695 = arith.constant 0 : i32
        %dma_start3A_696 = tpu.memref_slice %arg4[%mul3A_691, %dma_start3A_695] : memref<409600x128xf32, #tpu.memory_space<hbm>> -> memref<8x128xf32, #tpu.memory_space<hbm>>
        %dma_start3A_697 = arith.constant 0 : i32
        %dma_start3A_698 = tpu.memref_slice %arg4[%mul3A_691, %dma_start3A_697] : memref<409600x128xf32, #tpu.memory_space<hbm>> -> memref<8x128xf32, #tpu.memory_space<hbm>>
        %dma_start3A_699 = arith.constant 56 : i32
        %dma_start3A_700 = arith.constant 0 : i32
        %dma_start3A_701 = tpu.memref_slice %arg8[%dma_start3A_699, %dma_start3A_700] : memref<64x129xf32, #tpu.memory_space<vmem>> -> memref<8x128xf32, #tpu.memory_space<vmem>>
        tpu.enqueue_dma source(%dma_start3A_701 : memref<8x128xf32, #tpu.memory_space<vmem>>) target(%dma_start3A_698 : memref<8x128xf32, #tpu.memory_space<hbm>>) target_semaphore(%arg12 : memref<!tpu.dma_semaphore, #tpu.memory_space<semaphore_mem>>)
      } else {
      }
    }
    %scan3A_5 = arith.constant 100 : i32
    %dma_wait3A = arith.constant 0 : i32
    %dma_wait3A_6 = arith.constant 0 : i32
    %dma_wait3A_7 = arith.constant 0 : i32
    %dma_wait3A_8 = tpu.memref_slice %arg7[%dma_wait3A_6, %dma_wait3A_7] : memref<128x64xf32, #tpu.memory_space<vmem>> -> memref<128x64xf32, #tpu.memory_space<vmem>>
    %dma_wait3A_9 = arith.constant 0 : i32
    %dma_wait3A_10 = tpu.memref_slice %arg5[%dma_wait3A, %dma_wait3A_9] : memref<200x128xi32, #tpu.memory_space<vmem>> -> memref<1x128xi32, #tpu.memory_space<vmem>>
    %dma_wait3A_11 = tpu.memref_squeeze %dma_wait3A_10 : memref<1x128xi32, #tpu.memory_space<vmem>> -> memref<128xi32, #tpu.memory_space<vmem>>
    %dma_wait3A_12 = arith.constant 0 : i32
    %dma_wait3A_13 = arith.constant 0 : i32
    %dma_wait3A_14 = tpu.memref_slice %arg3[%dma_wait3A_12, %dma_wait3A_13] : memref<2000000x64xf32, #tpu.memory_space<hbm>> -> memref<2000000x64xf32, #tpu.memory_space<hbm>>
    tpu.wait_indirect_dma semaphore(%arg11 : memref<!tpu.dma_semaphore, #tpu.memory_space<semaphore_mem>>) src(%dma_wait3A_14 : memref<2000000x64xf32, #tpu.memory_space<hbm>>) dst(%dma_wait3A_8 : memref<128x64xf32, #tpu.memory_space<vmem>>)
    %iota3A = tpu.iota {dimensions = array<i32: 0>} : vector<16xi32>
    %add3A_15 = arith.constant 0 : i32
    %add3A_16 = vector.broadcast %add3A_15 : i32 to vector<16xi32>
    %add3A_17 = arith.addi %iota3A, %add3A_16 : vector<16xi32>
    %add3A_18 = arith.constant 16 : i32
    %add3A_19 = vector.broadcast %add3A_18 : i32 to vector<16xi32>
    %add3A_20 = arith.addi %iota3A, %add3A_19 : vector<16xi32>
    %add3A_21 = arith.constant 32 : i32
    %add3A_22 = vector.broadcast %add3A_21 : i32 to vector<16xi32>
    %add3A_23 = arith.addi %iota3A, %add3A_22 : vector<16xi32>
    %add3A_24 = arith.constant 48 : i32
    %add3A_25 = vector.broadcast %add3A_24 : i32 to vector<16xi32>
    %add3A_26 = arith.addi %iota3A, %add3A_25 : vector<16xi32>
    %broadcast_in_dim3A = arith.constant 0 : i32
    %broadcast_in_dim3A_27 = vector.broadcast %broadcast_in_dim3A : i32 to vector<16xi32>
    %get3A = arith.constant 0 : i32
    %get3A_28 = arith.index_cast %get3A : i32 to index
    %get3A_29 = arith.constant 0 : index
    %get3A_30 = tpu.vector_load %arg7[%get3A_28, %get3A_29] {strides = array<i32>} : memref<128x64xf32, #tpu.memory_space<vmem>>, vector<16xf32>,
    %get3A_31 = arith.constant 0 : i32
    %get3A_32 = arith.index_cast %get3A_31 : i32 to index
    %get3A_33 = arith.constant 16 : index
    %get3A_34 = tpu.vector_load %arg7[%get3A_32, %get3A_33] {strides = array<i32>} : memref<128x64xf32, #tpu.memory_space<vmem>>, vector<16xf32>,
    %get3A_35 = arith.constant 0 : i32
    %get3A_36 = arith.index_cast %get3A_35 : i32 to index
    %get3A_37 = arith.constant 32 : index
    %get3A_38 = tpu.vector_load %arg7[%get3A_36, %get3A_37] {strides = array<i32>} : memref<128x64xf32, #tpu.memory_space<vmem>>, vector<16xf32>,
    %get3A_39 = arith.constant 0 : i32
    %get3A_40 = arith.index_cast %get3A_39 : i32 to index
    %get3A_41 = arith.constant 48 : index
    %get3A_42 = tpu.vector_load %arg7[%get3A_40, %get3A_41] {strides = array<i32>} : memref<128x64xf32, #tpu.memory_space<vmem>>, vector<16xf32>,
    %broadcast_in_dim3A_43 = arith.constant 1 : i32
    %broadcast_in_dim3A_44 = vector.broadcast %broadcast_in_dim3A_43 : i32 to vector<16xi32>
    %get3A_45 = arith.constant 1 : i32
    %get3A_46 = arith.index_cast %get3A_45 : i32 to index
    %get3A_47 = arith.constant 0 : index
    %get3A_48 = tpu.vector_load %arg7[%get3A_46, %get3A_47] {strides = array<i32>} : memref<128x64xf32, #tpu.memory_space<vmem>>, vector<16xf32>,
    %get3A_49 = arith.constant 1 : i32
    %get3A_50 = arith.index_cast %get3A_49 : i32 to index
    %get3A_51 = arith.constant 16 : index
    %get3A_52 = tpu.vector_load %arg7[%get3A_50, %get3A_51] {strides = array<i32>} : memref<128x64xf32, #tpu.memory_space<vmem>>, vector<16xf32>,
    %get3A_53 = arith.constant 1 : i32
    %get3A_54 = arith.index_cast %get3A_53 : i32 to index
    %get3A_55 = arith.constant 32 : index
    %get3A_56 = tpu.vector_load %arg7[%get3A_54, %get3A_55] {strides = array<i32>} : memref<128x64xf32, #tpu.memory_space<vmem>>, vector<16xf32>,
    %get3A_57 = arith.constant 1 : i32
    %get3A_58 = arith.index_cast %get3A_57 : i32 to index
    %get3A_59 = arith.constant 48 : index
    %get3A_60 = tpu.vector_load %arg7[%get3A_58, %get3A_59] {strides = array<i32>} : memref<128x64xf32, #tpu.memory_space<vmem>>, vector<16xf32>,
    %scan3A_61 = arith.constant 1 : i32
    %scan3A_62 = arith.constant 63 : i32
    %scan3A_63 = arith.addi %scan3A_61, %scan3A_62 : i32
    %scan3A_64 = arith.constant 1 : i32
    %scan3A_65:16 = scf.for %scan3A_402 = %scan3A_61 to %scan3A_63 step %scan3A_64 iter_args(%scan3A_403 = %broadcast_in_dim3A_27, %scan3A_404 = %get3A_30, %scan3A_405 = %broadcast_in_dim3A_27, %scan3A_406 = %get3A_34, %scan3A_407 = %broadcast_in_dim3A_27, %scan3A_408 = %get3A_38, %scan3A_409 = %broadcast_in_dim3A_27, %scan3A_410 = %get3A_42, %scan3A_411 = %broadcast_in_dim3A_44, %scan3A_412 = %get3A_48, %scan3A_413 = %broadcast_in_dim3A_44, %scan3A_414 = %get3A_52, %scan3A_415 = %broadcast_in_dim3A_44, %scan3A_416 = %get3A_56, %scan3A_417 = %broadcast_in_dim3A_44, %scan3A_418 = %get3A_60) -> (vector<16xi32>, vector<16xf32>, vector<16xi32>, vector<16xf32>, vector<16xi32>, vector<16xf32>, vector<16xi32>, vector<16xf32>, vector<16xi32>, vector<16xf32>, vector<16xi32>, vector<16xf32>, vector<16xi32>, vector<16xf32>, vector<16xi32>, vector<16xf32>)  : i32 {
      %mul3A_419 = arith.constant 2 : i32
      %mul3A_420 = arith.muli %scan3A_402, %mul3A_419 : i32
      %add3A_421 = arith.constant 0 : i32
      %add3A_422 = arith.addi %mul3A_420, %add3A_421 : i32
      %add3A_423 = arith.constant 0 : i32
      %add3A_424 = arith.addi %add3A_423, %add3A_422 : i32
      %broadcast_in_dim3A_425 = vector.broadcast %add3A_422 : i32 to vector<16xi32>
      %get3A_426 = arith.index_cast %add3A_424 : i32 to index
      %get3A_427 = arith.constant 0 : index
      %get3A_428 = tpu.vector_load %arg7[%get3A_426, %get3A_427] {strides = array<i32>} : memref<128x64xf32, #tpu.memory_space<vmem>>, vector<16xf32>,
      %get3A_429 = arith.index_cast %add3A_424 : i32 to index
      %get3A_430 = arith.constant 16 : index
      %get3A_431 = tpu.vector_load %arg7[%get3A_429, %get3A_430] {strides = array<i32>} : memref<128x64xf32, #tpu.memory_space<vmem>>, vector<16xf32>,
      %get3A_432 = arith.index_cast %add3A_424 : i32 to index
      %get3A_433 = arith.constant 32 : index
      %get3A_434 = tpu.vector_load %arg7[%get3A_432, %get3A_433] {strides = array<i32>} : memref<128x64xf32, #tpu.memory_space<vmem>>, vector<16xf32>,
      %get3A_435 = arith.index_cast %add3A_424 : i32 to index
      %get3A_436 = arith.constant 48 : index
      %get3A_437 = tpu.vector_load %arg7[%get3A_435, %get3A_436] {strides = array<i32>} : memref<128x64xf32, #tpu.memory_space<vmem>>, vector<16xf32>,
      %mul3A_438 = arith.constant 2 : i32
      %mul3A_439 = arith.muli %scan3A_402, %mul3A_438 : i32
      %add3A_440 = arith.constant 1 : i32
      %add3A_441 = arith.addi %mul3A_439, %add3A_440 : i32
      %add3A_442 = arith.constant 0 : i32
      %add3A_443 = arith.addi %add3A_442, %add3A_441 : i32
      %broadcast_in_dim3A_444 = vector.broadcast %add3A_441 : i32 to vector<16xi32>
      %get3A_445 = arith.index_cast %add3A_443 : i32 to index
      %get3A_446 = arith.constant 0 : index
      %get3A_447 = tpu.vector_load %arg7[%get3A_445, %get3A_446] {strides = array<i32>} : memref<128x64xf32, #tpu.memory_space<vmem>>, vector<16xf32>,
      %get3A_448 = arith.index_cast %add3A_443 : i32 to index
      %get3A_449 = arith.constant 16 : index
      %get3A_450 = tpu.vector_load %arg7[%get3A_448, %get3A_449] {strides = array<i32>} : memref<128x64xf32, #tpu.memory_space<vmem>>, vector<16xf32>,
      %get3A_451 = arith.index_cast %add3A_443 : i32 to index
      %get3A_452 = arith.constant 32 : index
      %get3A_453 = tpu.vector_load %arg7[%get3A_451, %get3A_452] {strides = array<i32>} : memref<128x64xf32, #tpu.memory_space<vmem>>, vector<16xf32>,
      %get3A_454 = arith.index_cast %add3A_443 : i32 to index
      %get3A_455 = arith.constant 48 : index
      %get3A_456 = tpu.vector_load %arg7[%get3A_454, %get3A_455] {strides = array<i32>} : memref<128x64xf32, #tpu.memory_space<vmem>>, vector<16xf32>,
      tpu.vector_store_idx %arg9[%add3A_17, %scan3A_403], %scan3A_404 : memref<64x129xf32, #tpu.memory_space<vmem>>[vector<16xi32>, vector<16xi32>], vector<16xf32>,
      tpu.vector_store_idx %arg9[%add3A_20, %scan3A_405], %scan3A_406 : memref<64x129xf32, #tpu.memory_space<vmem>>[vector<16xi32>, vector<16xi32>], vector<16xf32>,
      tpu.vector_store_idx %arg9[%add3A_23, %scan3A_407], %scan3A_408 : memref<64x129xf32, #tpu.memory_space<vmem>>[vector<16xi32>, vector<16xi32>], vector<16xf32>,
      tpu.vector_store_idx %arg9[%add3A_26, %scan3A_409], %scan3A_410 : memref<64x129xf32, #tpu.memory_space<vmem>>[vector<16xi32>, vector<16xi32>], vector<16xf32>,
      tpu.vector_store_idx %arg9[%add3A_17, %scan3A_411], %scan3A_412 : memref<64x129xf32, #tpu.memory_space<vmem>>[vector<16xi32>, vector<16xi32>], vector<16xf32>,
      tpu.vector_store_idx %arg9[%add3A_20, %scan3A_413], %scan3A_414 : memref<64x129xf32, #tpu.memory_space<vmem>>[vector<16xi32>, vector<16xi32>], vector<16xf32>,
      tpu.vector_store_idx %arg9[%add3A_23, %scan3A_415], %scan3A_416 : memref<64x129xf32, #tpu.memory_space<vmem>>[vector<16xi32>, vector<16xi32>], vector<16xf32>,
      tpu.vector_store_idx %arg9[%add3A_26, %scan3A_417], %scan3A_418 : memref<64x129xf32, #tpu.memory_space<vmem>>[vector<16xi32>, vector<16xi32>], vector<16xf32>,
      scf.yield %broadcast_in_dim3A_425, %get3A_428, %broadcast_in_dim3A_425, %get3A_431, %broadcast_in_dim3A_425, %get3A_434, %broadcast_in_dim3A_425, %get3A_437, %broadcast_in_dim3A_444, %get3A_447, %broadcast_in_dim3A_444, %get3A_450, %broadcast_in_dim3A_444, %get3A_453, %broadcast_in_dim3A_444, %get3A_456 : vector<16xi32>, vector<16xf32>, vector<16xi32>, vector<16xf32>, vector<16xi32>, vector<16xf32>, vector<16xi32>, vector<16xf32>, vector<16xi32>, vector<16xf32>, vector<16xi32>, vector<16xf32>, vector<16xi32>, vector<16xf32>, vector<16xi32>, vector<16xf32>
    }
    %scan3A_66 = arith.constant 63 : i32
    tpu.vector_store_idx %arg9[%add3A_17, %scan3A_65#0], %scan3A_65#1 : memref<64x129xf32, #tpu.memory_space<vmem>>[vector<16xi32>, vector<16xi32>], vector<16xf32>,
    tpu.vector_store_idx %arg9[%add3A_20, %scan3A_65#2], %scan3A_65#3 : memref<64x129xf32, #tpu.memory_space<vmem>>[vector<16xi32>, vector<16xi32>], vector<16xf32>,
    tpu.vector_store_idx %arg9[%add3A_23, %scan3A_65#4], %scan3A_65#5 : memref<64x129xf32, #tpu.memory_space<vmem>>[vector<16xi32>, vector<16xi32>], vector<16xf32>,
    tpu.vector_store_idx %arg9[%add3A_26, %scan3A_65#6], %scan3A_65#7 : memref<64x129xf32, #tpu.memory_space<vmem>>[vector<16xi32>, vector<16xi32>], vector<16xf32>,
    tpu.vector_store_idx %arg9[%add3A_17, %scan3A_65#8], %scan3A_65#9 : memref<64x129xf32, #tpu.memory_space<vmem>>[vector<16xi32>, vector<16xi32>], vector<16xf32>,
    tpu.vector_store_idx %arg9[%add3A_20, %scan3A_65#10], %scan3A_65#11 : memref<64x129xf32, #tpu.memory_space<vmem>>[vector<16xi32>, vector<16xi32>], vector<16xf32>,
    tpu.vector_store_idx %arg9[%add3A_23, %scan3A_65#12], %scan3A_65#13 : memref<64x129xf32, #tpu.memory_space<vmem>>[vector<16xi32>, vector<16xi32>], vector<16xf32>,
    tpu.vector_store_idx %arg9[%add3A_26, %scan3A_65#14], %scan3A_65#15 : memref<64x129xf32, #tpu.memory_space<vmem>>[vector<16xi32>, vector<16xi32>], vector<16xf32>,
    %add3A_67 = arith.constant 50944 : i32
    %add3A_68 = arith.addi %add3A_67, %add3A : i32
    %mul3A_69 = arith.constant 8 : i32
    %mul3A_70 = arith.muli %add3A_68, %mul3A_69 : i32
    %dma_start3A = arith.constant 0 : i32
    %dma_start3A_71 = arith.constant 0 : i32
    %dma_start3A_72 = tpu.memref_slice %arg9[%dma_start3A, %dma_start3A_71] : memref<64x129xf32, #tpu.memory_space<vmem>> -> memref<8x128xf32, #tpu.memory_space<vmem>>
    %dma_start3A_73 = arith.constant 0 : i32
    %dma_start3A_74 = tpu.memref_slice %arg4[%mul3A_70, %dma_start3A_73] : memref<409600x128xf32, #tpu.memory_space<hbm>> -> memref<8x128xf32, #tpu.memory_space<hbm>>
    %dma_start3A_75 = arith.constant 0 : i32
    %dma_start3A_76 = tpu.memref_slice %arg4[%mul3A_70, %dma_start3A_75] : memref<409600x128xf32, #tpu.memory_space<hbm>> -> memref<8x128xf32, #tpu.memory_space<hbm>>
    %dma_start3A_77 = arith.constant 0 : i32
    %dma_start3A_78 = arith.constant 0 : i32
    %dma_start3A_79 = tpu.memref_slice %arg9[%dma_start3A_77, %dma_start3A_78] : memref<64x129xf32, #tpu.memory_space<vmem>> -> memref<8x128xf32, #tpu.memory_space<vmem>>
    tpu.enqueue_dma source(%dma_start3A_79 : memref<8x128xf32, #tpu.memory_space<vmem>>) target(%dma_start3A_76 : memref<8x128xf32, #tpu.memory_space<hbm>>) target_semaphore(%arg13 : memref<!tpu.dma_semaphore, #tpu.memory_space<semaphore_mem>>)
    %add3A_80 = arith.constant 50976 : i32
    %add3A_81 = arith.addi %add3A_80, %add3A : i32
    %mul3A_82 = arith.constant 8 : i32
    %mul3A_83 = arith.muli %add3A_81, %mul3A_82 : i32
    %dma_start3A_84 = arith.constant 8 : i32
    %dma_start3A_85 = arith.constant 0 : i32
    %dma_start3A_86 = tpu.memref_slice %arg9[%dma_start3A_84, %dma_start3A_85] : memref<64x129xf32, #tpu.memory_space<vmem>> -> memref<8x128xf32, #tpu.memory_space<vmem>>
    %dma_start3A_87 = arith.constant 0 : i32
    %dma_start3A_88 = tpu.memref_slice %arg4[%mul3A_83, %dma_start3A_87] : memref<409600x128xf32, #tpu.memory_space<hbm>> -> memref<8x128xf32, #tpu.memory_space<hbm>>
    %dma_start3A_89 = arith.constant 0 : i32
    %dma_start3A_90 = tpu.memref_slice %arg4[%mul3A_83, %dma_start3A_89] : memref<409600x128xf32, #tpu.memory_space<hbm>> -> memref<8x128xf32, #tpu.memory_space<hbm>>
    %dma_start3A_91 = arith.constant 8 : i32
    %dma_start3A_92 = arith.constant 0 : i32
    %dma_start3A_93 = tpu.memref_slice %arg9[%dma_start3A_91, %dma_start3A_92] : memref<64x129xf32, #tpu.memory_space<vmem>> -> memref<8x128xf32, #tpu.memory_space<vmem>>
    tpu.enqueue_dma source(%dma_start3A_93 : memref<8x128xf32, #tpu.memory_space<vmem>>) target(%dma_start3A_90 : memref<8x128xf32, #tpu.memory_space<hbm>>) target_semaphore(%arg13 : memref<!tpu.dma_semaphore, #tpu.memory_space<semaphore_mem>>)
    %add3A_94 = arith.constant 51008 : i32
    %add3A_95 = arith.addi %add3A_94, %add3A : i32
    %mul3A_96 = arith.constant 8 : i32
    %mul3A_97 = arith.muli %add3A_95, %mul3A_96 : i32
    %dma_start3A_98 = arith.constant 16 : i32
    %dma_start3A_99 = arith.constant 0 : i32
    %dma_start3A_100 = tpu.memref_slice %arg9[%dma_start3A_98, %dma_start3A_99] : memref<64x129xf32, #tpu.memory_space<vmem>> -> memref<8x128xf32, #tpu.memory_space<vmem>>
    %dma_start3A_101 = arith.constant 0 : i32
    %dma_start3A_102 = tpu.memref_slice %arg4[%mul3A_97, %dma_start3A_101] : memref<409600x128xf32, #tpu.memory_space<hbm>> -> memref<8x128xf32, #tpu.memory_space<hbm>>
    %dma_start3A_103 = arith.constant 0 : i32
    %dma_start3A_104 = tpu.memref_slice %arg4[%mul3A_97, %dma_start3A_103] : memref<409600x128xf32, #tpu.memory_space<hbm>> -> memref<8x128xf32, #tpu.memory_space<hbm>>
    %dma_start3A_105 = arith.constant 16 : i32
    %dma_start3A_106 = arith.constant 0 : i32
    %dma_start3A_107 = tpu.memref_slice %arg9[%dma_start3A_105, %dma_start3A_106] : memref<64x129xf32, #tpu.memory_space<vmem>> -> memref<8x128xf32, #tpu.memory_space<vmem>>
    tpu.enqueue_dma source(%dma_start3A_107 : memref<8x128xf32, #tpu.memory_space<vmem>>) target(%dma_start3A_104 : memref<8x128xf32, #tpu.memory_space<hbm>>) target_semaphore(%arg13 : memref<!tpu.dma_semaphore, #tpu.memory_space<semaphore_mem>>)
    %add3A_108 = arith.constant 51040 : i32
    %add3A_109 = arith.addi %add3A_108, %add3A : i32
    %mul3A_110 = arith.constant 8 : i32
    %mul3A_111 = arith.muli %add3A_109, %mul3A_110 : i32
    %dma_start3A_112 = arith.constant 24 : i32
    %dma_start3A_113 = arith.constant 0 : i32
    %dma_start3A_114 = tpu.memref_slice %arg9[%dma_start3A_112, %dma_start3A_113] : memref<64x129xf32, #tpu.memory_space<vmem>> -> memref<8x128xf32, #tpu.memory_space<vmem>>
    %dma_start3A_115 = arith.constant 0 : i32
    %dma_start3A_116 = tpu.memref_slice %arg4[%mul3A_111, %dma_start3A_115] : memref<409600x128xf32, #tpu.memory_space<hbm>> -> memref<8x128xf32, #tpu.memory_space<hbm>>
    %dma_start3A_117 = arith.constant 0 : i32
    %dma_start3A_118 = tpu.memref_slice %arg4[%mul3A_111, %dma_start3A_117] : memref<409600x128xf32, #tpu.memory_space<hbm>> -> memref<8x128xf32, #tpu.memory_space<hbm>>
    %dma_start3A_119 = arith.constant 24 : i32
    %dma_start3A_120 = arith.constant 0 : i32
    %dma_start3A_121 = tpu.memref_slice %arg9[%dma_start3A_119, %dma_start3A_120] : memref<64x129xf32, #tpu.memory_space<vmem>> -> memref<8x128xf32, #tpu.memory_space<vmem>>
    tpu.enqueue_dma source(%dma_start3A_121 : memref<8x128xf32, #tpu.memory_space<vmem>>) target(%dma_start3A_118 : memref<8x128xf32, #tpu.memory_space<hbm>>) target_semaphore(%arg13 : memref<!tpu.dma_semaphore, #tpu.memory_space<semaphore_mem>>)
    %add3A_122 = arith.constant 51072 : i32
    %add3A_123 = arith.addi %add3A_122, %add3A : i32
    %mul3A_124 = arith.constant 8 : i32
    %mul3A_125 = arith.muli %add3A_123, %mul3A_124 : i32
    %dma_start3A_126 = arith.constant 32 : i32
    %dma_start3A_127 = arith.constant 0 : i32
    %dma_start3A_128 = tpu.memref_slice %arg9[%dma_start3A_126, %dma_start3A_127] : memref<64x129xf32, #tpu.memory_space<vmem>> -> memref<8x128xf32, #tpu.memory_space<vmem>>
    %dma_start3A_129 = arith.constant 0 : i32
    %dma_start3A_130 = tpu.memref_slice %arg4[%mul3A_125, %dma_start3A_129] : memref<409600x128xf32, #tpu.memory_space<hbm>> -> memref<8x128xf32, #tpu.memory_space<hbm>>
    %dma_start3A_131 = arith.constant 0 : i32
    %dma_start3A_132 = tpu.memref_slice %arg4[%mul3A_125, %dma_start3A_131] : memref<409600x128xf32, #tpu.memory_space<hbm>> -> memref<8x128xf32, #tpu.memory_space<hbm>>
    %dma_start3A_133 = arith.constant 32 : i32
    %dma_start3A_134 = arith.constant 0 : i32
    %dma_start3A_135 = tpu.memref_slice %arg9[%dma_start3A_133, %dma_start3A_134] : memref<64x129xf32, #tpu.memory_space<vmem>> -> memref<8x128xf32, #tpu.memory_space<vmem>>
    tpu.enqueue_dma source(%dma_start3A_135 : memref<8x128xf32, #tpu.memory_space<vmem>>) target(%dma_start3A_132 : memref<8x128xf32, #tpu.memory_space<hbm>>) target_semaphore(%arg13 : memref<!tpu.dma_semaphore, #tpu.memory_space<semaphore_mem>>)
    %add3A_136 = arith.constant 51104 : i32
    %add3A_137 = arith.addi %add3A_136, %add3A : i32
    %mul3A_138 = arith.constant 8 : i32
    %mul3A_139 = arith.muli %add3A_137, %mul3A_138 : i32
    %dma_start3A_140 = arith.constant 40 : i32
    %dma_start3A_141 = arith.constant 0 : i32
    %dma_start3A_142 = tpu.memref_slice %arg9[%dma_start3A_140, %dma_start3A_141] : memref<64x129xf32, #tpu.memory_space<vmem>> -> memref<8x128xf32, #tpu.memory_space<vmem>>
    %dma_start3A_143 = arith.constant 0 : i32
    %dma_start3A_144 = tpu.memref_slice %arg4[%mul3A_139, %dma_start3A_143] : memref<409600x128xf32, #tpu.memory_space<hbm>> -> memref<8x128xf32, #tpu.memory_space<hbm>>
    %dma_start3A_145 = arith.constant 0 : i32
    %dma_start3A_146 = tpu.memref_slice %arg4[%mul3A_139, %dma_start3A_145] : memref<409600x128xf32, #tpu.memory_space<hbm>> -> memref<8x128xf32, #tpu.memory_space<hbm>>
    %dma_start3A_147 = arith.constant 40 : i32
    %dma_start3A_148 = arith.constant 0 : i32
    %dma_start3A_149 = tpu.memref_slice %arg9[%dma_start3A_147, %dma_start3A_148] : memref<64x129xf32, #tpu.memory_space<vmem>> -> memref<8x128xf32, #tpu.memory_space<vmem>>
    tpu.enqueue_dma source(%dma_start3A_149 : memref<8x128xf32, #tpu.memory_space<vmem>>) target(%dma_start3A_146 : memref<8x128xf32, #tpu.memory_space<hbm>>) target_semaphore(%arg13 : memref<!tpu.dma_semaphore, #tpu.memory_space<semaphore_mem>>)
    %add3A_150 = arith.constant 51136 : i32
    %add3A_151 = arith.addi %add3A_150, %add3A : i32
    %mul3A_152 = arith.constant 8 : i32
    %mul3A_153 = arith.muli %add3A_151, %mul3A_152 : i32
    %dma_start3A_154 = arith.constant 48 : i32
    %dma_start3A_155 = arith.constant 0 : i32
    %dma_start3A_156 = tpu.memref_slice %arg9[%dma_start3A_154, %dma_start3A_155] : memref<64x129xf32, #tpu.memory_space<vmem>> -> memref<8x128xf32, #tpu.memory_space<vmem>>
    %dma_start3A_157 = arith.constant 0 : i32
    %dma_start3A_158 = tpu.memref_slice %arg4[%mul3A_153, %dma_start3A_157] : memref<409600x128xf32, #tpu.memory_space<hbm>> -> memref<8x128xf32, #tpu.memory_space<hbm>>
    %dma_start3A_159 = arith.constant 0 : i32
    %dma_start3A_160 = tpu.memref_slice %arg4[%mul3A_153, %dma_start3A_159] : memref<409600x128xf32, #tpu.memory_space<hbm>> -> memref<8x128xf32, #tpu.memory_space<hbm>>
    %dma_start3A_161 = arith.constant 48 : i32
    %dma_start3A_162 = arith.constant 0 : i32
    %dma_start3A_163 = tpu.memref_slice %arg9[%dma_start3A_161, %dma_start3A_162] : memref<64x129xf32, #tpu.memory_space<vmem>> -> memref<8x128xf32, #tpu.memory_space<vmem>>
    tpu.enqueue_dma source(%dma_start3A_163 : memref<8x128xf32, #tpu.memory_space<vmem>>) target(%dma_start3A_160 : memref<8x128xf32, #tpu.memory_space<hbm>>) target_semaphore(%arg13 : memref<!tpu.dma_semaphore, #tpu.memory_space<semaphore_mem>>)
    %add3A_164 = arith.constant 51168 : i32
    %add3A_165 = arith.addi %add3A_164, %add3A : i32
    %mul3A_166 = arith.constant 8 : i32
    %mul3A_167 = arith.muli %add3A_165, %mul3A_166 : i32
    %dma_start3A_168 = arith.constant 56 : i32
    %dma_start3A_169 = arith.constant 0 : i32
    %dma_start3A_170 = tpu.memref_slice %arg9[%dma_start3A_168, %dma_start3A_169] : memref<64x129xf32, #tpu.memory_space<vmem>> -> memref<8x128xf32, #tpu.memory_space<vmem>>
    %dma_start3A_171 = arith.constant 0 : i32
    %dma_start3A_172 = tpu.memref_slice %arg4[%mul3A_167, %dma_start3A_171] : memref<409600x128xf32, #tpu.memory_space<hbm>> -> memref<8x128xf32, #tpu.memory_space<hbm>>
    %dma_start3A_173 = arith.constant 0 : i32
    %dma_start3A_174 = tpu.memref_slice %arg4[%mul3A_167, %dma_start3A_173] : memref<409600x128xf32, #tpu.memory_space<hbm>> -> memref<8x128xf32, #tpu.memory_space<hbm>>
    %dma_start3A_175 = arith.constant 56 : i32
    %dma_start3A_176 = arith.constant 0 : i32
    %dma_start3A_177 = tpu.memref_slice %arg9[%dma_start3A_175, %dma_start3A_176] : memref<64x129xf32, #tpu.memory_space<vmem>> -> memref<8x128xf32, #tpu.memory_space<vmem>>
    tpu.enqueue_dma source(%dma_start3A_177 : memref<8x128xf32, #tpu.memory_space<vmem>>) target(%dma_start3A_174 : memref<8x128xf32, #tpu.memory_space<hbm>>) target_semaphore(%arg13 : memref<!tpu.dma_semaphore, #tpu.memory_space<semaphore_mem>>)
    %add3A_178 = arith.constant 50688 : i32
    %add3A_179 = arith.addi %add3A_178, %add3A : i32
    %mul3A_180 = arith.constant 8 : i32
    %mul3A_181 = arith.muli %add3A_179, %mul3A_180 : i32
    %dma_wait3A_182 = arith.constant 0 : i32
    %dma_wait3A_183 = arith.constant 0 : i32
    %dma_wait3A_184 = tpu.memref_slice %arg8[%dma_wait3A_182, %dma_wait3A_183] : memref<64x129xf32, #tpu.memory_space<vmem>> -> memref<8x128xf32, #tpu.memory_space<vmem>>
    %dma_wait3A_185 = arith.constant 0 : i32
    %dma_wait3A_186 = tpu.memref_slice %arg4[%mul3A_181, %dma_wait3A_185] : memref<409600x128xf32, #tpu.memory_space<hbm>> -> memref<8x128xf32, #tpu.memory_space<hbm>>
    %dma_wait3A_187 = arith.constant 0 : i32
    %dma_wait3A_188 = tpu.memref_slice %arg4[%mul3A_181, %dma_wait3A_187] : memref<409600x128xf32, #tpu.memory_space<hbm>> -> memref<8x128xf32, #tpu.memory_space<hbm>>
    %dma_wait3A_189 = arith.constant 0 : i32
    %dma_wait3A_190 = arith.constant 0 : i32
    %dma_wait3A_191 = tpu.memref_slice %arg8[%dma_wait3A_189, %dma_wait3A_190] : memref<64x129xf32, #tpu.memory_space<vmem>> -> memref<8x128xf32, #tpu.memory_space<vmem>>
    tpu.wait_dma2 semaphore(%arg12 : memref<!tpu.dma_semaphore, #tpu.memory_space<semaphore_mem>>) src(%dma_wait3A_191 : memref<8x128xf32, #tpu.memory_space<vmem>>) dst(%dma_wait3A_188 : memref<8x128xf32, #tpu.memory_space<hbm>>)
    %add3A_192 = arith.constant 50720 : i32
    %add3A_193 = arith.addi %add3A_192, %add3A : i32
    %mul3A_194 = arith.constant 8 : i32
    %mul3A_195 = arith.muli %add3A_193, %mul3A_194 : i32
    %dma_wait3A_196 = arith.constant 8 : i32
    %dma_wait3A_197 = arith.constant 0 : i32
    %dma_wait3A_198 = tpu.memref_slice %arg8[%dma_wait3A_196, %dma_wait3A_197] : memref<64x129xf32, #tpu.memory_space<vmem>> -> memref<8x128xf32, #tpu.memory_space<vmem>>
    %dma_wait3A_199 = arith.constant 0 : i32
    %dma_wait3A_200 = tpu.memref_slice %arg4[%mul3A_195, %dma_wait3A_199] : memref<409600x128xf32, #tpu.memory_space<hbm>> -> memref<8x128xf32, #tpu.memory_space<hbm>>
    %dma_wait3A_201 = arith.constant 0 : i32
    %dma_wait3A_202 = tpu.memref_slice %arg4[%mul3A_195, %dma_wait3A_201] : memref<409600x128xf32, #tpu.memory_space<hbm>> -> memref<8x128xf32, #tpu.memory_space<hbm>>
    %dma_wait3A_203 = arith.constant 8 : i32
    %dma_wait3A_204 = arith.constant 0 : i32
    %dma_wait3A_205 = tpu.memref_slice %arg8[%dma_wait3A_203, %dma_wait3A_204] : memref<64x129xf32, #tpu.memory_space<vmem>> -> memref<8x128xf32, #tpu.memory_space<vmem>>
    tpu.wait_dma2 semaphore(%arg12 : memref<!tpu.dma_semaphore, #tpu.memory_space<semaphore_mem>>) src(%dma_wait3A_205 : memref<8x128xf32, #tpu.memory_space<vmem>>) dst(%dma_wait3A_202 : memref<8x128xf32, #tpu.memory_space<hbm>>)
    %add3A_206 = arith.constant 50752 : i32
    %add3A_207 = arith.addi %add3A_206, %add3A : i32
    %mul3A_208 = arith.constant 8 : i32
    %mul3A_209 = arith.muli %add3A_207, %mul3A_208 : i32
    %dma_wait3A_210 = arith.constant 16 : i32
    %dma_wait3A_211 = arith.constant 0 : i32
    %dma_wait3A_212 = tpu.memref_slice %arg8[%dma_wait3A_210, %dma_wait3A_211] : memref<64x129xf32, #tpu.memory_space<vmem>> -> memref<8x128xf32, #tpu.memory_space<vmem>>
    %dma_wait3A_213 = arith.constant 0 : i32
    %dma_wait3A_214 = tpu.memref_slice %arg4[%mul3A_209, %dma_wait3A_213] : memref<409600x128xf32, #tpu.memory_space<hbm>> -> memref<8x128xf32, #tpu.memory_space<hbm>>
    %dma_wait3A_215 = arith.constant 0 : i32
    %dma_wait3A_216 = tpu.memref_slice %arg4[%mul3A_209, %dma_wait3A_215] : memref<409600x128xf32, #tpu.memory_space<hbm>> -> memref<8x128xf32, #tpu.memory_space<hbm>>
    %dma_wait3A_217 = arith.constant 16 : i32
    %dma_wait3A_218 = arith.constant 0 : i32
    %dma_wait3A_219 = tpu.memref_slice %arg8[%dma_wait3A_217, %dma_wait3A_218] : memref<64x129xf32, #tpu.memory_space<vmem>> -> memref<8x128xf32, #tpu.memory_space<vmem>>
    tpu.wait_dma2 semaphore(%arg12 : memref<!tpu.dma_semaphore, #tpu.memory_space<semaphore_mem>>) src(%dma_wait3A_219 : memref<8x128xf32, #tpu.memory_space<vmem>>) dst(%dma_wait3A_216 : memref<8x128xf32, #tpu.memory_space<hbm>>)
    %add3A_220 = arith.constant 50784 : i32
    %add3A_221 = arith.addi %add3A_220, %add3A : i32
    %mul3A_222 = arith.constant 8 : i32
    %mul3A_223 = arith.muli %add3A_221, %mul3A_222 : i32
    %dma_wait3A_224 = arith.constant 24 : i32
    %dma_wait3A_225 = arith.constant 0 : i32
    %dma_wait3A_226 = tpu.memref_slice %arg8[%dma_wait3A_224, %dma_wait3A_225] : memref<64x129xf32, #tpu.memory_space<vmem>> -> memref<8x128xf32, #tpu.memory_space<vmem>>
    %dma_wait3A_227 = arith.constant 0 : i32
    %dma_wait3A_228 = tpu.memref_slice %arg4[%mul3A_223, %dma_wait3A_227] : memref<409600x128xf32, #tpu.memory_space<hbm>> -> memref<8x128xf32, #tpu.memory_space<hbm>>
    %dma_wait3A_229 = arith.constant 0 : i32
    %dma_wait3A_230 = tpu.memref_slice %arg4[%mul3A_223, %dma_wait3A_229] : memref<409600x128xf32, #tpu.memory_space<hbm>> -> memref<8x128xf32, #tpu.memory_space<hbm>>
    %dma_wait3A_231 = arith.constant 24 : i32
    %dma_wait3A_232 = arith.constant 0 : i32
    %dma_wait3A_233 = tpu.memref_slice %arg8[%dma_wait3A_231, %dma_wait3A_232] : memref<64x129xf32, #tpu.memory_space<vmem>> -> memref<8x128xf32, #tpu.memory_space<vmem>>
    tpu.wait_dma2 semaphore(%arg12 : memref<!tpu.dma_semaphore, #tpu.memory_space<semaphore_mem>>) src(%dma_wait3A_233 : memref<8x128xf32, #tpu.memory_space<vmem>>) dst(%dma_wait3A_230 : memref<8x128xf32, #tpu.memory_space<hbm>>)
    %add3A_234 = arith.constant 50816 : i32
    %add3A_235 = arith.addi %add3A_234, %add3A : i32
    %mul3A_236 = arith.constant 8 : i32
    %mul3A_237 = arith.muli %add3A_235, %mul3A_236 : i32
    %dma_wait3A_238 = arith.constant 32 : i32
    %dma_wait3A_239 = arith.constant 0 : i32
    %dma_wait3A_240 = tpu.memref_slice %arg8[%dma_wait3A_238, %dma_wait3A_239] : memref<64x129xf32, #tpu.memory_space<vmem>> -> memref<8x128xf32, #tpu.memory_space<vmem>>
    %dma_wait3A_241 = arith.constant 0 : i32
    %dma_wait3A_242 = tpu.memref_slice %arg4[%mul3A_237, %dma_wait3A_241] : memref<409600x128xf32, #tpu.memory_space<hbm>> -> memref<8x128xf32, #tpu.memory_space<hbm>>
    %dma_wait3A_243 = arith.constant 0 : i32
    %dma_wait3A_244 = tpu.memref_slice %arg4[%mul3A_237, %dma_wait3A_243] : memref<409600x128xf32, #tpu.memory_space<hbm>> -> memref<8x128xf32, #tpu.memory_space<hbm>>
    %dma_wait3A_245 = arith.constant 32 : i32
    %dma_wait3A_246 = arith.constant 0 : i32
    %dma_wait3A_247 = tpu.memref_slice %arg8[%dma_wait3A_245, %dma_wait3A_246] : memref<64x129xf32, #tpu.memory_space<vmem>> -> memref<8x128xf32, #tpu.memory_space<vmem>>
    tpu.wait_dma2 semaphore(%arg12 : memref<!tpu.dma_semaphore, #tpu.memory_space<semaphore_mem>>) src(%dma_wait3A_247 : memref<8x128xf32, #tpu.memory_space<vmem>>) dst(%dma_wait3A_244 : memref<8x128xf32, #tpu.memory_space<hbm>>)
    %add3A_248 = arith.constant 50848 : i32
    %add3A_249 = arith.addi %add3A_248, %add3A : i32
    %mul3A_250 = arith.constant 8 : i32
    %mul3A_251 = arith.muli %add3A_249, %mul3A_250 : i32
    %dma_wait3A_252 = arith.constant 40 : i32
    %dma_wait3A_253 = arith.constant 0 : i32
    %dma_wait3A_254 = tpu.memref_slice %arg8[%dma_wait3A_252, %dma_wait3A_253] : memref<64x129xf32, #tpu.memory_space<vmem>> -> memref<8x128xf32, #tpu.memory_space<vmem>>
    %dma_wait3A_255 = arith.constant 0 : i32
    %dma_wait3A_256 = tpu.memref_slice %arg4[%mul3A_251, %dma_wait3A_255] : memref<409600x128xf32, #tpu.memory_space<hbm>> -> memref<8x128xf32, #tpu.memory_space<hbm>>
    %dma_wait3A_257 = arith.constant 0 : i32
    %dma_wait3A_258 = tpu.memref_slice %arg4[%mul3A_251, %dma_wait3A_257] : memref<409600x128xf32, #tpu.memory_space<hbm>> -> memref<8x128xf32, #tpu.memory_space<hbm>>
    %dma_wait3A_259 = arith.constant 40 : i32
    %dma_wait3A_260 = arith.constant 0 : i32
    %dma_wait3A_261 = tpu.memref_slice %arg8[%dma_wait3A_259, %dma_wait3A_260] : memref<64x129xf32, #tpu.memory_space<vmem>> -> memref<8x128xf32, #tpu.memory_space<vmem>>
    tpu.wait_dma2 semaphore(%arg12 : memref<!tpu.dma_semaphore, #tpu.memory_space<semaphore_mem>>) src(%dma_wait3A_261 : memref<8x128xf32, #tpu.memory_space<vmem>>) dst(%dma_wait3A_258 : memref<8x128xf32, #tpu.memory_space<hbm>>)
    %add3A_262 = arith.constant 50880 : i32
    %add3A_263 = arith.addi %add3A_262, %add3A : i32
    %mul3A_264 = arith.constant 8 : i32
    %mul3A_265 = arith.muli %add3A_263, %mul3A_264 : i32
    %dma_wait3A_266 = arith.constant 48 : i32
    %dma_wait3A_267 = arith.constant 0 : i32
    %dma_wait3A_268 = tpu.memref_slice %arg8[%dma_wait3A_266, %dma_wait3A_267] : memref<64x129xf32, #tpu.memory_space<vmem>> -> memref<8x128xf32, #tpu.memory_space<vmem>>
    %dma_wait3A_269 = arith.constant 0 : i32
    %dma_wait3A_270 = tpu.memref_slice %arg4[%mul3A_265, %dma_wait3A_269] : memref<409600x128xf32, #tpu.memory_space<hbm>> -> memref<8x128xf32, #tpu.memory_space<hbm>>
    %dma_wait3A_271 = arith.constant 0 : i32
    %dma_wait3A_272 = tpu.memref_slice %arg4[%mul3A_265, %dma_wait3A_271] : memref<409600x128xf32, #tpu.memory_space<hbm>> -> memref<8x128xf32, #tpu.memory_space<hbm>>
    %dma_wait3A_273 = arith.constant 48 : i32
    %dma_wait3A_274 = arith.constant 0 : i32
    %dma_wait3A_275 = tpu.memref_slice %arg8[%dma_wait3A_273, %dma_wait3A_274] : memref<64x129xf32, #tpu.memory_space<vmem>> -> memref<8x128xf32, #tpu.memory_space<vmem>>
    tpu.wait_dma2 semaphore(%arg12 : memref<!tpu.dma_semaphore, #tpu.memory_space<semaphore_mem>>) src(%dma_wait3A_275 : memref<8x128xf32, #tpu.memory_space<vmem>>) dst(%dma_wait3A_272 : memref<8x128xf32, #tpu.memory_space<hbm>>)
    %add3A_276 = arith.constant 50912 : i32
    %add3A_277 = arith.addi %add3A_276, %add3A : i32
    %mul3A_278 = arith.constant 8 : i32
    %mul3A_279 = arith.muli %add3A_277, %mul3A_278 : i32
    %dma_wait3A_280 = arith.constant 56 : i32
    %dma_wait3A_281 = arith.constant 0 : i32
    %dma_wait3A_282 = tpu.memref_slice %arg8[%dma_wait3A_280, %dma_wait3A_281] : memref<64x129xf32, #tpu.memory_space<vmem>> -> memref<8x128xf32, #tpu.memory_space<vmem>>
    %dma_wait3A_283 = arith.constant 0 : i32
    %dma_wait3A_284 = tpu.memref_slice %arg4[%mul3A_279, %dma_wait3A_283] : memref<409600x128xf32, #tpu.memory_space<hbm>> -> memref<8x128xf32, #tpu.memory_space<hbm>>
    %dma_wait3A_285 = arith.constant 0 : i32
    %dma_wait3A_286 = tpu.memref_slice %arg4[%mul3A_279, %dma_wait3A_285] : memref<409600x128xf32, #tpu.memory_space<hbm>> -> memref<8x128xf32, #tpu.memory_space<hbm>>
    %dma_wait3A_287 = arith.constant 56 : i32
    %dma_wait3A_288 = arith.constant 0 : i32
    %dma_wait3A_289 = tpu.memref_slice %arg8[%dma_wait3A_287, %dma_wait3A_288] : memref<64x129xf32, #tpu.memory_space<vmem>> -> memref<8x128xf32, #tpu.memory_space<vmem>>
    tpu.wait_dma2 semaphore(%arg12 : memref<!tpu.dma_semaphore, #tpu.memory_space<semaphore_mem>>) src(%dma_wait3A_289 : memref<8x128xf32, #tpu.memory_space<vmem>>) dst(%dma_wait3A_286 : memref<8x128xf32, #tpu.memory_space<hbm>>)
    %add3A_290 = arith.constant 50944 : i32
    %add3A_291 = arith.addi %add3A_290, %add3A : i32
    %mul3A_292 = arith.constant 8 : i32
    %mul3A_293 = arith.muli %add3A_291, %mul3A_292 : i32
    %dma_wait3A_294 = arith.constant 0 : i32
    %dma_wait3A_295 = arith.constant 0 : i32
    %dma_wait3A_296 = tpu.memref_slice %arg9[%dma_wait3A_294, %dma_wait3A_295] : memref<64x129xf32, #tpu.memory_space<vmem>> -> memref<8x128xf32, #tpu.memory_space<vmem>>
    %dma_wait3A_297 = arith.constant 0 : i32
    %dma_wait3A_298 = tpu.memref_slice %arg4[%mul3A_293, %dma_wait3A_297] : memref<409600x128xf32, #tpu.memory_space<hbm>> -> memref<8x128xf32, #tpu.memory_space<hbm>>
    %dma_wait3A_299 = arith.constant 0 : i32
    %dma_wait3A_300 = tpu.memref_slice %arg4[%mul3A_293, %dma_wait3A_299] : memref<409600x128xf32, #tpu.memory_space<hbm>> -> memref<8x128xf32, #tpu.memory_space<hbm>>
    %dma_wait3A_301 = arith.constant 0 : i32
    %dma_wait3A_302 = arith.constant 0 : i32
    %dma_wait3A_303 = tpu.memref_slice %arg9[%dma_wait3A_301, %dma_wait3A_302] : memref<64x129xf32, #tpu.memory_space<vmem>> -> memref<8x128xf32, #tpu.memory_space<vmem>>
    tpu.wait_dma2 semaphore(%arg13 : memref<!tpu.dma_semaphore, #tpu.memory_space<semaphore_mem>>) src(%dma_wait3A_303 : memref<8x128xf32, #tpu.memory_space<vmem>>) dst(%dma_wait3A_300 : memref<8x128xf32, #tpu.memory_space<hbm>>)
    %add3A_304 = arith.constant 50976 : i32
    %add3A_305 = arith.addi %add3A_304, %add3A : i32
    %mul3A_306 = arith.constant 8 : i32
    %mul3A_307 = arith.muli %add3A_305, %mul3A_306 : i32
    %dma_wait3A_308 = arith.constant 8 : i32
    %dma_wait3A_309 = arith.constant 0 : i32
    %dma_wait3A_310 = tpu.memref_slice %arg9[%dma_wait3A_308, %dma_wait3A_309] : memref<64x129xf32, #tpu.memory_space<vmem>> -> memref<8x128xf32, #tpu.memory_space<vmem>>
    %dma_wait3A_311 = arith.constant 0 : i32
    %dma_wait3A_312 = tpu.memref_slice %arg4[%mul3A_307, %dma_wait3A_311] : memref<409600x128xf32, #tpu.memory_space<hbm>> -> memref<8x128xf32, #tpu.memory_space<hbm>>
    %dma_wait3A_313 = arith.constant 0 : i32
    %dma_wait3A_314 = tpu.memref_slice %arg4[%mul3A_307, %dma_wait3A_313] : memref<409600x128xf32, #tpu.memory_space<hbm>> -> memref<8x128xf32, #tpu.memory_space<hbm>>
    %dma_wait3A_315 = arith.constant 8 : i32
    %dma_wait3A_316 = arith.constant 0 : i32
    %dma_wait3A_317 = tpu.memref_slice %arg9[%dma_wait3A_315, %dma_wait3A_316] : memref<64x129xf32, #tpu.memory_space<vmem>> -> memref<8x128xf32, #tpu.memory_space<vmem>>
    tpu.wait_dma2 semaphore(%arg13 : memref<!tpu.dma_semaphore, #tpu.memory_space<semaphore_mem>>) src(%dma_wait3A_317 : memref<8x128xf32, #tpu.memory_space<vmem>>) dst(%dma_wait3A_314 : memref<8x128xf32, #tpu.memory_space<hbm>>)
    %add3A_318 = arith.constant 51008 : i32
    %add3A_319 = arith.addi %add3A_318, %add3A : i32
    %mul3A_320 = arith.constant 8 : i32
    %mul3A_321 = arith.muli %add3A_319, %mul3A_320 : i32
    %dma_wait3A_322 = arith.constant 16 : i32
    %dma_wait3A_323 = arith.constant 0 : i32
    %dma_wait3A_324 = tpu.memref_slice %arg9[%dma_wait3A_322, %dma_wait3A_323] : memref<64x129xf32, #tpu.memory_space<vmem>> -> memref<8x128xf32, #tpu.memory_space<vmem>>
    %dma_wait3A_325 = arith.constant 0 : i32
    %dma_wait3A_326 = tpu.memref_slice %arg4[%mul3A_321, %dma_wait3A_325] : memref<409600x128xf32, #tpu.memory_space<hbm>> -> memref<8x128xf32, #tpu.memory_space<hbm>>
    %dma_wait3A_327 = arith.constant 0 : i32
    %dma_wait3A_328 = tpu.memref_slice %arg4[%mul3A_321, %dma_wait3A_327] : memref<409600x128xf32, #tpu.memory_space<hbm>> -> memref<8x128xf32, #tpu.memory_space<hbm>>
    %dma_wait3A_329 = arith.constant 16 : i32
    %dma_wait3A_330 = arith.constant 0 : i32
    %dma_wait3A_331 = tpu.memref_slice %arg9[%dma_wait3A_329, %dma_wait3A_330] : memref<64x129xf32, #tpu.memory_space<vmem>> -> memref<8x128xf32, #tpu.memory_space<vmem>>
    tpu.wait_dma2 semaphore(%arg13 : memref<!tpu.dma_semaphore, #tpu.memory_space<semaphore_mem>>) src(%dma_wait3A_331 : memref<8x128xf32, #tpu.memory_space<vmem>>) dst(%dma_wait3A_328 : memref<8x128xf32, #tpu.memory_space<hbm>>)
    %add3A_332 = arith.constant 51040 : i32
    %add3A_333 = arith.addi %add3A_332, %add3A : i32
    %mul3A_334 = arith.constant 8 : i32
    %mul3A_335 = arith.muli %add3A_333, %mul3A_334 : i32
    %dma_wait3A_336 = arith.constant 24 : i32
    %dma_wait3A_337 = arith.constant 0 : i32
    %dma_wait3A_338 = tpu.memref_slice %arg9[%dma_wait3A_336, %dma_wait3A_337] : memref<64x129xf32, #tpu.memory_space<vmem>> -> memref<8x128xf32, #tpu.memory_space<vmem>>
    %dma_wait3A_339 = arith.constant 0 : i32
    %dma_wait3A_340 = tpu.memref_slice %arg4[%mul3A_335, %dma_wait3A_339] : memref<409600x128xf32, #tpu.memory_space<hbm>> -> memref<8x128xf32, #tpu.memory_space<hbm>>
    %dma_wait3A_341 = arith.constant 0 : i32
    %dma_wait3A_342 = tpu.memref_slice %arg4[%mul3A_335, %dma_wait3A_341] : memref<409600x128xf32, #tpu.memory_space<hbm>> -> memref<8x128xf32, #tpu.memory_space<hbm>>
    %dma_wait3A_343 = arith.constant 24 : i32
    %dma_wait3A_344 = arith.constant 0 : i32
    %dma_wait3A_345 = tpu.memref_slice %arg9[%dma_wait3A_343, %dma_wait3A_344] : memref<64x129xf32, #tpu.memory_space<vmem>> -> memref<8x128xf32, #tpu.memory_space<vmem>>
    tpu.wait_dma2 semaphore(%arg13 : memref<!tpu.dma_semaphore, #tpu.memory_space<semaphore_mem>>) src(%dma_wait3A_345 : memref<8x128xf32, #tpu.memory_space<vmem>>) dst(%dma_wait3A_342 : memref<8x128xf32, #tpu.memory_space<hbm>>)
    %add3A_346 = arith.constant 51072 : i32
    %add3A_347 = arith.addi %add3A_346, %add3A : i32
    %mul3A_348 = arith.constant 8 : i32
    %mul3A_349 = arith.muli %add3A_347, %mul3A_348 : i32
    %dma_wait3A_350 = arith.constant 32 : i32
    %dma_wait3A_351 = arith.constant 0 : i32
    %dma_wait3A_352 = tpu.memref_slice %arg9[%dma_wait3A_350, %dma_wait3A_351] : memref<64x129xf32, #tpu.memory_space<vmem>> -> memref<8x128xf32, #tpu.memory_space<vmem>>
    %dma_wait3A_353 = arith.constant 0 : i32
    %dma_wait3A_354 = tpu.memref_slice %arg4[%mul3A_349, %dma_wait3A_353] : memref<409600x128xf32, #tpu.memory_space<hbm>> -> memref<8x128xf32, #tpu.memory_space<hbm>>
    %dma_wait3A_355 = arith.constant 0 : i32
    %dma_wait3A_356 = tpu.memref_slice %arg4[%mul3A_349, %dma_wait3A_355] : memref<409600x128xf32, #tpu.memory_space<hbm>> -> memref<8x128xf32, #tpu.memory_space<hbm>>
    %dma_wait3A_357 = arith.constant 32 : i32
    %dma_wait3A_358 = arith.constant 0 : i32
    %dma_wait3A_359 = tpu.memref_slice %arg9[%dma_wait3A_357, %dma_wait3A_358] : memref<64x129xf32, #tpu.memory_space<vmem>> -> memref<8x128xf32, #tpu.memory_space<vmem>>
    tpu.wait_dma2 semaphore(%arg13 : memref<!tpu.dma_semaphore, #tpu.memory_space<semaphore_mem>>) src(%dma_wait3A_359 : memref<8x128xf32, #tpu.memory_space<vmem>>) dst(%dma_wait3A_356 : memref<8x128xf32, #tpu.memory_space<hbm>>)
    %add3A_360 = arith.constant 51104 : i32
    %add3A_361 = arith.addi %add3A_360, %add3A : i32
    %mul3A_362 = arith.constant 8 : i32
    %mul3A_363 = arith.muli %add3A_361, %mul3A_362 : i32
    %dma_wait3A_364 = arith.constant 40 : i32
    %dma_wait3A_365 = arith.constant 0 : i32
    %dma_wait3A_366 = tpu.memref_slice %arg9[%dma_wait3A_364, %dma_wait3A_365] : memref<64x129xf32, #tpu.memory_space<vmem>> -> memref<8x128xf32, #tpu.memory_space<vmem>>
    %dma_wait3A_367 = arith.constant 0 : i32
    %dma_wait3A_368 = tpu.memref_slice %arg4[%mul3A_363, %dma_wait3A_367] : memref<409600x128xf32, #tpu.memory_space<hbm>> -> memref<8x128xf32, #tpu.memory_space<hbm>>
    %dma_wait3A_369 = arith.constant 0 : i32
    %dma_wait3A_370 = tpu.memref_slice %arg4[%mul3A_363, %dma_wait3A_369] : memref<409600x128xf32, #tpu.memory_space<hbm>> -> memref<8x128xf32, #tpu.memory_space<hbm>>
    %dma_wait3A_371 = arith.constant 40 : i32
    %dma_wait3A_372 = arith.constant 0 : i32
    %dma_wait3A_373 = tpu.memref_slice %arg9[%dma_wait3A_371, %dma_wait3A_372] : memref<64x129xf32, #tpu.memory_space<vmem>> -> memref<8x128xf32, #tpu.memory_space<vmem>>
    tpu.wait_dma2 semaphore(%arg13 : memref<!tpu.dma_semaphore, #tpu.memory_space<semaphore_mem>>) src(%dma_wait3A_373 : memref<8x128xf32, #tpu.memory_space<vmem>>) dst(%dma_wait3A_370 : memref<8x128xf32, #tpu.memory_space<hbm>>)
    %add3A_374 = arith.constant 51136 : i32
    %add3A_375 = arith.addi %add3A_374, %add3A : i32
    %mul3A_376 = arith.constant 8 : i32
    %mul3A_377 = arith.muli %add3A_375, %mul3A_376 : i32
    %dma_wait3A_378 = arith.constant 48 : i32
    %dma_wait3A_379 = arith.constant 0 : i32
    %dma_wait3A_380 = tpu.memref_slice %arg9[%dma_wait3A_378, %dma_wait3A_379] : memref<64x129xf32, #tpu.memory_space<vmem>> -> memref<8x128xf32, #tpu.memory_space<vmem>>
    %dma_wait3A_381 = arith.constant 0 : i32
    %dma_wait3A_382 = tpu.memref_slice %arg4[%mul3A_377, %dma_wait3A_381] : memref<409600x128xf32, #tpu.memory_space<hbm>> -> memref<8x128xf32, #tpu.memory_space<hbm>>
    %dma_wait3A_383 = arith.constant 0 : i32
    %dma_wait3A_384 = tpu.memref_slice %arg4[%mul3A_377, %dma_wait3A_383] : memref<409600x128xf32, #tpu.memory_space<hbm>> -> memref<8x128xf32, #tpu.memory_space<hbm>>
    %dma_wait3A_385 = arith.constant 48 : i32
    %dma_wait3A_386 = arith.constant 0 : i32
    %dma_wait3A_387 = tpu.memref_slice %arg9[%dma_wait3A_385, %dma_wait3A_386] : memref<64x129xf32, #tpu.memory_space<vmem>> -> memref<8x128xf32, #tpu.memory_space<vmem>>
    tpu.wait_dma2 semaphore(%arg13 : memref<!tpu.dma_semaphore, #tpu.memory_space<semaphore_mem>>) src(%dma_wait3A_387 : memref<8x128xf32, #tpu.memory_space<vmem>>) dst(%dma_wait3A_384 : memref<8x128xf32, #tpu.memory_space<hbm>>)
    %add3A_388 = arith.constant 51168 : i32
    %add3A_389 = arith.addi %add3A_388, %add3A : i32
    %mul3A_390 = arith.constant 8 : i32
    %mul3A_391 = arith.muli %add3A_389, %mul3A_390 : i32
    %dma_wait3A_392 = arith.constant 56 : i32
    %dma_wait3A_393 = arith.constant 0 : i32
    %dma_wait3A_394 = tpu.memref_slice %arg9[%dma_wait3A_392, %dma_wait3A_393] : memref<64x129xf32, #tpu.memory_space<vmem>> -> memref<8x128xf32, #tpu.memory_space<vmem>>
    %dma_wait3A_395 = arith.constant 0 : i32
    %dma_wait3A_396 = tpu.memref_slice %arg4[%mul3A_391, %dma_wait3A_395] : memref<409600x128xf32, #tpu.memory_space<hbm>> -> memref<8x128xf32, #tpu.memory_space<hbm>>
    %dma_wait3A_397 = arith.constant 0 : i32
    %dma_wait3A_398 = tpu.memref_slice %arg4[%mul3A_391, %dma_wait3A_397] : memref<409600x128xf32, #tpu.memory_space<hbm>> -> memref<8x128xf32, #tpu.memory_space<hbm>>
    %dma_wait3A_399 = arith.constant 56 : i32
    %dma_wait3A_400 = arith.constant 0 : i32
    %dma_wait3A_401 = tpu.memref_slice %arg9[%dma_wait3A_399, %dma_wait3A_400] : memref<64x129xf32, #tpu.memory_space<vmem>> -> memref<8x128xf32, #tpu.memory_space<vmem>>
    tpu.wait_dma2 semaphore(%arg13 : memref<!tpu.dma_semaphore, #tpu.memory_space<semaphore_mem>>) src(%dma_wait3A_401 : memref<8x128xf32, #tpu.memory_space<vmem>>) dst(%dma_wait3A_398 : memref<8x128xf32, #tpu.memory_space<hbm>>)
    return
  }
}

module attributes {stable_mosaic.version = 14 : i64} {
  func.func @_mask_body(%arg0: memref<6400x128xi32, #tpu.memory_space<vmem>>, %arg1: memref<6400x128xi32, #tpu.memory_space<vmem>>) attributes {dimension_semantics = [], scalar_prefetch = 0 : i64, scratch_operands = 0 : i64, tpu.core_type = #tpu.core_type<tc>} {
    %get3A = arith.constant 0 : index
    %get3A_0 = arith.constant 0 : index
    %get3A_1 = vector.load %arg0[%get3A, %get3A_0] : memref<6400x128xi32, #tpu.memory_space<vmem>>, vector<6400x128xi32>
    %ne3A = arith.constant 0 : i32
    %ne3A_2 = vector.broadcast %ne3A : i32 to vector<6400x128xi32>
    %ne3A_3 = arith.cmpi ne, %get3A_1, %ne3A_2 : vector<6400x128xi32>
    %swap3A = arith.constant 0 : index
    %swap3A_4 = arith.constant 0 : index
    %swap3A_5 = vector.load %arg1[%swap3A, %swap3A_4] : memref<6400x128xi32, #tpu.memory_space<vmem>>, vector<6400x128xi32>
    %swap3A_6 = arith.extui %ne3A_3 : vector<6400x128xi1> to vector<6400x128xi32>
    %swap3A_7 = arith.constant dense<0> : vector<6400x128xi32>
    %swap3A_8 = arith.cmpi ne, %swap3A_5, %swap3A_7 : vector<6400x128xi32>
    tpu.vector_store %arg1[%swap3A, %swap3A_4], %swap3A_6 {strides = array<i32>} : memref<6400x128xi32, #tpu.memory_space<vmem>>, vector<6400x128xi32>,
    return
  }
}

</mosaic_0001>

<sc_bundles>
// kernel: kernel.4.cloned.1.call-start
scs
__scs_entry_jumppad:
0x0: {  	(pc) =	sbr.rel $0x88, $3  }
0x1: {  	(tag) =	ssettag $0x0;
	lr =	simm.s32 $0x1  }
0x2: {  	[smem:$0x3F9F] =	sst lr;
	_ =	strace $0xD0000000  }
0x3: {  	_ = 	snop  }
0x4: {  	_ = 	snop  }
0x5: {  	_ = 	snop  }
0x6: {  	_ = 	snop  }
0x7: {  	_ = 	snop  }
__scs_overlays_trampoline_lowered:
0x8: {  	[smem:$0x3FAE] =	sst s0  }
0x9: {  	[smem:$0x3FAF] =	sst s1  }
0xa: {  	[smem:$0x3FB0] =	sst s2  }
0xb: {  	[smem:$0x3FB1] =	sst s3  }
0xc: {  	[smem:$0x3FB2] =	sst s4  }
0xd: {  	[smem:$0x3FB3] =	sst s5  }
0xe: {  	[smem:$0x3FB4] =	sst s6  }
0xf: {  	[smem:$0x3FB5] =	sst s7  }
0x10: {  	[smem:$0x3FB6] =	sst s8  }
0x11: {  	[smem:$0x3FB7] =	sst s9;
	s0 =	simm.s32 @!p0 $0x0  }
0x12: {  	s1 =	sld [smem:$0x3F9D];
	s0 =	simm.s32 @p0 $0x1  }
0x13: {  	[smem:$0x3FB8] =	sst s0;
	s0 =	simm.s32 @!p1 $0x0  }
0x14: {  	s2 =	sld [smem:$0x3F9C];
	s0 =	simm.s32 @p1 $0x1  }
0x15: {  	[smem:$0x3FB9] =	sst s0;
	s0 =	simm.s32 @!p2 $0x0  }
0x16: {  	s3 =	sld [smem:$0x3FDB];
	s0 =	simm.s32 @p2 $0x1  }
0x17: {  	s4 =	simm.s32 $0x1BF5;
	[smem:$0x3FBB] =	sst s0  }
0x18: {  	s0 =	sld [smem:$0x3F9E];
	_ =	swait.ge [sflag:s4], $0x0  }
0x19: {  	s7 =	sld [smem:$0x3F9F]  }
0x1a: {  	s8 =	sadd.s32 $0xFFFFE003, lr  }
0x1b: {  	s9 =	sadd.s32 $0xFFFFFEF7, lr;
	s5 =	simm.s32 $0xFFFFFFFF;
	p2 =	slt.u32 s8, $0xFFFFF086  }
0x1c: {  	p1 =	slt.u32 s9, $0xF7A;
	s5 =	simm.s32 @!p2 $0x0  }
0x1d: {  	s5 =	simm.s32 @p1 $0x1;
	p0 =	seq.s32 s7, s2  }
0x1e: {  	s7 =	smul.u32 @!p0 $0xF7A, s2;
	p2 =	seq.s32 @!p0 s5, $0x0  }
0x1f: {  	s9 =	smul.u32 $0xF7A, s1;
	s8 =	simm.s32 @!p0 $0x1BF5;
	p2 =	por !p2, p0  }
0x20: {  	[sflag:s8] =	ssyncset.s32 @!p0 $0xFFFFF086;
	s6 =	sadd.s32 @!p0 s3, s7;
	s7 =	simm.s32 @!p0 $0x108  }
0x21: {  	s3 =	sadd.s32 s3, s9;
	s6 =	sadd.s32 @!p0 $0x88, s6;
	s7 =	simm.s32 @p2 $0x1082  }
0x22: {  	[simem:s7], [sflag:s8] =	dma.local @!p0 [hbm:s6], $0xF7A  }
0x23: {  	s9 =	sor.u32 $0xD0000000, s2;
	s6 =	simm.s32 $0x108;
	_ =	swait.ge @!p0 [sflag:s8], $0x0  }
0x24: {  	s3 =	sadd.s32 $0x88, s3;
	s6 =	simm.s32 @!p1 $0x1082;
	[sflag:s4] =	ssyncset.s32 $0xFFFFF086  }
0x25: {  	[simem:s6], [sflag:s4] =	dma.local [hbm:s3], $0xF7A  }
0x26: {  	[smem:$0x3F9F] =	sst s1;
	(tag) =	ssettag s2;
	_ =	strace s9  }
0x27: {  	s1 =	sld [smem:$0x3FAF]  }
0x28: {  	s2 =	sld [smem:$0x3FB0]  }
0x29: {  	s4 =	sld [smem:$0x3FB2]  }
0x2a: {  	p0 =	seq.s32 s5, $0x0;
	s5 =	sld [smem:$0x3FB3]  }
0x2b: {  	s6 =	sld [smem:$0x3FB4]  }
0x2c: {  	s7 =	sld [smem:$0x3FB5]  }
0x2d: {  	s3 =	simm.s32 $0x108;
	s8 =	sld [smem:$0x3FB6]  }
0x2e: {  	s3 =	simm.s32 @!p0 $0x1082;
	s9 =	sld [smem:$0x3FB7]  }
0x2f: {  	lr =	sadd.s32 s0, s3;
	s0 =	sld [smem:$0x3FAE]  }
0x30: {  	s3 =	sld [smem:$0x3FB1]  }
0x31: {  	[smem:$0x3FBA] =	sst s10  }
0x32: {  	s10 =	sld [smem:$0x3FB8];
	_ =	sdelay $0x3  }
0x33: {  	p0 =	seq.s32 s10, $0x1;
	s10 =	sld [smem:$0x3FBA];
	_ =	sdelay $0x3  }
0x34: {  	[smem:$0x3FBA] =	sst s10  }
0x35: {  	s10 =	sld [smem:$0x3FB9];
	_ =	sdelay $0x3  }
0x36: {  	p1 =	seq.s32 s10, $0x1;
	s10 =	sld [smem:$0x3FBA];
	_ =	sdelay $0x3  }
0x37: {  	[smem:$0x3FBA] =	sst s10  }
0x38: {  	s10 =	sld [smem:$0x3FBB]  }
0x39: {  	_ = 	snop;
	(pc) =	sbr.ind lr, $3  }
0x3a: {  	_ = 	snop  }
0x3b: {  	_ = 	snop  }
0x3c: {  	p2 =	seq.s32 s10, $0x1;
	s10 =	sld [smem:$0x3FBA]  }
0x3d: {  	_ =	shalt  }
0x3e: {  	_ =	shalt  }
0x3f: {  	_ =	shalt  }
0x40: {  	_ =	shalt  }
0x41: {  	_ =	shalt  }
0x42: {  	_ =	shalt  }
0x43: {  	_ =	shalt  }
0x44: {  	_ =	shalt  }
0x45: {  	_ =	shalt  }
0x46: {  	_ =	shalt  }
0x47: {  	_ =	shalt  }
0x48: {  	_ =	shalt  }
0x49: {  	_ =	shalt  }
0x4a: {  	_ =	shalt  }
0x4b: {  	_ =	shalt  }
0x4c: {  	_ =	shalt  }
0x4d: {  	_ =	shalt  }
0x4e: {  	_ =	shalt  }
0x4f: {  	_ =	shalt  }
0x50: {  	_ =	shalt  }
0x51: {  	_ =	shalt  }
0x52: {  	_ =	shalt  }
0x53: {  	_ =	shalt  }
0x54: {  	_ =	shalt  }
0x55: {  	_ =	shalt  }
0x56: {  	_ =	shalt  }
0x57: {  	_ =	shalt  }
0x58: {  	_ =	shalt  }
0x59: {  	_ =	shalt  }
0x5a: {  	_ =	shalt  }
0x5b: {  	_ =	shalt  }
0x5c: {  	_ =	shalt  }
0x5d: {  	_ =	shalt  }
0x5e: {  	_ =	shalt  }
0x5f: {  	_ =	shalt  }
0x60: {  	_ =	shalt  }
0x61: {  	_ =	shalt  }
0x62: {  	_ =	shalt  }
0x63: {  	_ =	shalt  }
0x64: {  	_ =	shalt  }
0x65: {  	_ =	shalt  }
0x66: {  	_ =	shalt  }
0x67: {  	_ =	shalt  }
0x68: {  	_ =	shalt  }
0x69: {  	_ =	shalt  }
0x6a: {  	_ =	shalt  }
0x6b: {  	_ =	shalt  }
0x6c: {  	_ =	shalt  }
0x6d: {  	_ =	shalt  }
0x6e: {  	_ =	shalt  }
0x6f: {  	_ =	shalt  }
0x70: {  	_ =	shalt  }
0x71: {  	_ =	shalt  }
0x72: {  	_ =	shalt  }
0x73: {  	_ =	shalt  }
0x74: {  	_ =	shalt  }
0x75: {  	_ =	shalt  }
0x76: {  	_ =	shalt  }
0x77: {  	_ =	shalt  }
0x78: {  	_ =	shalt  }
0x79: {  	_ =	shalt  }
0x7a: {  	_ =	shalt  }
0x7b: {  	_ =	shalt  }
0x7c: {  	_ =	shalt  }
0x7d: {  	_ =	shalt  }
0x7e: {  	_ =	shalt  }
0x7f: {  	_ =	shalt  }
0x80: {  	_ =	shalt  }
0x81: {  	_ =	shalt  }
0x82: {  	_ =	shalt  }
0x83: {  	_ =	shalt  }
0x84: {  	_ =	shalt  }
0x85: {  	_ =	shalt  }
0x86: {  	_ =	shalt  }
0x87: {  	_ =	shalt  }
.Lfunc_end0:
.L_simem_size_0:
called_computation.1_lowered:
.L_overlay_start_0:
0x88: {  	s2 =	sld [smem:$0x3FD9]  }
0x89: {  	s3 =	sld [smem:$0x3FFE];
	_ =	sdelay $0x1  }
0x8a: {  	s1 =	srdreg.scid  }
0x8b: {  	s0 =	sand.u32 $0x1, s1  }
0x8c: {  	s14 =	sshll.u32 s0, $0xA;
	s2 =	sadd.s32 s3, s2  }
0x8d: {  	s2 =	sadd.s32 s2, s14  }
0x8e: {  	[smem:$0x3FC6] =	sst s2  }
0x8f: {  	_ = 	snop  }
0x90: {  	s2 =	sld [smem:$0x3FD0];
	_ =	sdelay $0x2  }
0x91: {  	s15 =	simm.s32 $0xA;
	s4 =	simm.s32 $0x10  }
0x92: {  	[smem:s4], [sflag:s15] =	dma.local [hbm:s2], $0x1  }
0x93: {  	_ =	swait.eq [sflag:s15], $0x1  }
0x94: {  	[sflag:s15] =	ssyncset.done $0x0  }
0x95: {  	[sflag:s15] =	ssyncadd.s32 $0xFFFFFFFF  }
0x96: {  	s16 =	sld [smem:$0x10];
	(tm) =	ssettm $0x1  }
0x97: {  	s17 =	sld [smem:$0x3FFB];
	_ =	sdelay $0x3  }
0x98: {  	_ =	strace s17  }
0x99: {  	s3 =	sld [smem:$0x3FFC];
	_ =	sdelay $0x3  }
0x9a: {  	_ =	strace s3  }
0x9b: {  	s3 =	sld [smem:$0x3FFD];
	_ =	sdelay $0x3  }
0x9c: {  	_ =	strace s3  }
0x9d: {  	_ =	strace $0x8FFFFFFF  }
0x9e: {  	s18 =	sld [smem:$0x3FDB];
	_ =	sdelay $0x1  }
0x9f: {  	s19 =	simm.s32 $_scs_section_size  }
0xa0: {  	s5 =	simm.s32 $_size__tile_overlayer_lowered;
	s6 =	simm.s32 $_tile_overlayer_lowered  }
0xa1: {  	s22 =	simm.s32 $0x1BFF;
	s21 =	sshll.u32 s6, $0x1;
	s3 =	sadd.s32 s19, s18  }
0xa2: {  	s7 =	simm.s32 $0x0;
	s20 =	sshll.u32 s5, $0x1;
	s5 =	sadd.s32 s21, s3  }
0xa3: {  	[timem:s7], [sflag:s22] =	dma.local [hbm:s5], s20  }
0xa4: {  	_ =	swait.ge [sflag:s22], s20  }
0xa5: {  	s4 =	ssub.s32 $0x0, s20;
	[sflag:s22] =	ssyncset.done $0x0  }
0xa6: {  	[sflag:s22] =	ssyncadd.s32 s4;
	_ =	sdelay $0x1  }
0xa7: {  	s23 =	simm.s32 $0x1B8B  }
0xa8: {  	_ =	swait.ge [sflag:s23], $0x1  }
0xa9: {  	[sflag:s23] =	ssyncset.done $0x0  }
0xaa: {  	s25 =	simm.s32 $0x1B8E;
	s24 =	sld [smem:$0x3FFE];
	[sflag:s23] =	ssyncadd.s32 $0xFFFFFFFF  }
0xab: {  	s26 =	simm.s32 $execute0_lowered;
	[smem:$0x3FD2] =	sst s25  }
0xac: {  	s5 =	sshll.u32 s26, $0x1;
	_ =	strace $0x80000049;
	[dreg:$0x1] =	wrdreg $0xFFFFFFFF  }
0xad: {  	s28 =	simm.s32 $_size_execute0_lowered;
	s3 =	sadd.s32 s3, s5;
	[dreg:$0x0] =	wrdreg $0x0  }
0xae: {  	s5 =	sshll.u32 s28, $0x1;
	[dreg:$0x2] =	wrdreg s3  }
0xaf: {  	[dreg:$0x3] =	wrdreg s5  }
0xb0: {  	[dreg:$0x4] =	wrdreg $0xC0  }
0xb1: {  	_ =	task [dreg:s7], $0x5FFFF  }
0xb2: {  	[dreg:$0x1] =	wrdreg $0xFFFFFFFF  }
0xb3: {  	[dreg:$0x0] =	wrdreg $0x60  }
0xb4: {  	[dreg:$0x2] =	wrdreg s24  }
0xb5: {  	[dreg:$0x3] =	wrdreg s16  }
0xb6: {  	[dreg:$0x4] =	wrdreg $0x9  }
0xb7: {  	_ =	task.clear_ibuf [dreg:s7], $0x5FFFF;
	_ =	strace $0x90000049  }
0xb8: {  	s29 =	simm.s32 $0x9;
	_ =	strace $0x8000004B  }
0xb9: {  	_ =	swait.ge [sflag:s29], $0x1  }
0xba: {  	[sflag:s29] =	ssyncadd.s32 $0xFFFFFFFF  }
0xbb: {  	_ =	strace $0x9000004B  }
0xbc: {  	_ =	sfence  }
0xbd: {  	s30 =	sld [smem:$0x0];
	_ =	sdelay $0x2  }
0xbe: {  	s31 =	sshll.u32 s1, $0xD;
	s1 =	sshrl.u32 s1, $0x2  }
0xbf: {  	s3 =	sand.u32 $0x4000, s31;
	s1 =	sadd.s32 s1, s30  }
0xc0: {  	s0 =	sor.u32 s3, s0;
	s1 =	sshll.u32 s1, $0x11  }
0xc1: {  	s0 =	sor.u32 s1, s0  }
0xc2: {  	s0 =	sadd.s32 $0x8F2B, s0  }
0xc3: {  	[sflag:s0] =	ssyncadd.remote.s32 $0x1  }
0xc4: {  	_ =	sfence.sel $0xFFFF  }
0xc5: {  	[dreg:$0x0] =	wrdreg $0xFFFFFFFF;
	(pc) =	sbr.abs _section_cstart, $3  }
0xc6: {  	[dreg:$0x1] =	wrdreg $0xFFFFFFFF  }
0xc7: {  	_ =	task.clear_ibuf [dreg:s7], $0x2FFFF;
	_ =	strace $0x9FFFFFFF  }
0xc8: {  	(tm) =	ssettm $0x7FFFFFFF  }
0xc9: {  	_ =	shalt  }
tec
execute0_lowered:
.L_overlay_start_1:
0x0: {  	(tag) =	ssettag $0x1  }
0x1: {  	s0 =	srdreg.scid;
	s2 =	stileid.u32  }
0x2: {  	s1 =	rddreg [dreg:$0x0];
	s29 =	simm.s32 $0x1;
	s30 =	simm.s32 $0xA400  }
0x3: {  	s28 =	simm.s32 $0x2;
	s0 =	sand.u32 $0x1, s0;
	s3 =	sshll.u32 s2, $0x1  }
0x4: {  	s31 =	simm.s32 $0xC600;
	s2 =	rddreg [dreg:$0x1];
	s5 =	sor.u32 s0, s3  }
0x5: {  	s3 =	simm.s32 $0x0;
	s0 =	ssub.s32 $0x2, s0;
	s8 =	sadd.s32 $0x1000, s2  }
0x6: {  	s4 =	smul.u32 $0xC80, s5;
	[smem:$0x7FF] =	sst s3;
	s7 =	sshrl.u32 s0, $0x1  }
0x7: {  	s9 =	sadd.s32 $0x2000, s2;
	_ =	strace $0x8000004A;
	s0 =	ssub.s32 s0, s7  }
0x8: {  	s7 =	sshll.u32 s5, $0x7;
	s6 =	sadd.s32 s4, s1;
	s0 =	smax.u32 s0, $0x1  }
0x9: {  	s19 =	sadd.s32 s7, s2;
	s18 =	sadd.s32 $0xF43000, s6;
	[dreg:$0xc] =	wrdreg s0  }
0xa: {  	s10 =	sadd.s32 $0x3000, s2;
	s20 =	sadd.s32 $0x638000, s19;
	[dreg:$0x3] =	wrdreg s18  }
0xb: {  	s11 =	sadd.s32 $0x4000, s2;
	s21 =	sadd.s32 $0x639000, s19;
	[dreg:$0x4] =	wrdreg s20  }
0xc: {  	s12 =	sadd.s32 $0x5000, s2;
	s22 =	sadd.s32 $0x63A000, s19;
	[dreg:$0x5] =	wrdreg s21  }
0xd: {  	s13 =	sadd.s32 $0x6000, s2;
	s23 =	sadd.s32 $0x63B000, s19;
	[dreg:$0x6] =	wrdreg s22  }
0xe: {  	s14 =	sadd.s32 $0x7000, s2;
	s24 =	sadd.s32 $0x63C000, s19;
	[dreg:$0x7] =	wrdreg s23  }
0xf: {  	s4 =	sadd.s32 $0xF5C000, s1;
	s25 =	sadd.s32 $0x63D000, s19;
	[dreg:$0x8] =	wrdreg s24  }
0x10: {  	s6 =	sshll.u32 s5, $0xA;
	s26 =	sadd.s32 $0x63E000, s19;
	[dreg:$0x9] =	wrdreg s25  }
0x11: {  	v0 =	vlaneseq.u32;
	s1 =	sadd.s32 $0x63F000, s19;
	s19 =	simm.s32 $0xC358;
	[dreg:$0xa] =	wrdreg s26  }
0x12: {  	v0 =	vmul.u32 $0x88, v0;
	s5 =	simm.s32 $0x0;
	[dreg:$0xb] =	wrdreg s1;
	s25 =	simm.s32 $0x80  }
0x13: {  	s18 =	simm.s32 $0xC2D0;
	s20 =	simm.s32 $0xC3E0;
	s21 =	simm.s32 $0xC468  }
0x14: {  	v1 =	vadd.s32 $0x880, v0;
	v2 =	vadd.s32 $0x1100, v0;
	v3 =	vadd.s32 $0x1980, v0;
	s22 =	simm.s32 $0xC4F0;
	s26 =	simm.s32 $0xC578;
	s1 =	simm.s32 $0x4  }
.LBB2_1:
0x15: {  	[dreg:$0xd] =	wrdreg s5  }
0x16: {  	s0 =	rddreg [dreg:$0x3];
	s24 =	simm.s32 $0x5  }
0x17: {  	[tilespmem:s3], [sflag:$0x5] =	stream.linear.gather [hbm4b:s0+s3], $0x6400, $0x38;
	[tilespmem:$0xE800] =	vst v63  }
0x18: {  	_ =	swait.ge [sflag:s24], $0x6400  }
0x19: {  	[sflag:s24] =	ssyncset.done $0x0  }
0x1a: {  	s0 =	simm.s32 $0x0;
	[sflag:s24] =	ssyncadd.s32 $0xFFFF9C00  }
.LBB2_2:
0x1b: {  	p0 =	sne.s32 s0, $0x0  }
.Ltmp0:
0x1c: {  	_ = 	snop;
	(pc) =	sbr.rel @!p0 .LBB2_3-.Ltmp0, $1  }
0x1d: {  	_ =	sdelay $0x3  }
0x1e: {  	s23 =	simm.s32 $0x3  }
0x1f: {  	_ =	swait.ge [sflag:s23], $0x400  }
0x20: {  	[sflag:s23] =	ssyncset.done $0x0  }
0x21: {  	[sflag:s23] =	ssyncadd.s32 $0xFFFFFC00  }
0x22: {  	_ =	swait.ge [sflag:s23], $0x400  }
0x23: {  	[sflag:s23] =	ssyncset.done $0x0  }
0x24: {  	[sflag:s23] =	ssyncadd.s32 $0xFFFFFC00  }
0x25: {  	_ =	swait.ge [sflag:s23], $0x400  }
0x26: {  	[sflag:s23] =	ssyncset.done $0x0  }
0x27: {  	[sflag:s23] =	ssyncadd.s32 $0xFFFFFC00  }
0x28: {  	_ =	swait.ge [sflag:s23], $0x400  }
0x29: {  	[sflag:s23] =	ssyncset.done $0x0  }
0x2a: {  	[sflag:s23] =	ssyncadd.s32 $0xFFFFFC00  }
0x2b: {  	_ =	swait.ge [sflag:s23], $0x400  }
0x2c: {  	[sflag:s23] =	ssyncset.done $0x0  }
0x2d: {  	[sflag:s23] =	ssyncadd.s32 $0xFFFFFC00  }
0x2e: {  	_ =	swait.ge [sflag:s23], $0x400  }
0x2f: {  	[sflag:s23] =	ssyncset.done $0x0  }
0x30: {  	[sflag:s23] =	ssyncadd.s32 $0xFFFFFC00  }
0x31: {  	_ =	swait.ge [sflag:s23], $0x400  }
0x32: {  	[sflag:s23] =	ssyncset.done $0x0  }
0x33: {  	[sflag:s23] =	ssyncadd.s32 $0xFFFFFC00  }
0x34: {  	_ =	swait.ge [sflag:s23], $0x400  }
0x35: {  	s5 =	sshll.u32 s0, $0x8;
	[sflag:s23] =	ssyncset.done $0x0  }
0x36: {  	s15 =	simm.s32 $0x6400;
	s5 =	sand.u32 $0x3FFFFF00, s5;
	[sflag:s23] =	ssyncadd.s32 $0xFFFFFC00  }
0x37: {  	[tilespmem:s15], [sflag:$0x1] =	stream.indirect.gather [hbm4b:s4+s25], $0x40, s5, s25, $0xb8;
	[tilespmem:$0xE800] =	vst v63  }
0x38: {  	_ =	swait.ge [sflag:s28], $0x2000  }
0x39: {  	[sflag:s28] =	ssyncset.done $0x0  }
0x3a: {  	[sflag:s28] =	ssyncadd.s32 $0xFFFFE000  }
0x3b: {  	v13 =	vld [tilespmem:$0x8400]  }
0x3c: {  	v14 =	vld [tilespmem:$0x8410]  }
0x3d: {  	v15 =	vld [tilespmem:$0x8420]  }
0x3e: {  	v16 =	vld [tilespmem:$0x8430]  }
0x3f: {  	v17 =	vld [tilespmem:$0x8440]  }
0x40: {  	v18 =	vld [tilespmem:$0x8450]  }
0x41: {  	v19 =	vld [tilespmem:$0x8460]  }
0x42: {  	s24 =	simm.s32 $0x84F0;
	v6 =	vld [tilespmem:$0x8470]  }
0x43: {  	v4 =	vld [tilespmem:s24+$0x0]  }
0x44: {  	v12 =	vimm.s32 $0x0;
	v5 =	vld [tilespmem:s24+$0xFFFFFFF0]  }
0x45: {  	v20 =	vadd.s32 v0, v12;
	v7 =	vld [tilespmem:s24+$0xFFFFFFE0]  }
0x46: {  	v21 =	vadd.s32 v1, v12;
	v8 =	vld [tilespmem:s24+$0xFFFFFFD0]  }
0x47: {  	v22 =	vadd.s32 v2, v12;
	v9 =	vld [tilespmem:s24+$0xFFFFFFC0]  }
0x48: {  	v23 =	vimm.s32 $0x1;
	v24 =	vadd.s32 v3, v12;
	v10 =	vld [tilespmem:s24+$0xFFFFFFB0]  }
0x49: {  	v25 =	vadd.s32 v0, v23;
	v11 =	vld [tilespmem:s24+$0xFFFFFFA0]  }
0x4a: {  	v12 =	vld [tilespmem:s24+$0xFFFFFF90];
	[tilespmem:v20+s31+$0x0] =	vst.idx.msk $0xffff, v13;
	v13 =	vadd.s32 v1, v23  }
0x4b: {  	[tilespmem:v21+s31+$0x0] =	vst.idx.msk $0xffff, v14  }
0x4c: {  	[tilespmem:v22+s31+$0x0] =	vst.idx.msk $0xffff, v15  }
0x4d: {  	[tilespmem:v24+s31+$0x0] =	vst.idx.msk $0xffff, v16  }
0x4e: {  	v14 =	vadd.s32 v2, v23;
	[tilespmem:v25+s31+$0x0] =	vst.idx.msk $0xffff, v17  }
0x4f: {  	[tilespmem:v13+s31+$0x0] =	vst.idx.msk $0xffff, v18;
	v13 =	vadd.s32 v3, v23;
	_ =	sdelay $0x3  }
0x50: {  	s16 =	simm.s32 $0x5;
	s17 =	simm.s32 $0x2;
	s15 =	sshll.u32 s0, $0x1;
	[tilespmem:v14+s31+$0x0] =	vst.idx.msk $0xffff, v19  }
.LBB2_5:
0x51: {  	p0 =	sne.s32 s16, $0x7F;
	v14 =	vmov s17;
	v15 =	vmov s23;
	[tilespmem:v13+s31+$0x0] =	vst.idx.msk $0xffff, v6;
	v6 =	vmovc v4;
	v16 =	vmovc v5;
	v17 =	vmov v7  }
0x52: {  	s24 =	sadd.s32 $0x80, s24;
	v18 =	vmovc v8;
	v19 =	vmovc v9;
	v13 =	vmov v10;
	v20 =	vmov v11;
	v21 =	vmov v12;
	s23 =	smov.u32 s16;
	s16 =	sadd.s32 $0x2, s16  }
0x53: {  	v4 =	vld [tilespmem:s24+$0x0]  }
0x54: {  	v5 =	vld [tilespmem:s24+$0xFFFFFFF0]  }
0x55: {  	v7 =	vld [tilespmem:s24+$0xFFFFFFE0]  }
0x56: {  	v22 =	vadd.s32 v0, v14;
	v8 =	vld [tilespmem:s24+$0xFFFFFFD0]  }
0x57: {  	v23 =	vadd.s32 v1, v14;
	v9 =	vld [tilespmem:s24+$0xFFFFFFC0]  }
0x58: {  	v24 =	vadd.s32 v2, v14;
	v10 =	vld [tilespmem:s24+$0xFFFFFFB0]  }
0x59: {  	v14 =	vadd.s32 v3, v14;
	v11 =	vld [tilespmem:s24+$0xFFFFFFA0]  }
0x5a: {  	v25 =	vadd.s32 v0, v15;
	v12 =	vld [tilespmem:s24+$0xFFFFFF90]  }
0x5b: {  	[tilespmem:v22+s31+$0x0] =	vst.idx.msk $0xffff, v21;
	v21 =	vadd.s32 v1, v15  }
0x5c: {  	[tilespmem:v23+s31+$0x0] =	vst.idx.msk $0xffff, v20;
	v20 =	vadd.s32 v2, v15  }
.Ltmp1:
0x5d: {  	[tilespmem:v24+s31+$0x0] =	vst.idx.msk $0xffff, v13;
	v13 =	vadd.s32 v3, v15;
	(pc) =	sbr.rel @p0 .LBB2_5-.Ltmp1, $4  }
0x5e: {  	[tilespmem:v14+s31+$0x0] =	vst.idx.msk $0xffff, v19  }
0x5f: {  	[tilespmem:v25+s31+$0x0] =	vst.idx.msk $0xffff, v18  }
0x60: {  	[tilespmem:v21+s31+$0x0] =	vst.idx.msk $0xffff, v17  }
0x61: {  	s17 =	sadd.s32 $0xFFFFFFFF, s23;
	[tilespmem:v20+s31+$0x0] =	vst.idx.msk $0xffff, v16  }
0x62: {  	v14 =	vmov s17  }
0x63: {  	v14 =	vand.u32 $0x7FFFFFFE, v14  }
0x64: {  	v15 =	vadd.s32 v0, v14  }
0x65: {  	v16 =	vadd.s32 v1, v14  }
0x66: {  	v17 =	vmov s23;
	v18 =	vadd.s32 v2, v14  }
0x67: {  	v17 =	vand.u32 $0x7FFFFFFF, v17;
	v14 =	vadd.s32 v3, v14  }
0x68: {  	[tilespmem:v13+s31+$0x0] =	vst.idx.msk $0xffff, v6;
	v60 =	vadd.s32 v0, v17  }
0x69: {  	v61 =	vadd.s32 v1, v17;
	[tilespmem:v15+s31+$0x0] =	vst.idx.msk $0xffff, v12  }
0x6a: {  	v62 =	vadd.s32 v2, v17;
	[tilespmem:v16+s31+$0x0] =	vst.idx.msk $0xffff, v11  }
0x6b: {  	v63 =	vadd.s32 v3, v17;
	[tilespmem:v18+s31+$0x0] =	vst.idx.msk $0xffff, v10  }
0x6c: {  	s15 =	sadd.s32 $0xFFFFFFFF, s15;
	[tilespmem:v14+s31+$0x0] =	vst.idx.msk $0xffff, v9  }
0x6d: {  	s16 =	sshll.u32 s15, $0x12;
	[tilespmem:v60+s31+$0x0] =	vst.idx.msk $0xffff, v8  }
0x6e: {  	s16 =	sor.u32 s6, s16;
	[tilespmem:v61+s31+$0x0] =	vst.idx.msk $0xffff, v7  }
0x6f: {  	s16 =	sshrl.u32 s16, $0x3;
	[tilespmem:v62+s31+$0x0] =	vst.idx.msk $0xffff, v5  }
0x70: {  	s16 =	sadd.s32 s2, s16;
	[tilespmem:v63+s31+$0x0] =	vst.idx.msk $0xffff, v4  }
0x71: {  	[hbm4b:s16+s3] =	stream.linear.scatter [tilespmem:s31], [sflag:$0x4], $0x80, $0x38;
	[tilespmem:$0xE800] =	vst v63  }
0x72: {  	s24 =	simm.s32 $0xC688;
	s23 =	sadd.s32 $0x10, s16  }
0x73: {  	[hbm4b:s23+s3] =	stream.linear.scatter [tilespmem:s24], [sflag:$0x4], $0x80, $0x38;
	[tilespmem:$0xE800] =	vst v63  }
0x74: {  	s23 =	sadd.s32 $0x20, s16;
	s24 =	simm.s32 $0xC710  }
0x75: {  	[hbm4b:s23+s3] =	stream.linear.scatter [tilespmem:s24], [sflag:$0x4], $0x80, $0x38;
	[tilespmem:$0xE800] =	vst v63  }
0x76: {  	s23 =	sadd.s32 $0x30, s16;
	s24 =	simm.s32 $0xC798  }
0x77: {  	[hbm4b:s23+s3] =	stream.linear.scatter [tilespmem:s24], [sflag:$0x4], $0x80, $0x38;
	[tilespmem:$0xE800] =	vst v63  }
0x78: {  	s23 =	sadd.s32 $0x40, s16;
	s24 =	simm.s32 $0xC820  }
0x79: {  	[hbm4b:s23+s3] =	stream.linear.scatter [tilespmem:s24], [sflag:$0x4], $0x80, $0x38;
	[tilespmem:$0xE800] =	vst v63  }
0x7a: {  	s23 =	sadd.s32 $0x50, s16;
	s24 =	simm.s32 $0xC8A8  }
0x7b: {  	[hbm4b:s23+s3] =	stream.linear.scatter [tilespmem:s24], [sflag:$0x4], $0x80, $0x38;
	[tilespmem:$0xE800] =	vst v63  }
0x7c: {  	s15 =	sshll.u32 s15, $0xF;
	s23 =	sadd.s32 $0x60, s16;
	s24 =	simm.s32 $0xC930  }
0x7d: {  	[hbm4b:s23+s3] =	stream.linear.scatter [tilespmem:s24], [sflag:$0x4], $0x80, $0x38;
	[tilespmem:$0xE800] =	vst v63  }
0x7e: {  	s15 =	sand.u32 $0x1FFF8000, s15;
	s16 =	sadd.s32 $0x70, s16;
	s23 =	simm.s32 $0xC9B8  }
0x7f: {  	[hbm4b:s16+s3] =	stream.linear.scatter [tilespmem:s23], [sflag:$0x4], $0x80, $0x38;
	[tilespmem:$0xE800] =	vst v63  }
0x80: {  	s23 =	sor.u32 s7, s15  }
0x81: {  	s24 =	simm.s32 $0xCA40;
	s15 =	sadd.s32 s23, s8  }
0x82: {  	[hbm4b:s15+s3] =	stream.linear.scatter [tilespmem:s24], [sflag:$0x4], $0x80, $0x38;
	[tilespmem:$0xE800] =	vst v63  }
0x83: {  	s17 =	sadd.s32 $0x10, s15;
	s24 =	simm.s32 $0xCAC8  }
0x84: {  	[hbm4b:s17+s3] =	stream.linear.scatter [tilespmem:s24], [sflag:$0x4], $0x80, $0x38;
	[tilespmem:$0xE800] =	vst v63  }
0x85: {  	s17 =	sadd.s32 $0x20, s15;
	s24 =	simm.s32 $0xCB50  }
0x86: {  	[hbm4b:s17+s3] =	stream.linear.scatter [tilespmem:s24], [sflag:$0x4], $0x80, $0x38;
	[tilespmem:$0xE800] =	vst v63  }
0x87: {  	s17 =	sadd.s32 $0x30, s15;
	s24 =	simm.s32 $0xCBD8  }
0x88: {  	[hbm4b:s17+s3] =	stream.linear.scatter [tilespmem:s24], [sflag:$0x4], $0x80, $0x38;
	[tilespmem:$0xE800] =	vst v63  }
0x89: {  	s17 =	sadd.s32 $0x40, s15;
	s24 =	simm.s32 $0xCC60  }
0x8a: {  	[hbm4b:s17+s3] =	stream.linear.scatter [tilespmem:s24], [sflag:$0x4], $0x80, $0x38;
	[tilespmem:$0xE800] =	vst v63  }
0x8b: {  	s17 =	sadd.s32 $0x50, s15;
	s24 =	simm.s32 $0xCCE8  }
0x8c: {  	[hbm4b:s17+s3] =	stream.linear.scatter [tilespmem:s24], [sflag:$0x4], $0x80, $0x38;
	[tilespmem:$0xE800] =	vst v63  }
0x8d: {  	s17 =	sadd.s32 $0x60, s15;
	s24 =	simm.s32 $0xCD70  }
0x8e: {  	[hbm4b:s17+s3] =	stream.linear.scatter [tilespmem:s24], [sflag:$0x4], $0x80, $0x38;
	[tilespmem:$0xE800] =	vst v63  }
0x8f: {  	s15 =	sadd.s32 $0x70, s15;
	s17 =	simm.s32 $0xCDF8  }
0x90: {  	[hbm4b:s15+s3] =	stream.linear.scatter [tilespmem:s17], [sflag:$0x4], $0x80, $0x38;
	[tilespmem:$0xE800] =	vst v63  }
0x91: {  	s24 =	simm.s32 $0xCE80;
	s15 =	sadd.s32 s23, s9  }
0x92: {  	[hbm4b:s15+s3] =	stream.linear.scatter [tilespmem:s24], [sflag:$0x4], $0x80, $0x38;
	[tilespmem:$0xE800] =	vst v63  }
0x93: {  	s17 =	sadd.s32 $0x10, s15;
	s24 =	simm.s32 $0xCF08  }
0x94: {  	[hbm4b:s17+s3] =	stream.linear.scatter [tilespmem:s24], [sflag:$0x4], $0x80, $0x38;
	[tilespmem:$0xE800] =	vst v63  }
0x95: {  	s17 =	sadd.s32 $0x20, s15;
	s24 =	simm.s32 $0xCF90  }
0x96: {  	[hbm4b:s17+s3] =	stream.linear.scatter [tilespmem:s24], [sflag:$0x4], $0x80, $0x38;
	[tilespmem:$0xE800] =	vst v63  }
0x97: {  	s17 =	sadd.s32 $0x30, s15;
	s24 =	simm.s32 $0xD018  }
0x98: {  	[hbm4b:s17+s3] =	stream.linear.scatter [tilespmem:s24], [sflag:$0x4], $0x80, $0x38;
	[tilespmem:$0xE800] =	vst v63  }
0x99: {  	s17 =	sadd.s32 $0x40, s15;
	s24 =	simm.s32 $0xD0A0  }
0x9a: {  	[hbm4b:s17+s3] =	stream.linear.scatter [tilespmem:s24], [sflag:$0x4], $0x80, $0x38;
	[tilespmem:$0xE800] =	vst v63  }
0x9b: {  	s17 =	sadd.s32 $0x50, s15;
	s24 =	simm.s32 $0xD128  }
0x9c: {  	[hbm4b:s17+s3] =	stream.linear.scatter [tilespmem:s24], [sflag:$0x4], $0x80, $0x38;
	[tilespmem:$0xE800] =	vst v63  }
0x9d: {  	s17 =	sadd.s32 $0x60, s15;
	s24 =	simm.s32 $0xD1B0  }
0x9e: {  	[hbm4b:s17+s3] =	stream.linear.scatter [tilespmem:s24], [sflag:$0x4], $0x80, $0x38;
	[tilespmem:$0xE800] =	vst v63  }
0x9f: {  	s15 =	sadd.s32 $0x70, s15;
	s17 =	simm.s32 $0xD238  }
0xa0: {  	[hbm4b:s15+s3] =	stream.linear.scatter [tilespmem:s17], [sflag:$0x4], $0x80, $0x38;
	[tilespmem:$0xE800] =	vst v63  }
0xa1: {  	s24 =	simm.s32 $0xD2C0;
	s15 =	sadd.s32 s23, s10  }
0xa2: {  	[hbm4b:s15+s3] =	stream.linear.scatter [tilespmem:s24], [sflag:$0x4], $0x80, $0x38;
	[tilespmem:$0xE800] =	vst v63  }
0xa3: {  	s17 =	sadd.s32 $0x10, s15;
	s24 =	simm.s32 $0xD348  }
0xa4: {  	[hbm4b:s17+s3] =	stream.linear.scatter [tilespmem:s24], [sflag:$0x4], $0x80, $0x38;
	[tilespmem:$0xE800] =	vst v63  }
0xa5: {  	s17 =	sadd.s32 $0x20, s15;
	s24 =	simm.s32 $0xD3D0  }
0xa6: {  	[hbm4b:s17+s3] =	stream.linear.scatter [tilespmem:s24], [sflag:$0x4], $0x80, $0x38;
	[tilespmem:$0xE800] =	vst v63  }
0xa7: {  	s17 =	sadd.s32 $0x30, s15;
	s24 =	simm.s32 $0xD458  }
0xa8: {  	[hbm4b:s17+s3] =	stream.linear.scatter [tilespmem:s24], [sflag:$0x4], $0x80, $0x38;
	[tilespmem:$0xE800] =	vst v63  }
0xa9: {  	s17 =	sadd.s32 $0x40, s15;
	s24 =	simm.s32 $0xD4E0  }
0xaa: {  	[hbm4b:s17+s3] =	stream.linear.scatter [tilespmem:s24], [sflag:$0x4], $0x80, $0x38;
	[tilespmem:$0xE800] =	vst v63  }
0xab: {  	s17 =	sadd.s32 $0x50, s15;
	s24 =	simm.s32 $0xD568  }
0xac: {  	[hbm4b:s17+s3] =	stream.linear.scatter [tilespmem:s24], [sflag:$0x4], $0x80, $0x38;
	[tilespmem:$0xE800] =	vst v63  }
0xad: {  	s17 =	sadd.s32 $0x60, s15;
	s24 =	simm.s32 $0xD5F0  }
0xae: {  	[hbm4b:s17+s3] =	stream.linear.scatter [tilespmem:s24], [sflag:$0x4], $0x80, $0x38;
	[tilespmem:$0xE800] =	vst v63  }
0xaf: {  	s15 =	sadd.s32 $0x70, s15;
	s17 =	simm.s32 $0xD678  }
0xb0: {  	[hbm4b:s15+s3] =	stream.linear.scatter [tilespmem:s17], [sflag:$0x4], $0x80, $0x38;
	[tilespmem:$0xE800] =	vst v63  }
0xb1: {  	s24 =	simm.s32 $0xD700;
	s15 =	sadd.s32 s23, s11  }
0xb2: {  	[hbm4b:s15+s3] =	stream.linear.scatter [tilespmem:s24], [sflag:$0x4], $0x80, $0x38;
	[tilespmem:$0xE800] =	vst v63  }
0xb3: {  	s17 =	sadd.s32 $0x10, s15;
	s24 =	simm.s32 $0xD788  }
0xb4: {  	[hbm4b:s17+s3] =	stream.linear.scatter [tilespmem:s24], [sflag:$0x4], $0x80, $0x38;
	[tilespmem:$0xE800] =	vst v63  }
0xb5: {  	s17 =	sadd.s32 $0x20, s15;
	s24 =	simm.s32 $0xD810  }
0xb6: {  	[hbm4b:s17+s3] =	stream.linear.scatter [tilespmem:s24], [sflag:$0x4], $0x80, $0x38;
	[tilespmem:$0xE800] =	vst v63  }
0xb7: {  	s17 =	sadd.s32 $0x30, s15;
	s24 =	simm.s32 $0xD898  }
0xb8: {  	[hbm4b:s17+s3] =	stream.linear.scatter [tilespmem:s24], [sflag:$0x4], $0x80, $0x38;
	[tilespmem:$0xE800] =	vst v63  }
0xb9: {  	s17 =	sadd.s32 $0x40, s15;
	s24 =	simm.s32 $0xD920  }
0xba: {  	[hbm4b:s17+s3] =	stream.linear.scatter [tilespmem:s24], [sflag:$0x4], $0x80, $0x38;
	[tilespmem:$0xE800] =	vst v63  }
0xbb: {  	s17 =	sadd.s32 $0x50, s15;
	s24 =	simm.s32 $0xD9A8  }
0xbc: {  	[hbm4b:s17+s3] =	stream.linear.scatter [tilespmem:s24], [sflag:$0x4], $0x80, $0x38;
	[tilespmem:$0xE800] =	vst v63  }
0xbd: {  	s17 =	sadd.s32 $0x60, s15;
	s24 =	simm.s32 $0xDA30  }
0xbe: {  	[hbm4b:s17+s3] =	stream.linear.scatter [tilespmem:s24], [sflag:$0x4], $0x80, $0x38;
	[tilespmem:$0xE800] =	vst v63  }
0xbf: {  	s15 =	sadd.s32 $0x70, s15;
	s17 =	simm.s32 $0xDAB8  }
0xc0: {  	[hbm4b:s15+s3] =	stream.linear.scatter [tilespmem:s17], [sflag:$0x4], $0x80, $0x38;
	[tilespmem:$0xE800] =	vst v63  }
0xc1: {  	s24 =	simm.s32 $0xDB40;
	s15 =	sadd.s32 s23, s12  }
0xc2: {  	[hbm4b:s15+s3] =	stream.linear.scatter [tilespmem:s24], [sflag:$0x4], $0x80, $0x38;
	[tilespmem:$0xE800] =	vst v63  }
0xc3: {  	s17 =	sadd.s32 $0x10, s15;
	s24 =	simm.s32 $0xDBC8  }
0xc4: {  	[hbm4b:s17+s3] =	stream.linear.scatter [tilespmem:s24], [sflag:$0x4], $0x80, $0x38;
	[tilespmem:$0xE800] =	vst v63  }
0xc5: {  	s17 =	sadd.s32 $0x20, s15;
	s24 =	simm.s32 $0xDC50  }
0xc6: {  	[hbm4b:s17+s3] =	stream.linear.scatter [tilespmem:s24], [sflag:$0x4], $0x80, $0x38;
	[tilespmem:$0xE800] =	vst v63  }
0xc7: {  	s17 =	sadd.s32 $0x30, s15;
	s24 =	simm.s32 $0xDCD8  }
0xc8: {  	[hbm4b:s17+s3] =	stream.linear.scatter [tilespmem:s24], [sflag:$0x4], $0x80, $0x38;
	[tilespmem:$0xE800] =	vst v63  }
0xc9: {  	s17 =	sadd.s32 $0x40, s15;
	s24 =	simm.s32 $0xDD60  }
0xca: {  	[hbm4b:s17+s3] =	stream.linear.scatter [tilespmem:s24], [sflag:$0x4], $0x80, $0x38;
	[tilespmem:$0xE800] =	vst v63  }
0xcb: {  	s17 =	sadd.s32 $0x50, s15;
	s24 =	simm.s32 $0xDDE8  }
0xcc: {  	[hbm4b:s17+s3] =	stream.linear.scatter [tilespmem:s24], [sflag:$0x4], $0x80, $0x38;
	[tilespmem:$0xE800] =	vst v63  }
0xcd: {  	s17 =	sadd.s32 $0x60, s15;
	s24 =	simm.s32 $0xDE70  }
0xce: {  	[hbm4b:s17+s3] =	stream.linear.scatter [tilespmem:s24], [sflag:$0x4], $0x80, $0x38;
	[tilespmem:$0xE800] =	vst v63  }
0xcf: {  	s15 =	sadd.s32 $0x70, s15;
	s17 =	simm.s32 $0xDEF8  }
0xd0: {  	[hbm4b:s15+s3] =	stream.linear.scatter [tilespmem:s17], [sflag:$0x4], $0x80, $0x38;
	[tilespmem:$0xE800] =	vst v63  }
0xd1: {  	s24 =	simm.s32 $0xDF80;
	s15 =	sadd.s32 s23, s13  }
0xd2: {  	[hbm4b:s15+s3] =	stream.linear.scatter [tilespmem:s24], [sflag:$0x4], $0x80, $0x38;
	[tilespmem:$0xE800] =	vst v63  }
0xd3: {  	s17 =	sadd.s32 $0x10, s15;
	s24 =	simm.s32 $0xE008  }
0xd4: {  	[hbm4b:s17+s3] =	stream.linear.scatter [tilespmem:s24], [sflag:$0x4], $0x80, $0x38;
	[tilespmem:$0xE800] =	vst v63  }
0xd5: {  	s17 =	sadd.s32 $0x20, s15;
	s24 =	simm.s32 $0xE090  }
0xd6: {  	[hbm4b:s17+s3] =	stream.linear.scatter [tilespmem:s24], [sflag:$0x4], $0x80, $0x38;
	[tilespmem:$0xE800] =	vst v63  }
0xd7: {  	s17 =	sadd.s32 $0x30, s15;
	s24 =	simm.s32 $0xE118  }
0xd8: {  	[hbm4b:s17+s3] =	stream.linear.scatter [tilespmem:s24], [sflag:$0x4], $0x80, $0x38;
	[tilespmem:$0xE800] =	vst v63  }
0xd9: {  	s17 =	sadd.s32 $0x40, s15;
	s24 =	simm.s32 $0xE1A0  }
0xda: {  	[hbm4b:s17+s3] =	stream.linear.scatter [tilespmem:s24], [sflag:$0x4], $0x80, $0x38;
	[tilespmem:$0xE800] =	vst v63  }
0xdb: {  	s17 =	sadd.s32 $0x50, s15;
	s24 =	simm.s32 $0xE228  }
0xdc: {  	[hbm4b:s17+s3] =	stream.linear.scatter [tilespmem:s24], [sflag:$0x4], $0x80, $0x38;
	[tilespmem:$0xE800] =	vst v63  }
0xdd: {  	s17 =	sadd.s32 $0x60, s15;
	s24 =	simm.s32 $0xE2B0  }
0xde: {  	[hbm4b:s17+s3] =	stream.linear.scatter [tilespmem:s24], [sflag:$0x4], $0x80, $0x38;
	[tilespmem:$0xE800] =	vst v63  }
0xdf: {  	s15 =	sadd.s32 $0x70, s15;
	s24 =	simm.s32 $0xE338  }
0xe0: {  	[hbm4b:s15+s3] =	stream.linear.scatter [tilespmem:s24], [sflag:$0x4], $0x80, $0x38;
	[tilespmem:$0xE800] =	vst v63  }
0xe1: {  	s17 =	simm.s32 $0xE3C0;
	s15 =	sadd.s32 s23, s14  }
0xe2: {  	[hbm4b:s15+s3] =	stream.linear.scatter [tilespmem:s17], [sflag:$0x4], $0x80, $0x38;
	[tilespmem:$0xE800] =	vst v63  }
0xe3: {  	s24 =	simm.s32 $0xE448;
	s23 =	sadd.s32 $0x10, s15  }
0xe4: {  	[hbm4b:s23+s3] =	stream.linear.scatter [tilespmem:s24], [sflag:$0x4], $0x80, $0x38;
	[tilespmem:$0xE800] =	vst v63  }
0xe5: {  	s23 =	sadd.s32 $0x20, s15;
	s24 =	simm.s32 $0xE4D0  }
0xe6: {  	[hbm4b:s23+s3] =	stream.linear.scatter [tilespmem:s24], [sflag:$0x4], $0x80, $0x38;
	[tilespmem:$0xE800] =	vst v63  }
0xe7: {  	s23 =	sadd.s32 $0x30, s15;
	s24 =	simm.s32 $0xE558  }
0xe8: {  	[hbm4b:s23+s3] =	stream.linear.scatter [tilespmem:s24], [sflag:$0x4], $0x80, $0x38;
	[tilespmem:$0xE800] =	vst v63  }
0xe9: {  	s23 =	sadd.s32 $0x40, s15;
	s24 =	simm.s32 $0xE5E0  }
0xea: {  	[hbm4b:s23+s3] =	stream.linear.scatter [tilespmem:s24], [sflag:$0x4], $0x80, $0x38;
	[tilespmem:$0xE800] =	vst v63  }
0xeb: {  	s23 =	sadd.s32 $0x50, s15;
	s24 =	simm.s32 $0xE668  }
0xec: {  	[hbm4b:s23+s3] =	stream.linear.scatter [tilespmem:s24], [sflag:$0x4], $0x80, $0x38;
	[tilespmem:$0xE800] =	vst v63  }
0xed: {  	s17 =	sadd.s32 $0x60, s15;
	s23 =	simm.s32 $0xE6F0  }
0xee: {  	[hbm4b:s17+s3] =	stream.linear.scatter [tilespmem:s23], [sflag:$0x4], $0x80, $0x38;
	[tilespmem:$0xE800] =	vst v63  }
0xef: {  	s15 =	sadd.s32 $0x70, s15;
	s24 =	simm.s32 $0xE778  }
0xf0: {  	[hbm4b:s15+s3] =	stream.linear.scatter [tilespmem:s24], [sflag:$0x4], $0x80, $0x38;
	[tilespmem:$0xE800] =	vst v63  }
0xf1: {  	_ =	swait.ge [sflag:s1], $0x400  }
0xf2: {  	[sflag:s1] =	ssyncset.done $0x0  }
0xf3: {  	[sflag:s1] =	ssyncadd.s32 $0xFFFFFC00  }
0xf4: {  	_ =	swait.ge [sflag:s1], $0x400  }
0xf5: {  	[sflag:s1] =	ssyncset.done $0x0  }
0xf6: {  	[sflag:s1] =	ssyncadd.s32 $0xFFFFFC00  }
0xf7: {  	_ =	swait.ge [sflag:s1], $0x400  }
0xf8: {  	[sflag:s1] =	ssyncset.done $0x0  }
0xf9: {  	[sflag:s1] =	ssyncadd.s32 $0xFFFFFC00  }
0xfa: {  	_ =	swait.ge [sflag:s1], $0x400  }
0xfb: {  	[sflag:s1] =	ssyncset.done $0x0  }
0xfc: {  	[sflag:s1] =	ssyncadd.s32 $0xFFFFFC00  }
0xfd: {  	_ =	swait.ge [sflag:s1], $0x400  }
0xfe: {  	[sflag:s1] =	ssyncset.done $0x0  }
0xff: {  	[sflag:s1] =	ssyncadd.s32 $0xFFFFFC00  }
0x100: {  	_ =	swait.ge [sflag:s1], $0x400  }
0x101: {  	[sflag:s1] =	ssyncset.done $0x0  }
0x102: {  	[sflag:s1] =	ssyncadd.s32 $0xFFFFFC00  }
0x103: {  	_ =	swait.ge [sflag:s1], $0x400  }
.Ltmp2:
0x104: {  	[sflag:s1] =	ssyncset.done $0x0;
	(pc) =	sbr.rel .LBB2_7-.Ltmp2, $4  }
0x105: {  	[sflag:s1] =	ssyncadd.s32 $0xFFFFFC00  }
0x106: {  	_ =	swait.ge [sflag:s1], $0x400  }
0x107: {  	[sflag:s1] =	ssyncset.done $0x0  }
0x108: {  	[sflag:s1] =	ssyncadd.s32 $0xFFFFFC00  }
.LBB2_3:
0x109: {  	s5 =	simm.s32 $0x0;
	s15 =	simm.s32 $0x6400  }
0x10a: {  	[tilespmem:s15], [sflag:$0x1] =	stream.indirect.gather [hbm4b:s4+s25], $0x40, s5, s25, $0xb8;
	[tilespmem:$0xE800] =	vst v63  }
.LBB2_7:
0x10b: {  	s5 =	sadd.s32 $0x80, s5;
	s15 =	simm.s32 $0x8400  }
0x10c: {  	[tilespmem:s15], [sflag:$0x2] =	stream.indirect.gather [hbm4b:s4+s25], $0x40, s5, s25, $0xb8;
	[tilespmem:$0xE800] =	vst v63  }
0x10d: {  	_ =	swait.ge [sflag:s29], $0x2000  }
0x10e: {  	[sflag:s29] =	ssyncset.done $0x0  }
0x10f: {  	[sflag:s29] =	ssyncadd.s32 $0xFFFFE000  }
0x110: {  	v13 =	vld [tilespmem:$0x6400]  }
0x111: {  	v14 =	vld [tilespmem:$0x6410]  }
0x112: {  	v15 =	vld [tilespmem:$0x6420]  }
0x113: {  	v16 =	vld [tilespmem:$0x6430]  }
0x114: {  	v17 =	vld [tilespmem:$0x6440]  }
0x115: {  	v18 =	vld [tilespmem:$0x6450]  }
0x116: {  	v19 =	vld [tilespmem:$0x6460]  }
0x117: {  	s5 =	simm.s32 $0x64F0;
	v5 =	vld [tilespmem:$0x6470]  }
0x118: {  	v4 =	vld [tilespmem:s5+$0x0]  }
0x119: {  	v12 =	vimm.s32 $0x0;
	v6 =	vld [tilespmem:s5+$0xFFFFFFF0]  }
0x11a: {  	v20 =	vadd.s32 v0, v12;
	v7 =	vld [tilespmem:s5+$0xFFFFFFE0]  }
0x11b: {  	v21 =	vadd.s32 v1, v12;
	v8 =	vld [tilespmem:s5+$0xFFFFFFD0]  }
0x11c: {  	v22 =	vadd.s32 v2, v12;
	v9 =	vld [tilespmem:s5+$0xFFFFFFC0]  }
0x11d: {  	v23 =	vimm.s32 $0x1;
	v24 =	vadd.s32 v3, v12;
	v10 =	vld [tilespmem:s5+$0xFFFFFFB0]  }
0x11e: {  	v25 =	vadd.s32 v0, v23;
	v11 =	vld [tilespmem:s5+$0xFFFFFFA0]  }
0x11f: {  	v12 =	vld [tilespmem:s5+$0xFFFFFF90];
	[tilespmem:v20+s30+$0x0] =	vst.idx.msk $0xffff, v13;
	v13 =	vadd.s32 v1, v23  }
0x120: {  	[tilespmem:v21+s30+$0x0] =	vst.idx.msk $0xffff, v14  }
0x121: {  	[tilespmem:v22+s30+$0x0] =	vst.idx.msk $0xffff, v15  }
0x122: {  	[tilespmem:v24+s30+$0x0] =	vst.idx.msk $0xffff, v16  }
0x123: {  	v14 =	vadd.s32 v2, v23;
	[tilespmem:v25+s30+$0x0] =	vst.idx.msk $0xffff, v17  }
0x124: {  	[tilespmem:v13+s30+$0x0] =	vst.idx.msk $0xffff, v18;
	v13 =	vadd.s32 v3, v23;
	_ =	sdelay $0x3  }
0x125: {  	s16 =	simm.s32 $0x3;
	s17 =	simm.s32 $0x2;
	s15 =	simm.s32 $0x5;
	[tilespmem:v14+s30+$0x0] =	vst.idx.msk $0xffff, v19  }
.LBB2_8:
0x126: {  	p0 =	sne.s32 s15, $0x7F;
	v14 =	vmov s17;
	v15 =	vmov s16;
	[tilespmem:v13+s30+$0x0] =	vst.idx.msk $0xffff, v5;
	v5 =	vmovc v4;
	v16 =	vmovc v6;
	v17 =	vmov v7  }
0x127: {  	s5 =	sadd.s32 $0x80, s5;
	v18 =	vmovc v8;
	v19 =	vmovc v9;
	v13 =	vmov v10;
	v20 =	vmov v11;
	v21 =	vmov v12;
	s16 =	smov.u32 s15;
	s15 =	sadd.s32 $0x2, s15  }
0x128: {  	v4 =	vld [tilespmem:s5+$0x0]  }
0x129: {  	v6 =	vld [tilespmem:s5+$0xFFFFFFF0]  }
0x12a: {  	v7 =	vld [tilespmem:s5+$0xFFFFFFE0]  }
0x12b: {  	v22 =	vadd.s32 v0, v14;
	v8 =	vld [tilespmem:s5+$0xFFFFFFD0]  }
0x12c: {  	v23 =	vadd.s32 v1, v14;
	v9 =	vld [tilespmem:s5+$0xFFFFFFC0]  }
0x12d: {  	v24 =	vadd.s32 v2, v14;
	v10 =	vld [tilespmem:s5+$0xFFFFFFB0]  }
0x12e: {  	v14 =	vadd.s32 v3, v14;
	v11 =	vld [tilespmem:s5+$0xFFFFFFA0]  }
0x12f: {  	v25 =	vadd.s32 v0, v15;
	v12 =	vld [tilespmem:s5+$0xFFFFFF90]  }
0x130: {  	[tilespmem:v22+s30+$0x0] =	vst.idx.msk $0xffff, v21;
	v21 =	vadd.s32 v1, v15  }
0x131: {  	[tilespmem:v23+s30+$0x0] =	vst.idx.msk $0xffff, v20;
	v20 =	vadd.s32 v2, v15  }
.Ltmp3:
0x132: {  	[tilespmem:v24+s30+$0x0] =	vst.idx.msk $0xffff, v13;
	v13 =	vadd.s32 v3, v15;
	(pc) =	sbr.rel @p0 .LBB2_8-.Ltmp3, $4  }
0x133: {  	[tilespmem:v14+s30+$0x0] =	vst.idx.msk $0xffff, v19  }
0x134: {  	[tilespmem:v25+s30+$0x0] =	vst.idx.msk $0xffff, v18  }
0x135: {  	[tilespmem:v21+s30+$0x0] =	vst.idx.msk $0xffff, v17  }
0x136: {  	s17 =	sadd.s32 $0xFFFFFFFF, s16;
	[tilespmem:v20+s30+$0x0] =	vst.idx.msk $0xffff, v16  }
0x137: {  	v14 =	vmov s17  }
0x138: {  	v14 =	vand.u32 $0x7FFFFFFE, v14  }
0x139: {  	v15 =	vadd.s32 v0, v14  }
0x13a: {  	v16 =	vadd.s32 v1, v14  }
0x13b: {  	v17 =	vmov s16;
	v18 =	vadd.s32 v2, v14  }
0x13c: {  	v17 =	vand.u32 $0x7FFFFFFF, v17;
	v14 =	vadd.s32 v3, v14  }
0x13d: {  	[tilespmem:v13+s30+$0x0] =	vst.idx.msk $0xffff, v5;
	v5 =	vadd.s32 v0, v17  }
0x13e: {  	v61 =	vadd.s32 v1, v17;
	[tilespmem:v15+s30+$0x0] =	vst.idx.msk $0xffff, v12  }
0x13f: {  	v62 =	vadd.s32 v2, v17;
	[tilespmem:v16+s30+$0x0] =	vst.idx.msk $0xffff, v11  }
0x140: {  	v63 =	vadd.s32 v3, v17;
	[tilespmem:v18+s30+$0x0] =	vst.idx.msk $0xffff, v10  }
0x141: {  	[tilespmem:v14+s30+$0x0] =	vst.idx.msk $0xffff, v9  }
0x142: {  	[tilespmem:v5+s30+$0x0] =	vst.idx.msk $0xffff, v8  }
0x143: {  	s5 =	sshll.u32 s0, $0x10;
	[tilespmem:v61+s30+$0x0] =	vst.idx.msk $0xffff, v7  }
0x144: {  	s5 =	sor.u32 s7, s5;
	[tilespmem:v62+s30+$0x0] =	vst.idx.msk $0xffff, v6  }
0x145: {  	s15 =	sadd.s32 s2, s5;
	[tilespmem:v63+s30+$0x0] =	vst.idx.msk $0xffff, v4  }
0x146: {  	[hbm4b:s15+s3] =	stream.linear.scatter [tilespmem:s30], [sflag:$0x3], $0x80, $0x38;
	[tilespmem:$0xE800] =	vst v63  }
0x147: {  	s24 =	simm.s32 $0xA488;
	s23 =	sadd.s32 $0x10, s15  }
0x148: {  	[hbm4b:s23+s3] =	stream.linear.scatter [tilespmem:s24], [sflag:$0x3], $0x80, $0x38;
	[tilespmem:$0xE800] =	vst v63  }
0x149: {  	s23 =	sadd.s32 $0x20, s15;
	s24 =	simm.s32 $0xA510  }
0x14a: {  	[hbm4b:s23+s3] =	stream.linear.scatter [tilespmem:s24], [sflag:$0x3], $0x80, $0x38;
	[tilespmem:$0xE800] =	vst v63  }
0x14b: {  	s23 =	sadd.s32 $0x30, s15;
	s24 =	simm.s32 $0xA598  }
0x14c: {  	[hbm4b:s23+s3] =	stream.linear.scatter [tilespmem:s24], [sflag:$0x3], $0x80, $0x38;
	[tilespmem:$0xE800] =	vst v63  }
0x14d: {  	s23 =	sadd.s32 $0x40, s15;
	s24 =	simm.s32 $0xA620  }
0x14e: {  	[hbm4b:s23+s3] =	stream.linear.scatter [tilespmem:s24], [sflag:$0x3], $0x80, $0x38;
	[tilespmem:$0xE800] =	vst v63  }
0x14f: {  	s23 =	sadd.s32 $0x50, s15;
	s24 =	simm.s32 $0xA6A8  }
0x150: {  	[hbm4b:s23+s3] =	stream.linear.scatter [tilespmem:s24], [sflag:$0x3], $0x80, $0x38;
	[tilespmem:$0xE800] =	vst v63  }
0x151: {  	s17 =	sadd.s32 $0x60, s15;
	s23 =	simm.s32 $0xA730  }
0x152: {  	[hbm4b:s17+s3] =	stream.linear.scatter [tilespmem:s23], [sflag:$0x3], $0x80, $0x38;
	[tilespmem:$0xE800] =	vst v63  }
0x153: {  	s15 =	sadd.s32 $0x70, s15;
	s24 =	simm.s32 $0xA7B8  }
0x154: {  	[hbm4b:s15+s3] =	stream.linear.scatter [tilespmem:s24], [sflag:$0x3], $0x80, $0x38;
	[tilespmem:$0xE800] =	vst v63  }
0x155: {  	s17 =	simm.s32 $0xA840;
	s15 =	sadd.s32 s5, s8  }
0x156: {  	[hbm4b:s15+s3] =	stream.linear.scatter [tilespmem:s17], [sflag:$0x3], $0x80, $0x38;
	[tilespmem:$0xE800] =	vst v63  }
0x157: {  	s24 =	simm.s32 $0xA8C8;
	s23 =	sadd.s32 $0x10, s15  }
0x158: {  	[hbm4b:s23+s3] =	stream.linear.scatter [tilespmem:s24], [sflag:$0x3], $0x80, $0x38;
	[tilespmem:$0xE800] =	vst v63  }
0x159: {  	s23 =	sadd.s32 $0x20, s15;
	s24 =	simm.s32 $0xA950  }
0x15a: {  	[hbm4b:s23+s3] =	stream.linear.scatter [tilespmem:s24], [sflag:$0x3], $0x80, $0x38;
	[tilespmem:$0xE800] =	vst v63  }
0x15b: {  	s23 =	sadd.s32 $0x30, s15;
	s24 =	simm.s32 $0xA9D8  }
0x15c: {  	[hbm4b:s23+s3] =	stream.linear.scatter [tilespmem:s24], [sflag:$0x3], $0x80, $0x38;
	[tilespmem:$0xE800] =	vst v63  }
0x15d: {  	s23 =	sadd.s32 $0x40, s15;
	s24 =	simm.s32 $0xAA60  }
0x15e: {  	[hbm4b:s23+s3] =	stream.linear.scatter [tilespmem:s24], [sflag:$0x3], $0x80, $0x38;
	[tilespmem:$0xE800] =	vst v63  }
0x15f: {  	s23 =	sadd.s32 $0x50, s15;
	s24 =	simm.s32 $0xAAE8  }
0x160: {  	[hbm4b:s23+s3] =	stream.linear.scatter [tilespmem:s24], [sflag:$0x3], $0x80, $0x38;
	[tilespmem:$0xE800] =	vst v63  }
0x161: {  	s17 =	sadd.s32 $0x60, s15;
	s23 =	simm.s32 $0xAB70  }
0x162: {  	[hbm4b:s17+s3] =	stream.linear.scatter [tilespmem:s23], [sflag:$0x3], $0x80, $0x38;
	[tilespmem:$0xE800] =	vst v63  }
0x163: {  	s15 =	sadd.s32 $0x70, s15;
	s24 =	simm.s32 $0xABF8  }
0x164: {  	[hbm4b:s15+s3] =	stream.linear.scatter [tilespmem:s24], [sflag:$0x3], $0x80, $0x38;
	[tilespmem:$0xE800] =	vst v63  }
0x165: {  	s17 =	simm.s32 $0xAC80;
	s15 =	sadd.s32 s5, s9  }
0x166: {  	[hbm4b:s15+s3] =	stream.linear.scatter [tilespmem:s17], [sflag:$0x3], $0x80, $0x38;
	[tilespmem:$0xE800] =	vst v63  }
0x167: {  	s24 =	simm.s32 $0xAD08;
	s23 =	sadd.s32 $0x10, s15  }
0x168: {  	[hbm4b:s23+s3] =	stream.linear.scatter [tilespmem:s24], [sflag:$0x3], $0x80, $0x38;
	[tilespmem:$0xE800] =	vst v63  }
0x169: {  	s23 =	sadd.s32 $0x20, s15;
	s24 =	simm.s32 $0xAD90  }
0x16a: {  	[hbm4b:s23+s3] =	stream.linear.scatter [tilespmem:s24], [sflag:$0x3], $0x80, $0x38;
	[tilespmem:$0xE800] =	vst v63  }
0x16b: {  	s23 =	sadd.s32 $0x30, s15;
	s24 =	simm.s32 $0xAE18  }
0x16c: {  	[hbm4b:s23+s3] =	stream.linear.scatter [tilespmem:s24], [sflag:$0x3], $0x80, $0x38;
	[tilespmem:$0xE800] =	vst v63  }
0x16d: {  	s23 =	sadd.s32 $0x40, s15;
	s24 =	simm.s32 $0xAEA0  }
0x16e: {  	[hbm4b:s23+s3] =	stream.linear.scatter [tilespmem:s24], [sflag:$0x3], $0x80, $0x38;
	[tilespmem:$0xE800] =	vst v63  }
0x16f: {  	s23 =	sadd.s32 $0x50, s15;
	s24 =	simm.s32 $0xAF28  }
0x170: {  	[hbm4b:s23+s3] =	stream.linear.scatter [tilespmem:s24], [sflag:$0x3], $0x80, $0x38;
	[tilespmem:$0xE800] =	vst v63  }
0x171: {  	s17 =	sadd.s32 $0x60, s15;
	s23 =	simm.s32 $0xAFB0  }
0x172: {  	[hbm4b:s17+s3] =	stream.linear.scatter [tilespmem:s23], [sflag:$0x3], $0x80, $0x38;
	[tilespmem:$0xE800] =	vst v63  }
0x173: {  	s15 =	sadd.s32 $0x70, s15;
	s24 =	simm.s32 $0xB038  }
0x174: {  	[hbm4b:s15+s3] =	stream.linear.scatter [tilespmem:s24], [sflag:$0x3], $0x80, $0x38;
	[tilespmem:$0xE800] =	vst v63  }
0x175: {  	s17 =	simm.s32 $0xB0C0;
	s15 =	sadd.s32 s5, s10  }
0x176: {  	[hbm4b:s15+s3] =	stream.linear.scatter [tilespmem:s17], [sflag:$0x3], $0x80, $0x38;
	[tilespmem:$0xE800] =	vst v63  }
0x177: {  	s24 =	simm.s32 $0xB148;
	s23 =	sadd.s32 $0x10, s15  }
0x178: {  	[hbm4b:s23+s3] =	stream.linear.scatter [tilespmem:s24], [sflag:$0x3], $0x80, $0x38;
	[tilespmem:$0xE800] =	vst v63  }
0x179: {  	s23 =	sadd.s32 $0x20, s15;
	s24 =	simm.s32 $0xB1D0  }
0x17a: {  	[hbm4b:s23+s3] =	stream.linear.scatter [tilespmem:s24], [sflag:$0x3], $0x80, $0x38;
	[tilespmem:$0xE800] =	vst v63  }
0x17b: {  	s23 =	sadd.s32 $0x30, s15;
	s24 =	simm.s32 $0xB258  }
0x17c: {  	[hbm4b:s23+s3] =	stream.linear.scatter [tilespmem:s24], [sflag:$0x3], $0x80, $0x38;
	[tilespmem:$0xE800] =	vst v63  }
0x17d: {  	s23 =	sadd.s32 $0x40, s15;
	s24 =	simm.s32 $0xB2E0  }
0x17e: {  	[hbm4b:s23+s3] =	stream.linear.scatter [tilespmem:s24], [sflag:$0x3], $0x80, $0x38;
	[tilespmem:$0xE800] =	vst v63  }
0x17f: {  	s23 =	sadd.s32 $0x50, s15;
	s24 =	simm.s32 $0xB368  }
0x180: {  	[hbm4b:s23+s3] =	stream.linear.scatter [tilespmem:s24], [sflag:$0x3], $0x80, $0x38;
	[tilespmem:$0xE800] =	vst v63  }
0x181: {  	s17 =	sadd.s32 $0x60, s15;
	s23 =	simm.s32 $0xB3F0  }
0x182: {  	[hbm4b:s17+s3] =	stream.linear.scatter [tilespmem:s23], [sflag:$0x3], $0x80, $0x38;
	[tilespmem:$0xE800] =	vst v63  }
0x183: {  	s15 =	sadd.s32 $0x70, s15;
	s24 =	simm.s32 $0xB478  }
0x184: {  	[hbm4b:s15+s3] =	stream.linear.scatter [tilespmem:s24], [sflag:$0x3], $0x80, $0x38;
	[tilespmem:$0xE800] =	vst v63  }
0x185: {  	s17 =	simm.s32 $0xB500;
	s15 =	sadd.s32 s5, s11  }
0x186: {  	[hbm4b:s15+s3] =	stream.linear.scatter [tilespmem:s17], [sflag:$0x3], $0x80, $0x38;
	[tilespmem:$0xE800] =	vst v63  }
0x187: {  	s24 =	simm.s32 $0xB588;
	s23 =	sadd.s32 $0x10, s15  }
0x188: {  	[hbm4b:s23+s3] =	stream.linear.scatter [tilespmem:s24], [sflag:$0x3], $0x80, $0x38;
	[tilespmem:$0xE800] =	vst v63  }
0x189: {  	s23 =	sadd.s32 $0x20, s15;
	s24 =	simm.s32 $0xB610  }
0x18a: {  	[hbm4b:s23+s3] =	stream.linear.scatter [tilespmem:s24], [sflag:$0x3], $0x80, $0x38;
	[tilespmem:$0xE800] =	vst v63  }
0x18b: {  	s23 =	sadd.s32 $0x30, s15;
	s24 =	simm.s32 $0xB698  }
0x18c: {  	[hbm4b:s23+s3] =	stream.linear.scatter [tilespmem:s24], [sflag:$0x3], $0x80, $0x38;
	[tilespmem:$0xE800] =	vst v63  }
0x18d: {  	s23 =	sadd.s32 $0x40, s15;
	s24 =	simm.s32 $0xB720  }
0x18e: {  	[hbm4b:s23+s3] =	stream.linear.scatter [tilespmem:s24], [sflag:$0x3], $0x80, $0x38;
	[tilespmem:$0xE800] =	vst v63  }
0x18f: {  	s23 =	sadd.s32 $0x50, s15;
	s24 =	simm.s32 $0xB7A8  }
0x190: {  	[hbm4b:s23+s3] =	stream.linear.scatter [tilespmem:s24], [sflag:$0x3], $0x80, $0x38;
	[tilespmem:$0xE800] =	vst v63  }
0x191: {  	s17 =	sadd.s32 $0x60, s15;
	s23 =	simm.s32 $0xB830  }
0x192: {  	[hbm4b:s17+s3] =	stream.linear.scatter [tilespmem:s23], [sflag:$0x3], $0x80, $0x38;
	[tilespmem:$0xE800] =	vst v63  }
0x193: {  	s15 =	sadd.s32 $0x70, s15;
	s24 =	simm.s32 $0xB8B8  }
0x194: {  	[hbm4b:s15+s3] =	stream.linear.scatter [tilespmem:s24], [sflag:$0x3], $0x80, $0x38;
	[tilespmem:$0xE800] =	vst v63  }
0x195: {  	s17 =	simm.s32 $0xB940;
	s15 =	sadd.s32 s5, s12  }
0x196: {  	[hbm4b:s15+s3] =	stream.linear.scatter [tilespmem:s17], [sflag:$0x3], $0x80, $0x38;
	[tilespmem:$0xE800] =	vst v63  }
0x197: {  	s24 =	simm.s32 $0xB9C8;
	s23 =	sadd.s32 $0x10, s15  }
0x198: {  	[hbm4b:s23+s3] =	stream.linear.scatter [tilespmem:s24], [sflag:$0x3], $0x80, $0x38;
	[tilespmem:$0xE800] =	vst v63  }
0x199: {  	s23 =	sadd.s32 $0x20, s15;
	s24 =	simm.s32 $0xBA50  }
0x19a: {  	[hbm4b:s23+s3] =	stream.linear.scatter [tilespmem:s24], [sflag:$0x3], $0x80, $0x38;
	[tilespmem:$0xE800] =	vst v63  }
0x19b: {  	s23 =	sadd.s32 $0x30, s15;
	s24 =	simm.s32 $0xBAD8  }
0x19c: {  	[hbm4b:s23+s3] =	stream.linear.scatter [tilespmem:s24], [sflag:$0x3], $0x80, $0x38;
	[tilespmem:$0xE800] =	vst v63  }
0x19d: {  	s23 =	sadd.s32 $0x40, s15;
	s24 =	simm.s32 $0xBB60  }
0x19e: {  	[hbm4b:s23+s3] =	stream.linear.scatter [tilespmem:s24], [sflag:$0x3], $0x80, $0x38;
	[tilespmem:$0xE800] =	vst v63  }
0x19f: {  	s23 =	sadd.s32 $0x50, s15;
	s24 =	simm.s32 $0xBBE8  }
0x1a0: {  	[hbm4b:s23+s3] =	stream.linear.scatter [tilespmem:s24], [sflag:$0x3], $0x80, $0x38;
	[tilespmem:$0xE800] =	vst v63  }
0x1a1: {  	s17 =	sadd.s32 $0x60, s15;
	s23 =	simm.s32 $0xBC70  }
0x1a2: {  	[hbm4b:s17+s3] =	stream.linear.scatter [tilespmem:s23], [sflag:$0x3], $0x80, $0x38;
	[tilespmem:$0xE800] =	vst v63  }
0x1a3: {  	s15 =	sadd.s32 $0x70, s15;
	s24 =	simm.s32 $0xBCF8  }
0x1a4: {  	[hbm4b:s15+s3] =	stream.linear.scatter [tilespmem:s24], [sflag:$0x3], $0x80, $0x38;
	[tilespmem:$0xE800] =	vst v63  }
0x1a5: {  	s17 =	simm.s32 $0xBD80;
	s15 =	sadd.s32 s5, s13  }
0x1a6: {  	[hbm4b:s15+s3] =	stream.linear.scatter [tilespmem:s17], [sflag:$0x3], $0x80, $0x38;
	[tilespmem:$0xE800] =	vst v63  }
0x1a7: {  	s24 =	simm.s32 $0xBE08;
	s23 =	sadd.s32 $0x10, s15  }
0x1a8: {  	[hbm4b:s23+s3] =	stream.linear.scatter [tilespmem:s24], [sflag:$0x3], $0x80, $0x38;
	[tilespmem:$0xE800] =	vst v63  }
0x1a9: {  	s23 =	sadd.s32 $0x20, s15;
	s24 =	simm.s32 $0xBE90  }
0x1aa: {  	[hbm4b:s23+s3] =	stream.linear.scatter [tilespmem:s24], [sflag:$0x3], $0x80, $0x38;
	[tilespmem:$0xE800] =	vst v63  }
0x1ab: {  	s23 =	sadd.s32 $0x30, s15;
	s24 =	simm.s32 $0xBF18  }
0x1ac: {  	[hbm4b:s23+s3] =	stream.linear.scatter [tilespmem:s24], [sflag:$0x3], $0x80, $0x38;
	[tilespmem:$0xE800] =	vst v63  }
0x1ad: {  	s23 =	sadd.s32 $0x40, s15;
	s24 =	simm.s32 $0xBFA0  }
0x1ae: {  	[hbm4b:s23+s3] =	stream.linear.scatter [tilespmem:s24], [sflag:$0x3], $0x80, $0x38;
	[tilespmem:$0xE800] =	vst v63  }
0x1af: {  	s23 =	sadd.s32 $0x50, s15;
	s24 =	simm.s32 $0xC028  }
0x1b0: {  	[hbm4b:s23+s3] =	stream.linear.scatter [tilespmem:s24], [sflag:$0x3], $0x80, $0x38;
	[tilespmem:$0xE800] =	vst v63  }
0x1b1: {  	s17 =	sadd.s32 $0x60, s15;
	s23 =	simm.s32 $0xC0B0  }
0x1b2: {  	[hbm4b:s17+s3] =	stream.linear.scatter [tilespmem:s23], [sflag:$0x3], $0x80, $0x38;
	[tilespmem:$0xE800] =	vst v63  }
0x1b3: {  	s15 =	sadd.s32 $0x70, s15;
	s24 =	simm.s32 $0xC138  }
0x1b4: {  	[hbm4b:s15+s3] =	stream.linear.scatter [tilespmem:s24], [sflag:$0x3], $0x80, $0x38;
	[tilespmem:$0xE800] =	vst v63  }
0x1b5: {  	s16 =	simm.s32 $0xC1C0;
	s5 =	sadd.s32 s5, s14  }
0x1b6: {  	[hbm4b:s5+s3] =	stream.linear.scatter [tilespmem:s16], [sflag:$0x3], $0x80, $0x38;
	[tilespmem:$0xE800] =	vst v63  }
0x1b7: {  	s17 =	sadd.s32 $0x10, s5;
	s23 =	simm.s32 $0xC248  }
0x1b8: {  	[hbm4b:s17+s3] =	stream.linear.scatter [tilespmem:s23], [sflag:$0x3], $0x80, $0x38;
	[tilespmem:$0xE800] =	vst v63  }
0x1b9: {  	s24 =	sadd.s32 $0x20, s5  }
0x1ba: {  	[hbm4b:s24+s3] =	stream.linear.scatter [tilespmem:s18], [sflag:$0x3], $0x80, $0x38;
	[tilespmem:$0xE800] =	vst v63  }
0x1bb: {  	s16 =	sadd.s32 $0x30, s5  }
0x1bc: {  	[hbm4b:s16+s3] =	stream.linear.scatter [tilespmem:s19], [sflag:$0x3], $0x80, $0x38;
	[tilespmem:$0xE800] =	vst v63  }
0x1bd: {  	s0 =	sadd.s32 $0x1, s0;
	s17 =	sadd.s32 $0x40, s5  }
0x1be: {  	[hbm4b:s17+s3] =	stream.linear.scatter [tilespmem:s20], [sflag:$0x3], $0x80, $0x38;
	[tilespmem:$0xE800] =	vst v63  }
0x1bf: {  	p0 =	sne.s32 s0, $0x64;
	s23 =	sadd.s32 $0x50, s5  }
0x1c0: {  	[hbm4b:s23+s3] =	stream.linear.scatter [tilespmem:s21], [sflag:$0x3], $0x80, $0x38;
	[tilespmem:$0xE800] =	vst v63  }
.Ltmp4:
0x1c1: {  	_ = 	snop;
	(pc) =	sbr.rel @p0 .LBB2_2-.Ltmp4, $4  }
0x1c2: {  	s24 =	sadd.s32 $0x60, s5  }
0x1c3: {  	[hbm4b:s24+s3] =	stream.linear.scatter [tilespmem:s22], [sflag:$0x3], $0x80, $0x38;
	[tilespmem:$0xE800] =	vst v63  }
0x1c4: {  	s5 =	sadd.s32 $0x70, s5  }
0x1c5: {  	[hbm4b:s5+s3] =	stream.linear.scatter [tilespmem:s26], [sflag:$0x3], $0x80, $0x38;
	[tilespmem:$0xE800] =	vst v63  }
0x1c6: {  	_ =	swait.ge [sflag:s28], $0x2000  }
0x1c7: {  	[sflag:s28] =	ssyncset.done $0x0  }
0x1c8: {  	[sflag:s28] =	ssyncadd.s32 $0xFFFFE000  }
0x1c9: {  	v13 =	vld [tilespmem:$0x8400]  }
0x1ca: {  	v14 =	vld [tilespmem:$0x8410]  }
0x1cb: {  	v15 =	vld [tilespmem:$0x8420]  }
0x1cc: {  	v16 =	vld [tilespmem:$0x8430]  }
0x1cd: {  	v17 =	vld [tilespmem:$0x8440]  }
0x1ce: {  	v18 =	vld [tilespmem:$0x8450]  }
0x1cf: {  	v19 =	vld [tilespmem:$0x8460]  }
0x1d0: {  	s0 =	simm.s32 $0x84F0;
	v5 =	vld [tilespmem:$0x8470]  }
0x1d1: {  	v4 =	vld [tilespmem:s0+$0x0]  }
0x1d2: {  	v12 =	vimm.s32 $0x0;
	v6 =	vld [tilespmem:s0+$0xFFFFFFF0]  }
0x1d3: {  	v20 =	vadd.s32 v0, v12;
	v7 =	vld [tilespmem:s0+$0xFFFFFFE0]  }
0x1d4: {  	v21 =	vadd.s32 v1, v12;
	v8 =	vld [tilespmem:s0+$0xFFFFFFD0]  }
0x1d5: {  	v22 =	vadd.s32 v2, v12;
	v9 =	vld [tilespmem:s0+$0xFFFFFFC0]  }
0x1d6: {  	v23 =	vimm.s32 $0x1;
	v24 =	vadd.s32 v3, v12;
	v10 =	vld [tilespmem:s0+$0xFFFFFFB0]  }
0x1d7: {  	v25 =	vadd.s32 v0, v23;
	v11 =	vld [tilespmem:s0+$0xFFFFFFA0]  }
0x1d8: {  	v12 =	vld [tilespmem:s0+$0xFFFFFF90];
	[tilespmem:v20+s31+$0x0] =	vst.idx.msk $0xffff, v13;
	v13 =	vadd.s32 v1, v23  }
0x1d9: {  	[tilespmem:v21+s31+$0x0] =	vst.idx.msk $0xffff, v14  }
0x1da: {  	[tilespmem:v22+s31+$0x0] =	vst.idx.msk $0xffff, v15  }
0x1db: {  	[tilespmem:v24+s31+$0x0] =	vst.idx.msk $0xffff, v16  }
0x1dc: {  	v14 =	vadd.s32 v2, v23;
	[tilespmem:v25+s31+$0x0] =	vst.idx.msk $0xffff, v17  }
0x1dd: {  	[tilespmem:v13+s31+$0x0] =	vst.idx.msk $0xffff, v18;
	v13 =	vadd.s32 v3, v23;
	_ =	sdelay $0x3  }
0x1de: {  	s15 =	simm.s32 $0x3;
	s5 =	simm.s32 $0x5;
	s16 =	simm.s32 $0x2;
	[tilespmem:v14+s31+$0x0] =	vst.idx.msk $0xffff, v19  }
.LBB2_11:
0x1df: {  	p0 =	sne.s32 s5, $0x7F;
	v14 =	vmov s16;
	v15 =	vmov s15;
	[tilespmem:v13+s31+$0x0] =	vst.idx.msk $0xffff, v5;
	v5 =	vmovc v4;
	v16 =	vmovc v6;
	v17 =	vmov v7  }
0x1e0: {  	s0 =	sadd.s32 $0x80, s0;
	v18 =	vmovc v8;
	v19 =	vmovc v9;
	v13 =	vmov v10;
	v20 =	vmov v11;
	v21 =	vmov v12;
	s15 =	smov.u32 s5;
	s5 =	sadd.s32 $0x2, s5  }
0x1e1: {  	v4 =	vld [tilespmem:s0+$0x0]  }
0x1e2: {  	v6 =	vld [tilespmem:s0+$0xFFFFFFF0]  }
0x1e3: {  	v7 =	vld [tilespmem:s0+$0xFFFFFFE0]  }
0x1e4: {  	v22 =	vadd.s32 v0, v14;
	v8 =	vld [tilespmem:s0+$0xFFFFFFD0]  }
0x1e5: {  	v23 =	vadd.s32 v1, v14;
	v9 =	vld [tilespmem:s0+$0xFFFFFFC0]  }
0x1e6: {  	v24 =	vadd.s32 v2, v14;
	v10 =	vld [tilespmem:s0+$0xFFFFFFB0]  }
0x1e7: {  	v14 =	vadd.s32 v3, v14;
	v11 =	vld [tilespmem:s0+$0xFFFFFFA0]  }
0x1e8: {  	v25 =	vadd.s32 v0, v15;
	v12 =	vld [tilespmem:s0+$0xFFFFFF90]  }
0x1e9: {  	[tilespmem:v22+s31+$0x0] =	vst.idx.msk $0xffff, v21;
	v21 =	vadd.s32 v1, v15  }
0x1ea: {  	[tilespmem:v23+s31+$0x0] =	vst.idx.msk $0xffff, v20;
	v20 =	vadd.s32 v2, v15  }
.Ltmp5:
0x1eb: {  	[tilespmem:v24+s31+$0x0] =	vst.idx.msk $0xffff, v13;
	v13 =	vadd.s32 v3, v15;
	(pc) =	sbr.rel @p0 .LBB2_11-.Ltmp5, $4  }
0x1ec: {  	[tilespmem:v14+s31+$0x0] =	vst.idx.msk $0xffff, v19  }
0x1ed: {  	[tilespmem:v25+s31+$0x0] =	vst.idx.msk $0xffff, v18  }
0x1ee: {  	[tilespmem:v21+s31+$0x0] =	vst.idx.msk $0xffff, v17  }
0x1ef: {  	s16 =	sadd.s32 $0xFFFFFFFF, s15;
	[tilespmem:v20+s31+$0x0] =	vst.idx.msk $0xffff, v16  }
0x1f0: {  	v14 =	vmov s16  }
0x1f1: {  	v14 =	vand.u32 $0x7FFFFFFE, v14  }
0x1f2: {  	v15 =	vadd.s32 v0, v14  }
0x1f3: {  	v16 =	vadd.s32 v1, v14  }
0x1f4: {  	v17 =	vmov s15;
	v18 =	vadd.s32 v2, v14  }
0x1f5: {  	v17 =	vand.u32 $0x7FFFFFFF, v17;
	v14 =	vadd.s32 v3, v14  }
0x1f6: {  	[tilespmem:v13+s31+$0x0] =	vst.idx.msk $0xffff, v5;
	v5 =	vadd.s32 v0, v17  }
0x1f7: {  	v61 =	vadd.s32 v1, v17;
	[tilespmem:v15+s31+$0x0] =	vst.idx.msk $0xffff, v12  }
0x1f8: {  	v62 =	vadd.s32 v2, v17;
	[tilespmem:v16+s31+$0x0] =	vst.idx.msk $0xffff, v11  }
0x1f9: {  	v63 =	vadd.s32 v3, v17;
	[tilespmem:v18+s31+$0x0] =	vst.idx.msk $0xffff, v10  }
0x1fa: {  	[tilespmem:v14+s31+$0x0] =	vst.idx.msk $0xffff, v9  }
0x1fb: {  	[tilespmem:v5+s31+$0x0] =	vst.idx.msk $0xffff, v8  }
0x1fc: {  	[tilespmem:v61+s31+$0x0] =	vst.idx.msk $0xffff, v7  }
0x1fd: {  	[tilespmem:v62+s31+$0x0] =	vst.idx.msk $0xffff, v6  }
0x1fe: {  	s5 =	rddreg [dreg:$0x4];
	[tilespmem:v63+s31+$0x0] =	vst.idx.msk $0xffff, v4  }
0x1ff: {  	[hbm4b:s5+s3] =	stream.linear.scatter [tilespmem:s31], [sflag:$0x4], $0x80, $0x38;
	[tilespmem:$0xE800] =	vst v63  }
0x200: {  	s24 =	simm.s32 $0xC688;
	s0 =	sadd.s32 $0x10, s5  }
0x201: {  	[hbm4b:s0+s3] =	stream.linear.scatter [tilespmem:s24], [sflag:$0x4], $0x80, $0x38;
	[tilespmem:$0xE800] =	vst v63  }
0x202: {  	s17 =	simm.s32 $0xC710;
	s16 =	sadd.s32 $0x20, s5  }
0x203: {  	[hbm4b:s16+s3] =	stream.linear.scatter [tilespmem:s17], [sflag:$0x4], $0x80, $0x38;
	[tilespmem:$0xE800] =	vst v63  }
0x204: {  	s23 =	sadd.s32 $0x30, s5;
	s24 =	simm.s32 $0xC798  }
0x205: {  	[hbm4b:s23+s3] =	stream.linear.scatter [tilespmem:s24], [sflag:$0x4], $0x80, $0x38;
	[tilespmem:$0xE800] =	vst v63  }
0x206: {  	s16 =	sadd.s32 $0x40, s5;
	s17 =	simm.s32 $0xC820  }
0x207: {  	[hbm4b:s16+s3] =	stream.linear.scatter [tilespmem:s17], [sflag:$0x4], $0x80, $0x38;
	[tilespmem:$0xE800] =	vst v63  }
0x208: {  	s23 =	sadd.s32 $0x50, s5;
	s24 =	simm.s32 $0xC8A8  }
0x209: {  	[hbm4b:s23+s3] =	stream.linear.scatter [tilespmem:s24], [sflag:$0x4], $0x80, $0x38;
	[tilespmem:$0xE800] =	vst v63  }
0x20a: {  	s16 =	sadd.s32 $0x60, s5;
	s17 =	simm.s32 $0xC930  }
0x20b: {  	[hbm4b:s16+s3] =	stream.linear.scatter [tilespmem:s17], [sflag:$0x4], $0x80, $0x38;
	[tilespmem:$0xE800] =	vst v63  }
0x20c: {  	s23 =	sadd.s32 $0x70, s5;
	s24 =	simm.s32 $0xC9B8  }
0x20d: {  	[hbm4b:s23+s3] =	stream.linear.scatter [tilespmem:s24], [sflag:$0x4], $0x80, $0x38;
	[tilespmem:$0xE800] =	vst v63  }
0x20e: {  	s15 =	simm.s32 $0xCA40;
	s5 =	rddreg [dreg:$0x5]  }
0x20f: {  	[hbm4b:s5+s3] =	stream.linear.scatter [tilespmem:s15], [sflag:$0x4], $0x80, $0x38;
	[tilespmem:$0xE800] =	vst v63  }
0x210: {  	s16 =	sadd.s32 $0x10, s5;
	s17 =	simm.s32 $0xCAC8  }
0x211: {  	[hbm4b:s16+s3] =	stream.linear.scatter [tilespmem:s17], [sflag:$0x4], $0x80, $0x38;
	[tilespmem:$0xE800] =	vst v63  }
0x212: {  	s23 =	sadd.s32 $0x20, s5;
	s24 =	simm.s32 $0xCB50  }
0x213: {  	[hbm4b:s23+s3] =	stream.linear.scatter [tilespmem:s24], [sflag:$0x4], $0x80, $0x38;
	[tilespmem:$0xE800] =	vst v63  }
0x214: {  	s16 =	sadd.s32 $0x30, s5;
	s17 =	simm.s32 $0xCBD8  }
0x215: {  	[hbm4b:s16+s3] =	stream.linear.scatter [tilespmem:s17], [sflag:$0x4], $0x80, $0x38;
	[tilespmem:$0xE800] =	vst v63  }
0x216: {  	s23 =	sadd.s32 $0x40, s5;
	s24 =	simm.s32 $0xCC60  }
0x217: {  	[hbm4b:s23+s3] =	stream.linear.scatter [tilespmem:s24], [sflag:$0x4], $0x80, $0x38;
	[tilespmem:$0xE800] =	vst v63  }
0x218: {  	s16 =	sadd.s32 $0x50, s5;
	s17 =	simm.s32 $0xCCE8  }
0x219: {  	[hbm4b:s16+s3] =	stream.linear.scatter [tilespmem:s17], [sflag:$0x4], $0x80, $0x38;
	[tilespmem:$0xE800] =	vst v63  }
0x21a: {  	s23 =	sadd.s32 $0x60, s5;
	s24 =	simm.s32 $0xCD70  }
0x21b: {  	[hbm4b:s23+s3] =	stream.linear.scatter [tilespmem:s24], [sflag:$0x4], $0x80, $0x38;
	[tilespmem:$0xE800] =	vst v63  }
0x21c: {  	s15 =	sadd.s32 $0x70, s5;
	s16 =	simm.s32 $0xCDF8  }
0x21d: {  	[hbm4b:s15+s3] =	stream.linear.scatter [tilespmem:s16], [sflag:$0x4], $0x80, $0x38;
	[tilespmem:$0xE800] =	vst v63  }
0x21e: {  	s5 =	rddreg [dreg:$0x6];
	s17 =	simm.s32 $0xCE80  }
0x21f: {  	[hbm4b:s5+s3] =	stream.linear.scatter [tilespmem:s17], [sflag:$0x4], $0x80, $0x38;
	[tilespmem:$0xE800] =	vst v63  }
0x220: {  	s23 =	sadd.s32 $0x10, s5;
	s24 =	simm.s32 $0xCF08  }
0x221: {  	[hbm4b:s23+s3] =	stream.linear.scatter [tilespmem:s24], [sflag:$0x4], $0x80, $0x38;
	[tilespmem:$0xE800] =	vst v63  }
0x222: {  	s16 =	sadd.s32 $0x20, s5;
	s17 =	simm.s32 $0xCF90  }
0x223: {  	[hbm4b:s16+s3] =	stream.linear.scatter [tilespmem:s17], [sflag:$0x4], $0x80, $0x38;
	[tilespmem:$0xE800] =	vst v63  }
0x224: {  	s23 =	sadd.s32 $0x30, s5;
	s24 =	simm.s32 $0xD018  }
0x225: {  	[hbm4b:s23+s3] =	stream.linear.scatter [tilespmem:s24], [sflag:$0x4], $0x80, $0x38;
	[tilespmem:$0xE800] =	vst v63  }
0x226: {  	s16 =	sadd.s32 $0x40, s5;
	s17 =	simm.s32 $0xD0A0  }
0x227: {  	[hbm4b:s16+s3] =	stream.linear.scatter [tilespmem:s17], [sflag:$0x4], $0x80, $0x38;
	[tilespmem:$0xE800] =	vst v63  }
0x228: {  	s23 =	sadd.s32 $0x50, s5;
	s24 =	simm.s32 $0xD128  }
0x229: {  	[hbm4b:s23+s3] =	stream.linear.scatter [tilespmem:s24], [sflag:$0x4], $0x80, $0x38;
	[tilespmem:$0xE800] =	vst v63  }
0x22a: {  	s16 =	sadd.s32 $0x60, s5;
	s17 =	simm.s32 $0xD1B0  }
0x22b: {  	[hbm4b:s16+s3] =	stream.linear.scatter [tilespmem:s17], [sflag:$0x4], $0x80, $0x38;
	[tilespmem:$0xE800] =	vst v63  }
0x22c: {  	s23 =	sadd.s32 $0x70, s5;
	s24 =	simm.s32 $0xD238  }
0x22d: {  	[hbm4b:s23+s3] =	stream.linear.scatter [tilespmem:s24], [sflag:$0x4], $0x80, $0x38;
	[tilespmem:$0xE800] =	vst v63  }
0x22e: {  	s15 =	simm.s32 $0xD2C0;
	s5 =	rddreg [dreg:$0x7]  }
0x22f: {  	[hbm4b:s5+s3] =	stream.linear.scatter [tilespmem:s15], [sflag:$0x4], $0x80, $0x38;
	[tilespmem:$0xE800] =	vst v63  }
0x230: {  	s16 =	sadd.s32 $0x10, s5;
	s17 =	simm.s32 $0xD348  }
0x231: {  	[hbm4b:s16+s3] =	stream.linear.scatter [tilespmem:s17], [sflag:$0x4], $0x80, $0x38;
	[tilespmem:$0xE800] =	vst v63  }
0x232: {  	s23 =	sadd.s32 $0x20, s5;
	s24 =	simm.s32 $0xD3D0  }
0x233: {  	[hbm4b:s23+s3] =	stream.linear.scatter [tilespmem:s24], [sflag:$0x4], $0x80, $0x38;
	[tilespmem:$0xE800] =	vst v63  }
0x234: {  	s16 =	sadd.s32 $0x30, s5;
	s17 =	simm.s32 $0xD458  }
0x235: {  	[hbm4b:s16+s3] =	stream.linear.scatter [tilespmem:s17], [sflag:$0x4], $0x80, $0x38;
	[tilespmem:$0xE800] =	vst v63  }
0x236: {  	s23 =	sadd.s32 $0x40, s5;
	s24 =	simm.s32 $0xD4E0  }
0x237: {  	[hbm4b:s23+s3] =	stream.linear.scatter [tilespmem:s24], [sflag:$0x4], $0x80, $0x38;
	[tilespmem:$0xE800] =	vst v63  }
0x238: {  	s16 =	sadd.s32 $0x50, s5;
	s17 =	simm.s32 $0xD568  }
0x239: {  	[hbm4b:s16+s3] =	stream.linear.scatter [tilespmem:s17], [sflag:$0x4], $0x80, $0x38;
	[tilespmem:$0xE800] =	vst v63  }
0x23a: {  	s23 =	sadd.s32 $0x60, s5;
	s24 =	simm.s32 $0xD5F0  }
0x23b: {  	[hbm4b:s23+s3] =	stream.linear.scatter [tilespmem:s24], [sflag:$0x4], $0x80, $0x38;
	[tilespmem:$0xE800] =	vst v63  }
0x23c: {  	s15 =	sadd.s32 $0x70, s5;
	s16 =	simm.s32 $0xD678  }
0x23d: {  	[hbm4b:s15+s3] =	stream.linear.scatter [tilespmem:s16], [sflag:$0x4], $0x80, $0x38;
	[tilespmem:$0xE800] =	vst v63  }
0x23e: {  	s5 =	rddreg [dreg:$0x8];
	s17 =	simm.s32 $0xD700  }
0x23f: {  	[hbm4b:s5+s3] =	stream.linear.scatter [tilespmem:s17], [sflag:$0x4], $0x80, $0x38;
	[tilespmem:$0xE800] =	vst v63  }
0x240: {  	s23 =	sadd.s32 $0x10, s5;
	s24 =	simm.s32 $0xD788  }
0x241: {  	[hbm4b:s23+s3] =	stream.linear.scatter [tilespmem:s24], [sflag:$0x4], $0x80, $0x38;
	[tilespmem:$0xE800] =	vst v63  }
0x242: {  	s16 =	sadd.s32 $0x20, s5;
	s17 =	simm.s32 $0xD810  }
0x243: {  	[hbm4b:s16+s3] =	stream.linear.scatter [tilespmem:s17], [sflag:$0x4], $0x80, $0x38;
	[tilespmem:$0xE800] =	vst v63  }
0x244: {  	s23 =	sadd.s32 $0x30, s5;
	s24 =	simm.s32 $0xD898  }
0x245: {  	[hbm4b:s23+s3] =	stream.linear.scatter [tilespmem:s24], [sflag:$0x4], $0x80, $0x38;
	[tilespmem:$0xE800] =	vst v63  }
0x246: {  	s16 =	sadd.s32 $0x40, s5;
	s17 =	simm.s32 $0xD920  }
0x247: {  	[hbm4b:s16+s3] =	stream.linear.scatter [tilespmem:s17], [sflag:$0x4], $0x80, $0x38;
	[tilespmem:$0xE800] =	vst v63  }
0x248: {  	s23 =	sadd.s32 $0x50, s5;
	s24 =	simm.s32 $0xD9A8  }
0x249: {  	[hbm4b:s23+s3] =	stream.linear.scatter [tilespmem:s24], [sflag:$0x4], $0x80, $0x38;
	[tilespmem:$0xE800] =	vst v63  }
0x24a: {  	s16 =	sadd.s32 $0x60, s5;
	s17 =	simm.s32 $0xDA30  }
0x24b: {  	[hbm4b:s16+s3] =	stream.linear.scatter [tilespmem:s17], [sflag:$0x4], $0x80, $0x38;
	[tilespmem:$0xE800] =	vst v63  }
0x24c: {  	s23 =	sadd.s32 $0x70, s5;
	s24 =	simm.s32 $0xDAB8  }
0x24d: {  	[hbm4b:s23+s3] =	stream.linear.scatter [tilespmem:s24], [sflag:$0x4], $0x80, $0x38;
	[tilespmem:$0xE800] =	vst v63  }
0x24e: {  	s15 =	simm.s32 $0xDB40;
	s5 =	rddreg [dreg:$0x9]  }
0x24f: {  	[hbm4b:s5+s3] =	stream.linear.scatter [tilespmem:s15], [sflag:$0x4], $0x80, $0x38;
	[tilespmem:$0xE800] =	vst v63  }
0x250: {  	s16 =	sadd.s32 $0x10, s5;
	s17 =	simm.s32 $0xDBC8  }
0x251: {  	[hbm4b:s16+s3] =	stream.linear.scatter [tilespmem:s17], [sflag:$0x4], $0x80, $0x38;
	[tilespmem:$0xE800] =	vst v63  }
0x252: {  	s23 =	sadd.s32 $0x20, s5;
	s24 =	simm.s32 $0xDC50  }
0x253: {  	[hbm4b:s23+s3] =	stream.linear.scatter [tilespmem:s24], [sflag:$0x4], $0x80, $0x38;
	[tilespmem:$0xE800] =	vst v63  }
0x254: {  	s16 =	sadd.s32 $0x30, s5;
	s17 =	simm.s32 $0xDCD8  }
0x255: {  	[hbm4b:s16+s3] =	stream.linear.scatter [tilespmem:s17], [sflag:$0x4], $0x80, $0x38;
	[tilespmem:$0xE800] =	vst v63  }
0x256: {  	s23 =	sadd.s32 $0x40, s5;
	s24 =	simm.s32 $0xDD60  }
0x257: {  	[hbm4b:s23+s3] =	stream.linear.scatter [tilespmem:s24], [sflag:$0x4], $0x80, $0x38;
	[tilespmem:$0xE800] =	vst v63  }
0x258: {  	s16 =	sadd.s32 $0x50, s5;
	s17 =	simm.s32 $0xDDE8  }
0x259: {  	[hbm4b:s16+s3] =	stream.linear.scatter [tilespmem:s17], [sflag:$0x4], $0x80, $0x38;
	[tilespmem:$0xE800] =	vst v63  }
0x25a: {  	s23 =	sadd.s32 $0x60, s5;
	s24 =	simm.s32 $0xDE70  }
0x25b: {  	[hbm4b:s23+s3] =	stream.linear.scatter [tilespmem:s24], [sflag:$0x4], $0x80, $0x38;
	[tilespmem:$0xE800] =	vst v63  }
0x25c: {  	s15 =	sadd.s32 $0x70, s5;
	s16 =	simm.s32 $0xDEF8  }
0x25d: {  	[hbm4b:s15+s3] =	stream.linear.scatter [tilespmem:s16], [sflag:$0x4], $0x80, $0x38;
	[tilespmem:$0xE800] =	vst v63  }
0x25e: {  	s5 =	rddreg [dreg:$0xa];
	s17 =	simm.s32 $0xDF80  }
0x25f: {  	[hbm4b:s5+s3] =	stream.linear.scatter [tilespmem:s17], [sflag:$0x4], $0x80, $0x38;
	[tilespmem:$0xE800] =	vst v63  }
0x260: {  	s23 =	sadd.s32 $0x10, s5;
	s24 =	simm.s32 $0xE008  }
0x261: {  	[hbm4b:s23+s3] =	stream.linear.scatter [tilespmem:s24], [sflag:$0x4], $0x80, $0x38;
	[tilespmem:$0xE800] =	vst v63  }
0x262: {  	s16 =	sadd.s32 $0x20, s5;
	s17 =	simm.s32 $0xE090  }
0x263: {  	[hbm4b:s16+s3] =	stream.linear.scatter [tilespmem:s17], [sflag:$0x4], $0x80, $0x38;
	[tilespmem:$0xE800] =	vst v63  }
0x264: {  	s23 =	sadd.s32 $0x30, s5;
	s24 =	simm.s32 $0xE118  }
0x265: {  	[hbm4b:s23+s3] =	stream.linear.scatter [tilespmem:s24], [sflag:$0x4], $0x80, $0x38;
	[tilespmem:$0xE800] =	vst v63  }
0x266: {  	s16 =	sadd.s32 $0x40, s5;
	s17 =	simm.s32 $0xE1A0  }
0x267: {  	[hbm4b:s16+s3] =	stream.linear.scatter [tilespmem:s17], [sflag:$0x4], $0x80, $0x38;
	[tilespmem:$0xE800] =	vst v63  }
0x268: {  	s23 =	sadd.s32 $0x50, s5;
	s24 =	simm.s32 $0xE228  }
0x269: {  	[hbm4b:s23+s3] =	stream.linear.scatter [tilespmem:s24], [sflag:$0x4], $0x80, $0x38;
	[tilespmem:$0xE800] =	vst v63  }
0x26a: {  	s16 =	sadd.s32 $0x60, s5;
	s17 =	simm.s32 $0xE2B0  }
0x26b: {  	[hbm4b:s16+s3] =	stream.linear.scatter [tilespmem:s17], [sflag:$0x4], $0x80, $0x38;
	[tilespmem:$0xE800] =	vst v63  }
0x26c: {  	s23 =	sadd.s32 $0x70, s5;
	s24 =	simm.s32 $0xE338  }
0x26d: {  	[hbm4b:s23+s3] =	stream.linear.scatter [tilespmem:s24], [sflag:$0x4], $0x80, $0x38;
	[tilespmem:$0xE800] =	vst v63  }
0x26e: {  	s15 =	simm.s32 $0xE3C0;
	s5 =	rddreg [dreg:$0xb]  }
0x26f: {  	[hbm4b:s5+s3] =	stream.linear.scatter [tilespmem:s15], [sflag:$0x4], $0x80, $0x38;
	[tilespmem:$0xE800] =	vst v63  }
0x270: {  	s16 =	sadd.s32 $0x10, s5;
	s17 =	simm.s32 $0xE448  }
0x271: {  	[hbm4b:s16+s3] =	stream.linear.scatter [tilespmem:s17], [sflag:$0x4], $0x80, $0x38;
	[tilespmem:$0xE800] =	vst v63  }
0x272: {  	s23 =	sadd.s32 $0x20, s5;
	s24 =	simm.s32 $0xE4D0  }
0x273: {  	[hbm4b:s23+s3] =	stream.linear.scatter [tilespmem:s24], [sflag:$0x4], $0x80, $0x38;
	[tilespmem:$0xE800] =	vst v63  }
0x274: {  	s16 =	sadd.s32 $0x30, s5;
	s17 =	simm.s32 $0xE558  }
0x275: {  	[hbm4b:s16+s3] =	stream.linear.scatter [tilespmem:s17], [sflag:$0x4], $0x80, $0x38;
	[tilespmem:$0xE800] =	vst v63  }
0x276: {  	s23 =	sadd.s32 $0x40, s5;
	s24 =	simm.s32 $0xE5E0  }
0x277: {  	[hbm4b:s23+s3] =	stream.linear.scatter [tilespmem:s24], [sflag:$0x4], $0x80, $0x38;
	[tilespmem:$0xE800] =	vst v63  }
0x278: {  	s16 =	sadd.s32 $0x50, s5;
	s17 =	simm.s32 $0xE668  }
0x279: {  	[hbm4b:s16+s3] =	stream.linear.scatter [tilespmem:s17], [sflag:$0x4], $0x80, $0x38;
	[tilespmem:$0xE800] =	vst v63  }
0x27a: {  	s23 =	sadd.s32 $0x60, s5;
	s24 =	simm.s32 $0xE6F0  }
0x27b: {  	[hbm4b:s23+s3] =	stream.linear.scatter [tilespmem:s24], [sflag:$0x4], $0x80, $0x38;
	[tilespmem:$0xE800] =	vst v63  }
0x27c: {  	s15 =	sadd.s32 $0x70, s5;
	s16 =	simm.s32 $0xE778;
	s17 =	simm.s32 $0x3  }
0x27d: {  	[hbm4b:s15+s3] =	stream.linear.scatter [tilespmem:s16], [sflag:$0x4], $0x80, $0x38;
	[tilespmem:$0xE800] =	vst v63  }
0x27e: {  	_ =	swait.ge [sflag:s17], $0x400  }
0x27f: {  	[sflag:s17] =	ssyncset.done $0x0  }
0x280: {  	[sflag:s17] =	ssyncadd.s32 $0xFFFFFC00  }
0x281: {  	_ =	swait.ge [sflag:s17], $0x400  }
0x282: {  	[sflag:s17] =	ssyncset.done $0x0  }
0x283: {  	[sflag:s17] =	ssyncadd.s32 $0xFFFFFC00  }
0x284: {  	_ =	swait.ge [sflag:s17], $0x400  }
0x285: {  	[sflag:s17] =	ssyncset.done $0x0  }
0x286: {  	[sflag:s17] =	ssyncadd.s32 $0xFFFFFC00  }
0x287: {  	_ =	swait.ge [sflag:s17], $0x400  }
0x288: {  	[sflag:s17] =	ssyncset.done $0x0  }
0x289: {  	[sflag:s17] =	ssyncadd.s32 $0xFFFFFC00  }
0x28a: {  	_ =	swait.ge [sflag:s17], $0x400  }
0x28b: {  	[sflag:s17] =	ssyncset.done $0x0  }
0x28c: {  	[sflag:s17] =	ssyncadd.s32 $0xFFFFFC00  }
0x28d: {  	_ =	swait.ge [sflag:s17], $0x400  }
0x28e: {  	[sflag:s17] =	ssyncset.done $0x0  }
0x28f: {  	[sflag:s17] =	ssyncadd.s32 $0xFFFFFC00  }
0x290: {  	_ =	swait.ge [sflag:s17], $0x400  }
0x291: {  	[sflag:s17] =	ssyncset.done $0x0  }
0x292: {  	[sflag:s17] =	ssyncadd.s32 $0xFFFFFC00  }
0x293: {  	_ =	swait.ge [sflag:s17], $0x400  }
0x294: {  	[sflag:s17] =	ssyncset.done $0x0  }
0x295: {  	[sflag:s17] =	ssyncadd.s32 $0xFFFFFC00  }
0x296: {  	_ =	swait.ge [sflag:s1], $0x400  }
0x297: {  	[sflag:s1] =	ssyncset.done $0x0  }
0x298: {  	[sflag:s1] =	ssyncadd.s32 $0xFFFFFC00  }
0x299: {  	_ =	swait.ge [sflag:s1], $0x400  }
0x29a: {  	[sflag:s1] =	ssyncset.done $0x0  }
0x29b: {  	[sflag:s1] =	ssyncadd.s32 $0xFFFFFC00  }
0x29c: {  	_ =	swait.ge [sflag:s1], $0x400  }
0x29d: {  	[sflag:s1] =	ssyncset.done $0x0  }
0x29e: {  	[sflag:s1] =	ssyncadd.s32 $0xFFFFFC00  }
0x29f: {  	_ =	swait.ge [sflag:s1], $0x400  }
0x2a0: {  	[sflag:s1] =	ssyncset.done $0x0  }
0x2a1: {  	[sflag:s1] =	ssyncadd.s32 $0xFFFFFC00  }
0x2a2: {  	_ =	swait.ge [sflag:s1], $0x400  }
0x2a3: {  	[sflag:s1] =	ssyncset.done $0x0  }
0x2a4: {  	[sflag:s1] =	ssyncadd.s32 $0xFFFFFC00  }
0x2a5: {  	_ =	swait.ge [sflag:s1], $0x400  }
0x2a6: {  	[sflag:s1] =	ssyncset.done $0x0  }
0x2a7: {  	[sflag:s1] =	ssyncadd.s32 $0xFFFFFC00  }
0x2a8: {  	_ =	swait.ge [sflag:s1], $0x400  }
0x2a9: {  	[sflag:s1] =	ssyncset.done $0x0  }
0x2aa: {  	[sflag:s1] =	ssyncadd.s32 $0xFFFFFC00  }
0x2ab: {  	_ =	swait.ge [sflag:s1], $0x400  }
0x2ac: {  	s23 =	rddreg [dreg:$0xd]  }
0x2ad: {  	s24 =	rddreg [dreg:$0xc];
	s5 =	sadd.s32 $0x1, s23  }
0x2ae: {  	p0 =	sne.s32 s5, s24  }
.Ltmp6:
0x2af: {  	_ = 	snop;
	(pc) =	sbr.rel @p0 .LBB2_1-.Ltmp6, $3  }
0x2b0: {  	_ =	sdelay $0x1  }
0x2b1: {  	[sflag:s1] =	ssyncset.done $0x0  }
0x2b2: {  	[sflag:s1] =	ssyncadd.s32 $0xFFFFFC00  }
0x2b3: {  	_ =	sfence.sel $0x180000  }
0x2b4: {  	[bflag:$0x0] =	sbarrier.arrive $0xFFFF  }
0x2b5: {  	_ =	strace $0x9000004A  }
0x2b6: {  	s0 =	stileid.u32;
	[bflag:$0x2] =	sbarrier.arrive $0xFFFF  }
0x2b7: {  	p0 =	sne.s32 s0, $0x0;
	s0 =	rddreg [dreg:$0x2]  }
0x2b8: {  	s0 =	sadd.s32 @!p0 $0x100000, s0  }
0x2b9: {  	[sflag:s0] =	ssyncadd.tile.s32 @!p0 $0x1;
	_ =	shalt  }
.Lfunc_end2:
_tile_overlayer_lowered:
.L_overlay_start_2:
0x2ba: {  	(tag) =	ssettag $0x2  }
0x2bb: {  	s0 =	rddreg [dreg:$0x0];
	s2 =	stileid.u32  }
0x2bc: {  	s1 =	rddreg [dreg:$0x1];
	p0 =	sne.s32 s2, $0x0  }
0x2bd: {  	s3 =	rddreg [dreg:$0x2];
	[bflag:$0x3] =	sbarrier.arrive $0xFFFF;
	s2 =	simm.s32 @!p0 $0x1C05  }
0x2be: {  	[timem:s3], [sflag:s2] =	dma.local @!p0 [hbm:s0], s1  }
0x2bf: {  	s0 =	simm.s32 @!p0 $0x5  }
0x2c0: {  	_ =	swait.ge @!p0 [sflag:s0], s1  }
0x2c1: {  	s1 =	ssub.s32 @!p0 $0x0, s1;
	[sflag:s0] =	ssyncset.done @!p0 $0x0  }
0x2c2: {  	[sflag:s0] =	ssyncadd.s32 @!p0 s1  }
0x2c3: {  	[bflag:$0x3] =	sbarrier.arrive $0xFFFF  }
0x2c4: {  	_ =	shalt  }

// kernel: sparse-core-data-format-call.cloned.1.call-start
scs
called_computation_lowered:
.L_overlay_start_0:
0x0: {  	s2 =	sld [smem:$0x3FD9]  }
0x1: {  	s3 =	sld [smem:$0x3FFE];
	_ =	sdelay $0x1  }
0x2: {  	s1 =	srdreg.scid  }
0x3: {  	s0 =	sand.u32 $0x1, s1  }
0x4: {  	s18 =	sshll.u32 s0, $0xA;
	s2 =	sadd.s32 s3, s2  }
0x5: {  	s2 =	sadd.s32 s2, s18  }
0x6: {  	[smem:$0x3FC6] =	sst s2  }
0x7: {  	_ = 	snop  }
0x8: {  	s2 =	sld [smem:$0x3FC8];
	(tm) =	ssettm $0x1  }
0x9: {  	s19 =	sld [smem:$0x3FFB];
	_ =	sdelay $0x3  }
0xa: {  	_ =	strace s19  }
0xb: {  	s3 =	sld [smem:$0x3FFC];
	_ =	sdelay $0x3  }
0xc: {  	_ =	strace s3  }
0xd: {  	s3 =	sld [smem:$0x3FFD];
	_ =	sdelay $0x3  }
0xe: {  	_ =	strace s3  }
0xf: {  	_ =	strace $0x8FFFFFFF  }
0x10: {  	s20 =	sld [smem:$0x3FDB];
	_ =	sdelay $0x1  }
0x11: {  	s4 =	simm.s32 $_scs_section_size  }
0x12: {  	s5 =	simm.s32 $_size__tile_overlayer_lowered;
	s6 =	simm.s32 $_tile_overlayer_lowered  }
0x13: {  	s23 =	simm.s32 $0x1BFF;
	s22 =	sshll.u32 s6, $0x1;
	s3 =	sadd.s32 s4, s20  }
0x14: {  	s7 =	simm.s32 $0x0;
	s21 =	sshll.u32 s5, $0x1;
	s5 =	sadd.s32 s22, s3  }
0x15: {  	[timem:s7], [sflag:s23] =	dma.local [hbm:s5], s21  }
0x16: {  	_ =	swait.ge [sflag:s23], s21  }
0x17: {  	s4 =	ssub.s32 $0x0, s21;
	[sflag:s23] =	ssyncset.done $0x0  }
0x18: {  	[sflag:s23] =	ssyncadd.s32 s4;
	_ =	sdelay $0x1  }
0x19: {  	s24 =	simm.s32 $0x1B8B  }
0x1a: {  	_ =	swait.ge [sflag:s24], $0x1  }
0x1b: {  	[sflag:s24] =	ssyncset.done $0x0  }
0x1c: {  	s26 =	simm.s32 $0x1B8E;
	s25 =	sld [smem:$0x3FFE];
	[sflag:s24] =	ssyncadd.s32 $0xFFFFFFFF  }
0x1d: {  	s27 =	simm.s32 $execute0_lowered;
	[smem:$0x3FD2] =	sst s26  }
0x1e: {  	s5 =	sshll.u32 s27, $0x1;
	_ =	strace $0x80000046;
	[dreg:$0x1] =	wrdreg $0xFFFFFFFF  }
0x1f: {  	s28 =	simm.s32 $_size_execute0_lowered;
	s3 =	sadd.s32 s3, s5;
	[dreg:$0x0] =	wrdreg $0x0  }
0x20: {  	s5 =	sshll.u32 s28, $0x1;
	[dreg:$0x2] =	wrdreg s3  }
0x21: {  	[dreg:$0x3] =	wrdreg s5  }
0x22: {  	[dreg:$0x4] =	wrdreg $0xC0  }
0x23: {  	_ =	task [dreg:s7], $0x5FFFF  }
0x24: {  	[dreg:$0x1] =	wrdreg $0xFFFFFFFF  }
0x25: {  	[dreg:$0x0] =	wrdreg $0x60  }
0x26: {  	[dreg:$0x2] =	wrdreg s2  }
0x27: {  	[dreg:$0x3] =	wrdreg s25  }
0x28: {  	[dreg:$0x4] =	wrdreg $0x9  }
0x29: {  	_ =	task.clear_ibuf [dreg:s7], $0x5FFFF;
	_ =	strace $0x90000046  }
0x2a: {  	s29 =	simm.s32 $0x9;
	_ =	strace $0x80000048  }
0x2b: {  	_ =	swait.ge [sflag:s29], $0x1  }
0x2c: {  	[sflag:s29] =	ssyncadd.s32 $0xFFFFFFFF  }
0x2d: {  	_ =	strace $0x90000048  }
0x2e: {  	_ =	sfence  }
0x2f: {  	s30 =	sld [smem:$0x0];
	_ =	sdelay $0x2  }
0x30: {  	s31 =	sshll.u32 s1, $0xD;
	s1 =	sshrl.u32 s1, $0x2  }
0x31: {  	s3 =	sand.u32 $0x4000, s31;
	s1 =	sadd.s32 s1, s30  }
0x32: {  	s0 =	sor.u32 s3, s0;
	s1 =	sshll.u32 s1, $0x11  }
0x33: {  	s0 =	sor.u32 s1, s0  }
0x34: {  	s0 =	sadd.s32 $0x8F2B, s0  }
0x35: {  	[sflag:s0] =	ssyncadd.remote.s32 $0x1  }
0x36: {  	_ =	sfence.sel $0xFFFF  }
0x37: {  	[dreg:$0x0] =	wrdreg $0xFFFFFFFF;
	(pc) =	sbr.abs _section_cstart, $3  }
0x38: {  	[dreg:$0x1] =	wrdreg $0xFFFFFFFF  }
0x39: {  	_ =	task.clear_ibuf [dreg:s7], $0x2FFFF;
	_ =	strace $0x9FFFFFFF  }
0x3a: {  	(tm) =	ssettm $0x7FFFFFFF  }
0x3b: {  	_ =	shalt  }
tec
execute0_lowered:
.L_overlay_start_1:
0x0: {  	(tag) =	ssettag $0x1  }
0x1: {  	s0 =	srdreg.scid;
	s2 =	rddreg [dreg:$0x0]  }
0x2: {  	s5 =	rddreg [dreg:$0x1];
	s1 =	stileid.u32  }
0x3: {  	s4 =	simm.s32 $0x1;
	s6 =	simm.s32 $0x2;
	s15 =	simm.s32 $0x0  }
0x4: {  	p0 =	por $0x0, $0x0;
	s8 =	simm.s32 $0x80;
	s0 =	sshll.u32 s0, $0x4  }
0x5: {  	s14 =	simm.s32 $0x0;
	s9 =	simm.s32 $0x0;
	s3 =	sand.u32 $0x10, s0  }
.Ltmp0:
0x6: {  	s10 =	simm.s32 $0x0;
	s3 =	sor.u32 s1, s3;
	(pc) =	sbr.rel .LBB1_1-.Ltmp0, $4  }
0x7: {  	s0 =	rddreg [dreg:$0x2];
	_ =	strace $0x80000047;
	s3 =	sshll.u32 s3, $0x7  }
0x8: {  	s12 =	simm.s32 $0x0;
	[sflag:s4] =	ssyncpa.u1 $0x0;
	s7 =	ssub.s32 $0xF4200, s3  }
0x9: {  	s13 =	simm.s32 $0x0;
	[sflag:s6] =	ssyncpa.u1 $0x0;
	s6 =	sshrl.u32 s7, $0xC  }
0xa: {  	s5 =	sadd.s32 $0xC00, s5;
	s11 =	smov.u32 s3;
	s7 =	sadd.s32 $0x2, s6  }
.LBB1_5:
0xb: {  	p1 =	slt.u32 s13, $0x2  }
0xc: {  	s17 =	smov.u32 s15;
	p2 =	sgt.s32 @!p1 s15, $0xF41C0;
	s16 =	sshra.s32 @!p1 s15, $0x1F  }
0xd: {  	p3 =	sgt.s32 @!p1 s14, $0x40;
	s18 =	sshra.s32 @!p1 s14, $0x1F;
	p2 =	por !p2, p1  }
0xe: {  	s15 =	sand.u32 @!p1 s16, s15;
	p3 =	por !p3, p1;
	s16 =	smov.u32 s14  }
0xf: {  	s14 =	sand.u32 @!p1 s18, s14;
	s17 =	simm.s32 @p2 $0xF41C0;
	s16 =	simm.s32 @p3 $0x40  }
0x10: {  	s15 =	ssub.s32 @!p1 s17, s15;
	s14 =	ssub.s32 @!p1 s16, s14  }
0x11: {  	s18 =	smov.u32 s12;
	s16 =	sadd.s32 @!p1 $0xFFF0BE40, s15;
	s17 =	sadd.s32 @!p1 $0xFFFFFFC0, s14  }
0x12: {  	s15 =	ssub.s32 @!p1 $0xF4240, s15;
	p2 =	sgt.s32 @!p1 s16, $0x7F;
	p3 =	sgt.s32 @!p1 s17, $0x3F  }
0x13: {  	s14 =	ssub.s32 @!p1 $0x80, s14;
	p2 =	por !p2, p1;
	p3 =	por !p3, p1  }
0x14: {  	s16 =	sadd.s32 $0x1000, s11;
	s15 =	simm.s32 @!p2 $0x0;
	s14 =	simm.s32 @!p3 $0x0  }
0x15: {  	p2 =	sgt.s32 s16, $0xF423F;
	s14 =	smul.u32 @!p1 s14, s15;
	s15 =	sadd.s32 $0x40, s12  }
0x16: {  	s18 =	smov.u32 @p2 s15  }
0x17: {  	s16 =	smov.u32 @p2 s3;
	p2 =	sgt.s32 s18, $0x3F  }
0x18: {  	s18 =	simm.s32 @p2 $0x0;
	p2 =	sne.s32 s13, s7  }
.Ltmp1:
0x19: {  	p0 =	por !p0, !p0;
	s17 =	simm.s32 @!p1 $0x2;
	(pc) =	sbr.rel @!p2 .LBB1_6-.Ltmp1, $4  }
0x1a: {  	s15 =	smov.u32 s9;
	s9 =	smov.u32 s11;
	s14 =	sand.u32 @!p1 $0x3FFFFFFF, s14  }
0x1b: {  	s11 =	smov.u32 s16;
	_ =	swait.ge @!p1 [sflag:s17], s14;
	s19 =	ssub.s32 @!p1 $0x0, s14  }
0x1c: {  	s14 =	smov.u32 s10;
	s13 =	sadd.s32 $0x1, s13;
	[sflag:s17] =	ssyncset.done @!p1 $0x0  }
0x1d: {  	s10 =	smov.u32 s12;
	s12 =	smov.u32 s18;
	[sflag:s17] =	ssyncadd.s32 @!p1 s19  }
.LBB1_1:
0x1e: {  	p1 =	sgt.u32 s13, s6  }
0x1f: {  	s16 =	sshrl.u32 @!p1 s12, $0x3  }
0x20: {  	s17 =	sshll.u32 @!p1 s11, $0x3;
	s16 =	smul.u32 @!p1 $0x7A1400, s16  }
0x21: {  	s18 =	sshll.u32 @!p1 s12, $0x7;
	s17 =	sand.u32 @!p1 $0xFFFFFC00, s17  }
0x22: {  	s16 =	sadd.s32 @!p1 s16, s17;
	s17 =	sand.u32 @!p1 $0x380, s18  }
0x23: {  	s18 =	sand.u32 @!p1 $0x7F, s11;
	s16 =	sor.u32 @!p1 s17, s16  }
0x24: {  	s17 =	sor.u32 @!p1 s18, s16  }
0x25: {  	s18 =	smulhi.u32 @!p1 $0x218D6287, s17;
	_ =	sdelay $0x1  }
0x26: {  	s16 =	smulhi.u32 @!p1 $0x218D6287, s16;
	s18 =	sshrl.u32 @!p1 s18, $0x11  }
0x27: {  	s18 =	smul.u32 @!p1 $0xF4280, s18  }
0x28: {  	s19 =	sxor.u32 @!p1 $0xFFFFFFFF, s13;
	s16 =	sshrl.u32 @!p1 s16, $0x11  }
0x29: {  	s19 =	sshll.u32 @!p1 s19, $0xD;
	s16 =	sand.u32 @!p1 $0x3F, s16;
	s17 =	ssub.s32 @!p1 s17, s18  }
0x2a: {  	s16 =	smul.u32 @!p1 $0x1E850, s16;
	s18 =	sshrl.u32 @!p1 s17, $0x3;
	s17 =	sand.u32 @!p1 $0x7, s17  }
0x2b: {  	s19 =	sand.u32 @!p1 $0x2000, s19;
	s18 =	sadd.s32 @!p1 s2, s18;
	s17 =	sshll.u32 @!p1 s17, $0x12  }
0x2c: {  	s16 =	sadd.s32 @!p1 s16, s18;
	s17 =	sor.u32 @!p1 $0x400, s17;
	s18 =	simm.s32 @!p1 $0x7A1400  }
0x2d: {  	[tilespmem:s19], [sflag:$0x1] =	stream.strided.gather @!p1 [hbm4b:s16+s17], $0x2000, s18, s17, $0x38;
	[tilespmem:$0x8100] =	vst v63  }
0x2e: {  	p1 =	seq.s32 s13, $0x0  }
0x2f: {  	p2 =	sge.u32 @!p1 s13, s7  }
0x30: {  	p1 =	por p1, p2  }
.Ltmp2:
0x31: {  	_ = 	snop;
	(pc) =	sbr.rel @p1 .LBB1_5-.Ltmp2, $1  }
0x32: {  	_ =	sdelay $0x3  }
0x33: {  	s16 =	simm.s32 $0x1  }
0x34: {  	_ =	swait.ge [sflag:s4], $0x2000;
	s16 =	simm.s32 @!p0 $0x0  }
0x35: {  	[sflag:s4] =	ssyncset.done $0x0;
	s17 =	sshll.u32 s16, $0xD  }
0x36: {  	[sflag:s4] =	ssyncadd.s32 $0xFFFFE000;
	s17 =	sor.u32 $0x40, s17  }
0x37: {  	s16 =	smul.u32 $0x8200, s16;
	v0 =	vld [tilespmem:s17+$0x30]  }
0x38: {  	v1 =	vld [tilespmem:s17+$0xFFFFFFD0]  }
0x39: {  	s16 =	sshrl.u32 s16, $0x2;
	v5 =	vld [tilespmem:s17+$0xFFFFFFE0]  }
0x3a: {  	v6 =	vld [tilespmem:s17+$0xFFFFFFF0];
	s19 =	sor.u32 $0x4000, s16  }
0x3b: {  	s31 =	sand.u32 $0x1, s13;
	v4 =	vld [tilespmem:s17+$0x0];
	s18 =	sadd.s32 $0x0, s19  }
0x3c: {  	v3 =	vld [tilespmem:s17+$0x10];
	s16 =	smul.u32 $0x8200, s31;
	[tilespmem:s18+$0x1C70 ss:$0x41] =	vst.msk $0xffff, v0  }
0x3d: {  	v2 =	vld [tilespmem:s17+$0x20];
	[tilespmem:s18+$0x410 ss:$0x41] =	vst.msk $0xffff, v1  }
0x3e: {  	s16 =	sshrl.u32 s16, $0x2;
	v1 =	vld [tilespmem:s17+$0xFFFFFFC0];
	[tilespmem:s18+$0x820 ss:$0x41] =	vst.msk $0xffff, v5;
	s17 =	sadd.s32 $0x80, s17  }
0x3f: {  	s20 =	simm.s32 $0x4;
	s21 =	simm.s32 $0x8;
	s16 =	sor.u32 $0x4000, s16;
	[tilespmem:s18+$0xC30 ss:$0x41] =	vst.msk $0xffff, v6;
	v0 =	vld [tilespmem:s17+$0x30]  }
.LBB1_3:
0x40: {  	p1 =	sne.s32 s21, $0xFC;
	v5 =	vld [tilespmem:s17+$0xFFFFFFD0];
	[tilespmem:s18+$0x1040 ss:$0x41] =	vst.msk $0xffff, v4  }
0x41: {  	v6 =	vld [tilespmem:s17+$0xFFFFFFE0];
	[tilespmem:s18+$0x1450 ss:$0x41] =	vst.msk $0xffff, v3  }
0x42: {  	s22 =	sshra.s32 s20, $0x2;
	s20 =	smov.u32 s21;
	v7 =	vld [tilespmem:s17+$0xFFFFFFF0];
	[tilespmem:s18+$0x1860 ss:$0x41] =	vst.msk $0xffff, v2  }
.Ltmp3:
0x43: {  	v4 =	vld [tilespmem:s17+$0x0];
	[tilespmem:s18+$0x0 ss:$0x41] =	vst.msk $0xffff, v1;
	s18 =	sadd.s32 s22, s19;
	(pc) =	sbr.rel @p1 .LBB1_3-.Ltmp3, $4  }
0x44: {  	v3 =	vld [tilespmem:s17+$0x10];
	[tilespmem:s18+$0x1C70 ss:$0x41] =	vst.msk $0xffff, v0  }
0x45: {  	[tilespmem:s18+$0x410 ss:$0x41] =	vst.msk $0xffff, v5;
	v2 =	vld [tilespmem:s17+$0x20]  }
0x46: {  	v1 =	vld [tilespmem:s17+$0xFFFFFFC0];
	[tilespmem:s18+$0x820 ss:$0x41] =	vst.msk $0xffff, v6;
	s17 =	sadd.s32 $0x80, s17  }
0x47: {  	s21 =	sadd.s32 $0x4, s21;
	v0 =	vld [tilespmem:s17+$0x30];
	[tilespmem:s18+$0xC30 ss:$0x41] =	vst.msk $0xffff, v7  }
0x48: {  	s21 =	sshll.u32 s9, $0x7;
	s22 =	sshll.u32 s10, $0x3;
	s20 =	sshra.s32 s20, $0x2  }
0x49: {  	p1 =	sgt.s32 s9, $0xF41C0;
	s30 =	sshra.s32 s9, $0x1F;
	s25 =	sshra.s32 s10, $0x1F  }
0x4a: {  	v5 =	vld [tilespmem:s17+$0xFFFFFFD0];
	s28 =	sshrl.u32 s10, $0x3;
	s23 =	sand.u32 $0xFFFFFC00, s21;
	s22 =	sand.u32 $0xFFFFFC00, s22  }
0x4b: {  	[tilespmem:s18+$0x1040 ss:$0x41] =	vst.msk $0xffff, v4;
	v58 =	vld [tilespmem:s17+$0xFFFFFFE0];
	s21 =	sand.u32 $0x380, s21;
	s19 =	sadd.s32 s20, s19;
	s22 =	sadd.s32 s22, s23  }
0x4c: {  	v59 =	vld [tilespmem:s17+$0xFFFFFFF0];
	[tilespmem:s18+$0x1450 ss:$0x41] =	vst.msk $0xffff, v3;
	s29 =	sor.u32 s21, s22;
	s21 =	smov.u32 s9;
	s22 =	sand.u32 s30, s9  }
0x4d: {  	v60 =	vld [tilespmem:s17+$0x0];
	[tilespmem:s18+$0x1860 ss:$0x41] =	vst.msk $0xffff, v2;
	s30 =	sand.u32 $0x7, s10;
	s20 =	sshrl.u32 s29, $0x7;
	s21 =	simm.s32 @!p1 $0xF41C0  }
0x4e: {  	v61 =	vld [tilespmem:s17+$0x10];
	[tilespmem:s18+$0x0 ss:$0x41] =	vst.msk $0xffff, v1;
	p1 =	sgt.s32 s10, $0x40;
	s24 =	ssub.s32 s21, s22;
	s21 =	smov.u32 s10  }
0x4f: {  	v62 =	vld [tilespmem:s17+$0x20];
	[tilespmem:s19+$0x1C70 ss:$0x41] =	vst.msk $0xffff, v0;
	s31 =	smulhi.u32 $0x218DEF5, s20;
	s22 =	sand.u32 s25, s10;
	s21 =	simm.s32 @!p1 $0x40  }
0x50: {  	v63 =	vld [tilespmem:s17+$0xFFFFFFC0];
	[tilespmem:s19+$0x410 ss:$0x41] =	vst.msk $0xffff, v5;
	s26 =	sadd.s32 $0xFFF0BE40, s24;
	s17 =	ssub.s32 $0xF4240, s24;
	s21 =	ssub.s32 s21, s22  }
0x51: {  	[tilespmem:s19+$0x820 ss:$0x41] =	vst.msk $0xffff, v58;
	s23 =	sshrl.u32 s31, $0xD;
	p1 =	sgt.s32 s26, $0x7F;
	s27 =	sadd.s32 $0xFFFFFFC0, s21  }
0x52: {  	[tilespmem:s19+$0xC30 ss:$0x41] =	vst.msk $0xffff, v59;
	s23 =	smul.u32 $0xF4240, s23;
	s18 =	ssub.s32 $0x80, s21;
	p2 =	sgt.s32 s27, $0x3F  }
.Ltmp4:
0x53: {  	[tilespmem:s19+$0x1040 ss:$0x41] =	vst.msk $0xffff, v60;
	s17 =	simm.s32 @p1 $0x0;
	s18 =	simm.s32 @p2 $0x0;
	(pc) =	sbr.rel .LBB1_5-.Ltmp4, $4  }
0x54: {  	s29 =	sand.u32 $0xF, s28;
	[tilespmem:s19+$0x1450 ss:$0x41] =	vst.msk $0xffff, v61;
	s20 =	ssub.s32 s20, s23;
	s17 =	smul.u32 s18, s17  }
0x55: {  	[tilespmem:s19+$0x1860 ss:$0x41] =	vst.msk $0xffff, v62;
	s21 =	sshll.u32 s30, $0x12;
	s20 =	sshll.u32 s20, $0x4;
	s18 =	sadd.s32 s5, s29  }
0x56: {  	[tilespmem:s19+$0x0 ss:$0x41] =	vst.msk $0xffff, v63;
	s31 =	sor.u32 $0x40, s21;
	s18 =	sadd.s32 s20, s18;
	s17 =	sand.u32 $0x3FFFFFFF, s17  }
0x57: {  	[hbm4b:s18+s31] =	stream.strided.scatter [tilespmem:s16], [sflag:$0x2], s17, s8, s31, $0x18;
	[tilespmem:$0x8100] =	vst v63  }
.LBB1_6:
0x58: {  	_ =	sfence.sel $0x180000  }
0x59: {  	s2 =	simm.s32 $0x1;
	[bflag:$0x0] =	sbarrier.arrive $0xFFFF  }
0x5a: {  	s31 =	simm.s32 $0x2;
	[sflag:s2] =	ssyncpa.u1 $0x1  }
0x5b: {  	[sflag:s31] =	ssyncpa.u1 $0x1  }
0x5c: {  	p0 =	sne.s32 s1, $0x0;
	_ =	strace $0x90000047  }
0x5d: {  	s0 =	sadd.s32 @!p0 $0x100000, s0;
	[bflag:$0x2] =	sbarrier.arrive $0xFFFF  }
0x5e: {  	[sflag:s0] =	ssyncadd.tile.s32 @!p0 $0x1;
	_ =	shalt  }
.Lfunc_end1:
_tile_overlayer_lowered:
.L_overlay_start_2:
0x5f: {  	(tag) =	ssettag $0x2  }
0x60: {  	s0 =	rddreg [dreg:$0x0];
	s2 =	stileid.u32  }
0x61: {  	s1 =	rddreg [dreg:$0x1];
	p0 =	sne.s32 s2, $0x0  }
0x62: {  	s3 =	rddreg [dreg:$0x2];
	[bflag:$0x3] =	sbarrier.arrive $0xFFFF;
	s2 =	simm.s32 @!p0 $0x1C01  }
0x63: {  	[timem:s3], [sflag:s2] =	dma.local @!p0 [hbm:s0], s1  }
0x64: {  	s0 =	simm.s32 @!p0 $0x1  }
0x65: {  	_ =	swait.ge @!p0 [sflag:s0], s1  }
0x66: {  	s1 =	ssub.s32 @!p0 $0x0, s1;
	[sflag:s0] =	ssyncset.done @!p0 $0x0  }
0x67: {  	[sflag:s0] =	ssyncadd.s32 @!p0 s1  }
0x68: {  	[bflag:$0x3] =	sbarrier.arrive $0xFFFF  }
0x69: {  	_ =	shalt  }

</sc_bundles>
